<compile_context>
chip_gen: v7x
topology: tpu7x:2x2x1
jax: 0.10.2.dev20260603
libtpu: 0.0.44.dev20260713+nightly
codegen_flags: <defaults>
</compile_context>

<pallas_src>
import functools

import jax
import jax.numpy as jnp
from jax import lax
from jax.experimental import pallas as pl
from jax.experimental.pallas import tpu as pltpu
from jax.experimental.pallas import tpu_sc as plsc

N = 20000
NF = 40000
NP = 20480
NFP = 40960
BQ = 1024
BDB = 5120
BIG = 1e30



def _nn_body(q_ref, db_ref, omin_ref, oidx_ref):
    q = q_ref[...]

    def step(c, carry):
        cmin, cidx = carry
        m = db_ref[:, pl.ds(c * BDB, BDB)]
        d = lax.dot_general(q, m, (((1,), (0,)), ((), ())),
                            preferred_element_type=jnp.float32
                            ).astype(jnp.bfloat16)
        for j in range(BDB // 128):
            dj = d[:, j * 128:(j + 1) * 128]
            slotv = jnp.full((BQ, 128), (c * (BDB // 128) + j),
                             jnp.bfloat16)
            upd = dj < cmin
            cmin = jnp.where(upd, dj, cmin)
            cidx = jnp.where(upd, slotv, cidx)
        return cmin, cidx

    init = (jnp.full((BQ, 128), jnp.inf, jnp.bfloat16),
            jnp.zeros((BQ, 128), jnp.bfloat16))
    cmin, cidx = lax.fori_loop(0, NP // BDB, step, init)
    cminf = cmin.astype(jnp.float32)
    rmin = jnp.min(cminf, axis=1, keepdims=True)
    lane = lax.broadcasted_iota(jnp.int32, (BQ, 128), 1)
    col = cidx.astype(jnp.float32).astype(jnp.int32) * 128 + lane
    ridx = jnp.min(jnp.where(cminf == rmin, col, jnp.int32(2**30)),
                   axis=1, keepdims=True)
    omin_ref[...] = rmin
    oidx_ref[...] = ridx


def _nn_call(q_bf, db_bf):
    return pl.pallas_call(
        _nn_body,
        grid=(NP // BQ,),
        in_specs=[
            pl.BlockSpec((BQ, 8), lambda i: (i, 0)),
            pl.BlockSpec((8, NP), lambda i: (0, 0)),
        ],
        out_specs=[
            pl.BlockSpec((BQ, 1), lambda i: (i, 0)),
            pl.BlockSpec((BQ, 1), lambda i: (i, 0)),
        ],
        out_shape=[
            jax.ShapeDtypeStruct((NP, 1), jnp.float32),
            jax.ShapeDtypeStruct((NP, 1), jnp.int32),
        ],
        compiler_params=pltpu.CompilerParams(
            dimension_semantics=("parallel",)),
    )(q_bf, db_bf)



_NC = 2
_NS = 16
_NW = _NC * _NS
_CH = 128


def _face_gather_body(sv_hbm, f0_hbm, f1_hbm, f2_hbm,
                      ov0_hbm, ov1_hbm, ov2_hbm, idx_v, rows_v, sem):
    wid = lax.axis_index("s") * _NC + lax.axis_index("c")
    nper = NFP // _NW
    base = wid * nper
    for idx_hbm, out_hbm in ((f0_hbm, ov0_hbm), (f1_hbm, ov1_hbm),
                             (f2_hbm, ov2_hbm)):
        pltpu.sync_copy(idx_hbm.at[pl.ds(base, nper)], idx_v.at[pl.ds(0, nper)])
        for j in range(nper // _CH):
            pltpu.async_copy(
                sv_hbm.at[idx_v.at[pl.ds(j * _CH, _CH)]],
                rows_v,
                sem,
            ).wait()
            pltpu.sync_copy(rows_v, out_hbm.at[pl.ds(base + j * _CH, _CH)])


@functools.lru_cache(maxsize=1)
def _face_gather_fn():
    return pl.kernel(
        _face_gather_body,
        mesh=plsc.VectorSubcoreMesh(core_axis_name="c", subcore_axis_name="s",
                                    num_cores=_NC, num_subcores=_NS),
        out_type=[
            jax.ShapeDtypeStruct((NFP, 4), jnp.float32),
            jax.ShapeDtypeStruct((NFP, 4), jnp.float32),
            jax.ShapeDtypeStruct((NFP, 4), jnp.float32),
        ],
        scratch_types=[
            pltpu.VMEM((NFP // _NW,), jnp.int32),
            pltpu.VMEM((_CH, 4), jnp.float32),
            pltpu.SemaphoreType.DMA,
        ],
        compiler_params=pltpu.CompilerParams(use_tc_tiling_on_sc=False),
    )


def _norm_gather_body(tab_hbm, idx_hbm, out_hbm, idx_v, rows_v, sem):
    wid = lax.axis_index("s") * _NC + lax.axis_index("c")
    nper = NP // _NW
    base = wid * nper
    pltpu.sync_copy(idx_hbm.at[pl.ds(base, nper)], idx_v.at[pl.ds(0, nper)])
    for j in range(nper // _CH):
        pltpu.async_copy(
            tab_hbm.at[idx_v.at[pl.ds(j * _CH, _CH)]],
            rows_v,
            sem,
        ).wait()
        pltpu.sync_copy(rows_v, out_hbm.at[pl.ds(base + j * _CH, _CH)])


@functools.lru_cache(maxsize=1)
def _norm_gather_fn():
    return pl.kernel(
        _norm_gather_body,
        mesh=plsc.VectorSubcoreMesh(core_axis_name="c", subcore_axis_name="s",
                                    num_cores=_NC, num_subcores=_NS),
        out_type=jax.ShapeDtypeStruct((NP, 4), jnp.float32),
        scratch_types=[
            pltpu.VMEM((NP // _NW,), jnp.int32),
            pltpu.VMEM((_CH, 4), jnp.float32),
            pltpu.SemaphoreType.DMA,
        ],
        compiler_params=pltpu.CompilerParams(use_tc_tiling_on_sc=False),
    )




def _fin_body(dxy_ref, dyx_ref, sn_ref, tn_ref, gxy_ref, gyx_ref,
              v0_ref, v1_ref, v2_ref, out_ref):
    col_n = lax.broadcasted_iota(jnp.int32, (1, NP), 1)
    mask_n = (col_n < N).astype(jnp.float32)
    inv_n = jnp.float32(1.0 / N)

    cham_dist = (jnp.sum(dxy_ref[...] * mask_n)
                 + jnp.sum(dyx_ref[...] * mask_n)) * inv_n

    def cos_dist(a, b):
        num = jnp.sum(a * b, axis=0, keepdims=True)
        den = (jnp.sqrt(jnp.sum(a * a, axis=0, keepdims=True))
               * jnp.sqrt(jnp.sum(b * b, axis=0, keepdims=True)) + 1e-8)
        return jnp.sum((1.0 - jnp.abs(num / den)) * mask_n) * inv_n

    cham_norm = (cos_dist(sn_ref[...][:3], gxy_ref[...][:3])
                 + cos_dist(tn_ref[...][:3], gyx_ref[...][:3]))
    loss_chamfer = cham_dist * 0.8 + cham_norm * 0.2

    col_f = lax.broadcasted_iota(jnp.int32, (1, NFP), 1)
    mask_f = (col_f < NF).astype(jnp.float32)
    inv_f = jnp.float32(1.0 / NF)
    v0 = v0_ref[...][:3]
    v1 = v1_ref[...][:3]
    v2 = v2_ref[...][:3]

    def elen(a, b):
        d = a - b
        return jnp.sqrt(jnp.sum(d * d, axis=0, keepdims=True))

    e0 = elen(v0, v1)
    e1 = elen(v1, v2)
    e2 = elen(v2, v0)
    fmean = lambda x: jnp.sum(x * mask_f) * inv_f
    avg_len = fmean(e0 + e1 + e2) / 3.0
    l1 = lambda a, b: fmean(jnp.abs(a - b))
    loss_face = (l1(e0, e1) + l1(e1, e2) + l1(e2, e0)
                 + l1(e0, avg_len) + l1(e1, avg_len) + l1(e2, avg_len))
    loss_edge = (fmean((e0 - avg_len) ** 2) + fmean((e1 - avg_len) ** 2)
                 + fmean((e2 - avg_len) ** 2)) / 3.0

    total = loss_chamfer * 0.8 + loss_edge * 0.2 + loss_face * 0.1
    out_ref[...] = jnp.reshape(total, (1, 1))


def _fin_call(dxy, dyx, sn4, tn4, gxy, gyx, v0, v1, v2):
    return pl.pallas_call(
        _fin_body,
        out_shape=jax.ShapeDtypeStruct((1, 1), jnp.float32),
    )(dxy, dyx, sn4, tn4, gxy, gyx, v0, v1, v2)




def _hilo(x):
    hi = x.astype(jnp.bfloat16).astype(jnp.float32)
    return hi, x - hi


def _prep_queries(v):
    sq = jnp.sum(v * v, axis=1, keepdims=True)
    hi, lo = _hilo(sq)
    a = jnp.concatenate([v, jnp.ones((N, 2), jnp.float32), hi, lo], axis=1)
    return jnp.pad(a, ((0, NP - N), (0, 1))).astype(jnp.bfloat16)


def _prep_db(v):
    sq = jnp.pad(jnp.sum(v * v, axis=1), (0, NP - N), constant_values=BIG)
    hi, lo = _hilo(sq)
    ones = jnp.ones((2, NP), jnp.float32)
    a = jnp.concatenate([jnp.pad(-2.0 * v.T, ((0, 0), (0, NP - N))),
                         hi[None, :], lo[None, :], ones], axis=0)
    return jnp.pad(a, ((0, 1), (0, 0))).astype(jnp.bfloat16)


def _pad4(t):
    return jnp.pad(t, ((0, 0), (0, 1)))


def kernel(src_verts, src_normals, trg_verts, trg_normals, faces):
    sq_bf = _prep_queries(src_verts)
    tq_bf = _prep_queries(trg_verts)
    sdb_bf = _prep_db(src_verts)
    tdb_bf = _prep_db(trg_verts)

    fpad = jnp.pad(faces, ((0, NFP - NF), (0, 0)))
    gv0, gv1, gv2 = _face_gather_fn()(
        _pad4(src_verts), fpad[:, 0], fpad[:, 1], fpad[:, 2])

    dxy, ixy = _nn_call(sq_bf, tdb_bf)
    gxy = _norm_gather_fn()(_pad4(trg_normals), ixy.reshape(NP))
    dyx, iyx = _nn_call(tq_bf, sdb_bf)
    gyx = _norm_gather_fn()(_pad4(src_normals), iyx.reshape(NP))

    sn_t = jnp.pad(src_normals.T, ((0, 0), (0, NP - N)))
    tn_t = jnp.pad(trg_normals.T, ((0, 0), (0, NP - N)))
    out = _fin_call(dxy.T, dyx.T, sn_t, tn_t, gxy.T, gyx.T,
                    gv0.T, gv1.T, gv2.T)
    return out.reshape(())

# --- scband reference (transcript-rebuilt; emitter-appended) ---
"""Pipeline reference for scband-mesh2-mesh-optimizer-51204600103496 (READ-ONLY COPY).

The authoritative reference and input builder live on the scoring server;
editing this copy changes nothing except your own understanding.
"""

import jax, jax.numpy as jnp
import numpy as np

N_SRC = 20000
N_TRG = 20000
N_FACES = 40000
CHUNK = 2000


def setup_inputs(seed: int = 0) -> dict:
    key = jax.random.key(seed)
    k1, k2, k3, k4, k5 = jax.random.split(key, 5)
    src_verts = jax.random.normal(k1, (N_SRC, 3), dtype=jnp.float32)
    src_normals = jax.random.normal(k2, (N_SRC, 3), dtype=jnp.float32)
    trg_verts = jax.random.normal(k3, (N_TRG, 3), dtype=jnp.float32)
    trg_normals = jax.random.normal(k4, (N_TRG, 3), dtype=jnp.float32)
    faces = jax.random.randint(k5, (N_FACES, 3), 0, N_SRC, dtype=jnp.int32)
    return {"src_verts": src_verts, "src_normals": src_normals,
            "trg_verts": trg_verts, "trg_normals": trg_normals, "faces": faces}


def _nn_query(q, db, chunk=CHUNK):
    """Brute-force 1-NN: returns (min sq dist, argmin idx) of each q row vs db."""
    db_sq = jnp.sum(db * db, axis=1)
    qc = q.reshape(-1, chunk, q.shape[1])

    def body(qi):
        d = jnp.sum(qi * qi, axis=1, keepdims=True) + db_sq[None, :] - 2.0 * (qi @ db.T)
        return jnp.min(d, axis=1), jnp.argmin(d, axis=1)

    dmin, idx = jax.lax.map(body, qc)
    return dmin.reshape(-1), idx.reshape(-1)


def _cos_norm_dist(a, b):
    num = jnp.sum(a * b, axis=1)
    den = jnp.linalg.norm(a, axis=1) * jnp.linalg.norm(b, axis=1) + 1e-8
    return jnp.mean(1.0 - jnp.abs(num / den))


def _losses(src_verts, src_normals, trg_verts, trg_normals, faces):
    # chamfer_distance with normals (pytorch3d semantics, abs cosine)
    d_xy, i_xy = _nn_query(src_verts, trg_verts)
    d_yx, i_yx = _nn_query(trg_verts, src_verts)
    cham_dist = jnp.mean(d_xy) + jnp.mean(d_yx)
    cham_norm = _cos_norm_dist(src_normals, trg_normals[i_xy]) + _cos_norm_dist(trg_normals, src_normals[i_yx])
    loss_chamfer = cham_dist * 0.8 + cham_norm * 0.2

    # mesh_edge_loss_custom
    v0 = src_verts[faces[:, 0]]
    v1 = src_verts[faces[:, 1]]
    v2 = src_verts[faces[:, 2]]
    e0 = jnp.linalg.norm(v0 - v1, axis=1)
    e1 = jnp.linalg.norm(v1 - v2, axis=1)
    e2 = jnp.linalg.norm(v2 - v0, axis=1)
    avg_len = jnp.mean(e0 + e1 + e2) / 3.0
    l1 = lambda a, b: jnp.mean(jnp.abs(a - b))
    loss_face = (l1(e0, e1) + l1(e1, e2) + l1(e2, e0)
                 + l1(e0, avg_len) + l1(e1, avg_len) + l1(e2, avg_len))

    # mesh_edge_loss with target_length = detached avg_len
    avg_len_d = jax.lax.stop_gradient(avg_len)
    loss_edge = (jnp.mean((e0 - avg_len_d) ** 2)
                 + jnp.mean((e1 - avg_len_d) ** 2)
                 + jnp.mean((e2 - avg_len_d) ** 2)) / 3.0

    w_chamfer, w_edge, w_face = 0.8, 0.2, 0.1
    total = loss_chamfer * w_chamfer + loss_edge * w_edge + loss_face * w_face
    return total


def reference(src_verts, src_normals, trg_verts, trg_normals, faces):
    return _losses(src_verts, src_normals, trg_verts, trg_normals, faces)

if __name__ == "__main__":
    import jax
    _d = setup_inputs()
    print(jax.jit(kernel)(*tuple(_d.values())))

</pallas_src>

<mosaic_0001>
#map = affine_map<(d0, d1) -> (0, 0)>
#map1 = affine_map<(d0, d1) -> (0)>
module attributes {stable_mosaic.version = 14 : i64} {
  func.func @_norm_gather_body(%arg0: i32, %arg1: i32, %arg2: memref<20000x4xf32, #tpu.memory_space<hbm>>, %arg3: memref<20480xi32, #tpu.memory_space<hbm>>, %arg4: memref<20480x4xf32, #tpu.memory_space<hbm>>, %arg5: memref<640xi32, #tpu.memory_space<vmem>>, %arg6: memref<128x4xf32, #tpu.memory_space<vmem>>, %arg7: memref<!tpu.dma_semaphore, #tpu.memory_space<semaphore_mem>>) attributes {dimension_semantics = [#tpu.dimension_semantics<core_parallel>, #tpu.dimension_semantics<subcore_parallel>], iteration_bounds = array<i64: 2, 16>, scalar_prefetch = 0 : i64, scratch_operands = 3 : i64, tpu.core_type = #tpu.core_type<sc_vector_subcore>, window_params = [{transform_indices = #map}, {transform_indices = #map1}, {transform_indices = #map}]} {
    %mul3A = arith.constant 2 : i32
    %mul3A_0 = arith.muli %arg1, %mul3A : i32
    %add3A = arith.addi %mul3A_0, %arg0 : i32
    %mul3A_1 = arith.constant 640 : i32
    %mul3A_2 = arith.muli %add3A, %mul3A_1 : i32
    "tpu.region"() ({
      %run_scoped3A = tpu.sem_alloc : memref<!tpu.dma_semaphore, #tpu.memory_space<semaphore_mem>>
      %dma_start3A_61 = arith.constant 0 : i32
      %dma_start3A_62 = tpu.memref_slice %arg5[%dma_start3A_61] : memref<640xi32, #tpu.memory_space<vmem>> -> memref<640xi32, #tpu.memory_space<vmem>>
      %dma_start3A_63 = tpu.memref_slice %arg3[%mul3A_2] : memref<20480xi32, #tpu.memory_space<hbm>> -> memref<640xi32, #tpu.memory_space<hbm>>
      %dma_start3A_64 = arith.constant 0 : i32
      %dma_start3A_65 = tpu.memref_slice %arg5[%dma_start3A_64] : memref<640xi32, #tpu.memory_space<vmem>> -> memref<640xi32, #tpu.memory_space<vmem>>
      %dma_start3A_66 = tpu.memref_slice %arg3[%mul3A_2] : memref<20480xi32, #tpu.memory_space<hbm>> -> memref<640xi32, #tpu.memory_space<hbm>>
      tpu.enqueue_dma source(%dma_start3A_66 : memref<640xi32, #tpu.memory_space<hbm>>) target(%dma_start3A_65 : memref<640xi32, #tpu.memory_space<vmem>>) target_semaphore(%run_scoped3A : memref<!tpu.dma_semaphore, #tpu.memory_space<semaphore_mem>>)
      %dma_wait3A_67 = arith.constant 0 : i32
      %dma_wait3A_68 = tpu.memref_slice %arg5[%dma_wait3A_67] : memref<640xi32, #tpu.memory_space<vmem>> -> memref<640xi32, #tpu.memory_space<vmem>>
      %dma_wait3A_69 = tpu.memref_slice %arg3[%mul3A_2] : memref<20480xi32, #tpu.memory_space<hbm>> -> memref<640xi32, #tpu.memory_space<hbm>>
      %dma_wait3A_70 = arith.constant 0 : i32
      %dma_wait3A_71 = tpu.memref_slice %arg5[%dma_wait3A_70] : memref<640xi32, #tpu.memory_space<vmem>> -> memref<640xi32, #tpu.memory_space<vmem>>
      %dma_wait3A_72 = tpu.memref_slice %arg3[%mul3A_2] : memref<20480xi32, #tpu.memory_space<hbm>> -> memref<640xi32, #tpu.memory_space<hbm>>
      tpu.wait_dma2 semaphore(%run_scoped3A : memref<!tpu.dma_semaphore, #tpu.memory_space<semaphore_mem>>) src(%dma_wait3A_72 : memref<640xi32, #tpu.memory_space<hbm>>) dst(%dma_wait3A_71 : memref<640xi32, #tpu.memory_space<vmem>>)
      tpu.yield
    }) : () -> ()
    %dma_start3A = arith.constant 0 : i32
    %dma_start3A_3 = tpu.memref_slice %arg5[%dma_start3A] : memref<640xi32, #tpu.memory_space<vmem>> -> memref<128xi32, #tpu.memory_space<vmem>>
    %dma_start3A_4 = arith.constant 0 : i32
    %dma_start3A_5 = arith.constant 0 : i32
    %dma_start3A_6 = tpu.memref_slice %arg2[%dma_start3A_4, %dma_start3A_5] : memref<20000x4xf32, #tpu.memory_space<hbm>> -> memref<20000x4xf32, #tpu.memory_space<hbm>>
    tpu.enqueue_indirect_dma source(%dma_start3A_6 : memref<20000x4xf32, #tpu.memory_space<hbm>>) target(%arg6 : memref<128x4xf32, #tpu.memory_space<vmem>>) offsets(%dma_start3A_3 : memref<128xi32, #tpu.memory_space<vmem>>) semaphore(%arg7 : memref<!tpu.dma_semaphore, #tpu.memory_space<semaphore_mem>>)
    %dma_wait3A = arith.constant 0 : i32
    %dma_wait3A_7 = tpu.memref_slice %arg5[%dma_wait3A] : memref<640xi32, #tpu.memory_space<vmem>> -> memref<128xi32, #tpu.memory_space<vmem>>
    %dma_wait3A_8 = arith.constant 0 : i32
    %dma_wait3A_9 = arith.constant 0 : i32
    %dma_wait3A_10 = tpu.memref_slice %arg2[%dma_wait3A_8, %dma_wait3A_9] : memref<20000x4xf32, #tpu.memory_space<hbm>> -> memref<20000x4xf32, #tpu.memory_space<hbm>>
    tpu.wait_indirect_dma semaphore(%arg7 : memref<!tpu.dma_semaphore, #tpu.memory_space<semaphore_mem>>) src(%dma_wait3A_10 : memref<20000x4xf32, #tpu.memory_space<hbm>>) dst(%arg6 : memref<128x4xf32, #tpu.memory_space<vmem>>)
    %add3A_11 = arith.constant 0 : i32
    %add3A_12 = arith.addi %mul3A_2, %add3A_11 : i32
    "tpu.region"() ({
      %run_scoped3A = tpu.sem_alloc : memref<!tpu.dma_semaphore, #tpu.memory_space<semaphore_mem>>
      %dma_start3A_61 = arith.constant 0 : i32
      %dma_start3A_62 = tpu.memref_slice %arg4[%add3A_12, %dma_start3A_61] : memref<20480x4xf32, #tpu.memory_space<hbm>> -> memref<128x4xf32, #tpu.memory_space<hbm>>
      %dma_start3A_63 = arith.constant 0 : i32
      %dma_start3A_64 = tpu.memref_slice %arg4[%add3A_12, %dma_start3A_63] : memref<20480x4xf32, #tpu.memory_space<hbm>> -> memref<128x4xf32, #tpu.memory_space<hbm>>
      tpu.enqueue_dma source(%arg6 : memref<128x4xf32, #tpu.memory_space<vmem>>) target(%dma_start3A_64 : memref<128x4xf32, #tpu.memory_space<hbm>>) target_semaphore(%run_scoped3A : memref<!tpu.dma_semaphore, #tpu.memory_space<semaphore_mem>>)
      %dma_wait3A_65 = arith.constant 0 : i32
      %dma_wait3A_66 = tpu.memref_slice %arg4[%add3A_12, %dma_wait3A_65] : memref<20480x4xf32, #tpu.memory_space<hbm>> -> memref<128x4xf32, #tpu.memory_space<hbm>>
      %dma_wait3A_67 = arith.constant 0 : i32
      %dma_wait3A_68 = tpu.memref_slice %arg4[%add3A_12, %dma_wait3A_67] : memref<20480x4xf32, #tpu.memory_space<hbm>> -> memref<128x4xf32, #tpu.memory_space<hbm>>
      tpu.wait_dma2 semaphore(%run_scoped3A : memref<!tpu.dma_semaphore, #tpu.memory_space<semaphore_mem>>) src(%arg6 : memref<128x4xf32, #tpu.memory_space<vmem>>) dst(%dma_wait3A_68 : memref<128x4xf32, #tpu.memory_space<hbm>>)
      tpu.yield
    }) : () -> ()
    %dma_start3A_13 = arith.constant 128 : i32
    %dma_start3A_14 = tpu.memref_slice %arg5[%dma_start3A_13] : memref<640xi32, #tpu.memory_space<vmem>> -> memref<128xi32, #tpu.memory_space<vmem>>
    %dma_start3A_15 = arith.constant 0 : i32
    %dma_start3A_16 = arith.constant 0 : i32
    %dma_start3A_17 = tpu.memref_slice %arg2[%dma_start3A_15, %dma_start3A_16] : memref<20000x4xf32, #tpu.memory_space<hbm>> -> memref<20000x4xf32, #tpu.memory_space<hbm>>
    tpu.enqueue_indirect_dma source(%dma_start3A_17 : memref<20000x4xf32, #tpu.memory_space<hbm>>) target(%arg6 : memref<128x4xf32, #tpu.memory_space<vmem>>) offsets(%dma_start3A_14 : memref<128xi32, #tpu.memory_space<vmem>>) semaphore(%arg7 : memref<!tpu.dma_semaphore, #tpu.memory_space<semaphore_mem>>)
    %dma_wait3A_18 = arith.constant 128 : i32
    %dma_wait3A_19 = tpu.memref_slice %arg5[%dma_wait3A_18] : memref<640xi32, #tpu.memory_space<vmem>> -> memref<128xi32, #tpu.memory_space<vmem>>
    %dma_wait3A_20 = arith.constant 0 : i32
    %dma_wait3A_21 = arith.constant 0 : i32
    %dma_wait3A_22 = tpu.memref_slice %arg2[%dma_wait3A_20, %dma_wait3A_21] : memref<20000x4xf32, #tpu.memory_space<hbm>> -> memref<20000x4xf32, #tpu.memory_space<hbm>>
    tpu.wait_indirect_dma semaphore(%arg7 : memref<!tpu.dma_semaphore, #tpu.memory_space<semaphore_mem>>) src(%dma_wait3A_22 : memref<20000x4xf32, #tpu.memory_space<hbm>>) dst(%arg6 : memref<128x4xf32, #tpu.memory_space<vmem>>)
    %add3A_23 = arith.constant 128 : i32
    %add3A_24 = arith.addi %mul3A_2, %add3A_23 : i32
    "tpu.region"() ({
      %run_scoped3A = tpu.sem_alloc : memref<!tpu.dma_semaphore, #tpu.memory_space<semaphore_mem>>
      %dma_start3A_61 = arith.constant 0 : i32
      %dma_start3A_62 = tpu.memref_slice %arg4[%add3A_24, %dma_start3A_61] : memref<20480x4xf32, #tpu.memory_space<hbm>> -> memref<128x4xf32, #tpu.memory_space<hbm>>
      %dma_start3A_63 = arith.constant 0 : i32
      %dma_start3A_64 = tpu.memref_slice %arg4[%add3A_24, %dma_start3A_63] : memref<20480x4xf32, #tpu.memory_space<hbm>> -> memref<128x4xf32, #tpu.memory_space<hbm>>
      tpu.enqueue_dma source(%arg6 : memref<128x4xf32, #tpu.memory_space<vmem>>) target(%dma_start3A_64 : memref<128x4xf32, #tpu.memory_space<hbm>>) target_semaphore(%run_scoped3A : memref<!tpu.dma_semaphore, #tpu.memory_space<semaphore_mem>>)
      %dma_wait3A_65 = arith.constant 0 : i32
      %dma_wait3A_66 = tpu.memref_slice %arg4[%add3A_24, %dma_wait3A_65] : memref<20480x4xf32, #tpu.memory_space<hbm>> -> memref<128x4xf32, #tpu.memory_space<hbm>>
      %dma_wait3A_67 = arith.constant 0 : i32
      %dma_wait3A_68 = tpu.memref_slice %arg4[%add3A_24, %dma_wait3A_67] : memref<20480x4xf32, #tpu.memory_space<hbm>> -> memref<128x4xf32, #tpu.memory_space<hbm>>
      tpu.wait_dma2 semaphore(%run_scoped3A : memref<!tpu.dma_semaphore, #tpu.memory_space<semaphore_mem>>) src(%arg6 : memref<128x4xf32, #tpu.memory_space<vmem>>) dst(%dma_wait3A_68 : memref<128x4xf32, #tpu.memory_space<hbm>>)
      tpu.yield
    }) : () -> ()
    %dma_start3A_25 = arith.constant 256 : i32
    %dma_start3A_26 = tpu.memref_slice %arg5[%dma_start3A_25] : memref<640xi32, #tpu.memory_space<vmem>> -> memref<128xi32, #tpu.memory_space<vmem>>
    %dma_start3A_27 = arith.constant 0 : i32
    %dma_start3A_28 = arith.constant 0 : i32
    %dma_start3A_29 = tpu.memref_slice %arg2[%dma_start3A_27, %dma_start3A_28] : memref<20000x4xf32, #tpu.memory_space<hbm>> -> memref<20000x4xf32, #tpu.memory_space<hbm>>
    tpu.enqueue_indirect_dma source(%dma_start3A_29 : memref<20000x4xf32, #tpu.memory_space<hbm>>) target(%arg6 : memref<128x4xf32, #tpu.memory_space<vmem>>) offsets(%dma_start3A_26 : memref<128xi32, #tpu.memory_space<vmem>>) semaphore(%arg7 : memref<!tpu.dma_semaphore, #tpu.memory_space<semaphore_mem>>)
    %dma_wait3A_30 = arith.constant 256 : i32
    %dma_wait3A_31 = tpu.memref_slice %arg5[%dma_wait3A_30] : memref<640xi32, #tpu.memory_space<vmem>> -> memref<128xi32, #tpu.memory_space<vmem>>
    %dma_wait3A_32 = arith.constant 0 : i32
    %dma_wait3A_33 = arith.constant 0 : i32
    %dma_wait3A_34 = tpu.memref_slice %arg2[%dma_wait3A_32, %dma_wait3A_33] : memref<20000x4xf32, #tpu.memory_space<hbm>> -> memref<20000x4xf32, #tpu.memory_space<hbm>>
    tpu.wait_indirect_dma semaphore(%arg7 : memref<!tpu.dma_semaphore, #tpu.memory_space<semaphore_mem>>) src(%dma_wait3A_34 : memref<20000x4xf32, #tpu.memory_space<hbm>>) dst(%arg6 : memref<128x4xf32, #tpu.memory_space<vmem>>)
    %add3A_35 = arith.constant 256 : i32
    %add3A_36 = arith.addi %mul3A_2, %add3A_35 : i32
    "tpu.region"() ({
      %run_scoped3A = tpu.sem_alloc : memref<!tpu.dma_semaphore, #tpu.memory_space<semaphore_mem>>
      %dma_start3A_61 = arith.constant 0 : i32
      %dma_start3A_62 = tpu.memref_slice %arg4[%add3A_36, %dma_start3A_61] : memref<20480x4xf32, #tpu.memory_space<hbm>> -> memref<128x4xf32, #tpu.memory_space<hbm>>
      %dma_start3A_63 = arith.constant 0 : i32
      %dma_start3A_64 = tpu.memref_slice %arg4[%add3A_36, %dma_start3A_63] : memref<20480x4xf32, #tpu.memory_space<hbm>> -> memref<128x4xf32, #tpu.memory_space<hbm>>
      tpu.enqueue_dma source(%arg6 : memref<128x4xf32, #tpu.memory_space<vmem>>) target(%dma_start3A_64 : memref<128x4xf32, #tpu.memory_space<hbm>>) target_semaphore(%run_scoped3A : memref<!tpu.dma_semaphore, #tpu.memory_space<semaphore_mem>>)
      %dma_wait3A_65 = arith.constant 0 : i32
      %dma_wait3A_66 = tpu.memref_slice %arg4[%add3A_36, %dma_wait3A_65] : memref<20480x4xf32, #tpu.memory_space<hbm>> -> memref<128x4xf32, #tpu.memory_space<hbm>>
      %dma_wait3A_67 = arith.constant 0 : i32
      %dma_wait3A_68 = tpu.memref_slice %arg4[%add3A_36, %dma_wait3A_67] : memref<20480x4xf32, #tpu.memory_space<hbm>> -> memref<128x4xf32, #tpu.memory_space<hbm>>
      tpu.wait_dma2 semaphore(%run_scoped3A : memref<!tpu.dma_semaphore, #tpu.memory_space<semaphore_mem>>) src(%arg6 : memref<128x4xf32, #tpu.memory_space<vmem>>) dst(%dma_wait3A_68 : memref<128x4xf32, #tpu.memory_space<hbm>>)
      tpu.yield
    }) : () -> ()
    %dma_start3A_37 = arith.constant 384 : i32
    %dma_start3A_38 = tpu.memref_slice %arg5[%dma_start3A_37] : memref<640xi32, #tpu.memory_space<vmem>> -> memref<128xi32, #tpu.memory_space<vmem>>
    %dma_start3A_39 = arith.constant 0 : i32
    %dma_start3A_40 = arith.constant 0 : i32
    %dma_start3A_41 = tpu.memref_slice %arg2[%dma_start3A_39, %dma_start3A_40] : memref<20000x4xf32, #tpu.memory_space<hbm>> -> memref<20000x4xf32, #tpu.memory_space<hbm>>
    tpu.enqueue_indirect_dma source(%dma_start3A_41 : memref<20000x4xf32, #tpu.memory_space<hbm>>) target(%arg6 : memref<128x4xf32, #tpu.memory_space<vmem>>) offsets(%dma_start3A_38 : memref<128xi32, #tpu.memory_space<vmem>>) semaphore(%arg7 : memref<!tpu.dma_semaphore, #tpu.memory_space<semaphore_mem>>)
    %dma_wait3A_42 = arith.constant 384 : i32
    %dma_wait3A_43 = tpu.memref_slice %arg5[%dma_wait3A_42] : memref<640xi32, #tpu.memory_space<vmem>> -> memref<128xi32, #tpu.memory_space<vmem>>
    %dma_wait3A_44 = arith.constant 0 : i32
    %dma_wait3A_45 = arith.constant 0 : i32
    %dma_wait3A_46 = tpu.memref_slice %arg2[%dma_wait3A_44, %dma_wait3A_45] : memref<20000x4xf32, #tpu.memory_space<hbm>> -> memref<20000x4xf32, #tpu.memory_space<hbm>>
    tpu.wait_indirect_dma semaphore(%arg7 : memref<!tpu.dma_semaphore, #tpu.memory_space<semaphore_mem>>) src(%dma_wait3A_46 : memref<20000x4xf32, #tpu.memory_space<hbm>>) dst(%arg6 : memref<128x4xf32, #tpu.memory_space<vmem>>)
    %add3A_47 = arith.constant 384 : i32
    %add3A_48 = arith.addi %mul3A_2, %add3A_47 : i32
    "tpu.region"() ({
      %run_scoped3A = tpu.sem_alloc : memref<!tpu.dma_semaphore, #tpu.memory_space<semaphore_mem>>
      %dma_start3A_61 = arith.constant 0 : i32
      %dma_start3A_62 = tpu.memref_slice %arg4[%add3A_48, %dma_start3A_61] : memref<20480x4xf32, #tpu.memory_space<hbm>> -> memref<128x4xf32, #tpu.memory_space<hbm>>
      %dma_start3A_63 = arith.constant 0 : i32
      %dma_start3A_64 = tpu.memref_slice %arg4[%add3A_48, %dma_start3A_63] : memref<20480x4xf32, #tpu.memory_space<hbm>> -> memref<128x4xf32, #tpu.memory_space<hbm>>
      tpu.enqueue_dma source(%arg6 : memref<128x4xf32, #tpu.memory_space<vmem>>) target(%dma_start3A_64 : memref<128x4xf32, #tpu.memory_space<hbm>>) target_semaphore(%run_scoped3A : memref<!tpu.dma_semaphore, #tpu.memory_space<semaphore_mem>>)
      %dma_wait3A_65 = arith.constant 0 : i32
      %dma_wait3A_66 = tpu.memref_slice %arg4[%add3A_48, %dma_wait3A_65] : memref<20480x4xf32, #tpu.memory_space<hbm>> -> memref<128x4xf32, #tpu.memory_space<hbm>>
      %dma_wait3A_67 = arith.constant 0 : i32
      %dma_wait3A_68 = tpu.memref_slice %arg4[%add3A_48, %dma_wait3A_67] : memref<20480x4xf32, #tpu.memory_space<hbm>> -> memref<128x4xf32, #tpu.memory_space<hbm>>
      tpu.wait_dma2 semaphore(%run_scoped3A : memref<!tpu.dma_semaphore, #tpu.memory_space<semaphore_mem>>) src(%arg6 : memref<128x4xf32, #tpu.memory_space<vmem>>) dst(%dma_wait3A_68 : memref<128x4xf32, #tpu.memory_space<hbm>>)
      tpu.yield
    }) : () -> ()
    %dma_start3A_49 = arith.constant 512 : i32
    %dma_start3A_50 = tpu.memref_slice %arg5[%dma_start3A_49] : memref<640xi32, #tpu.memory_space<vmem>> -> memref<128xi32, #tpu.memory_space<vmem>>
    %dma_start3A_51 = arith.constant 0 : i32
    %dma_start3A_52 = arith.constant 0 : i32
    %dma_start3A_53 = tpu.memref_slice %arg2[%dma_start3A_51, %dma_start3A_52] : memref<20000x4xf32, #tpu.memory_space<hbm>> -> memref<20000x4xf32, #tpu.memory_space<hbm>>
    tpu.enqueue_indirect_dma source(%dma_start3A_53 : memref<20000x4xf32, #tpu.memory_space<hbm>>) target(%arg6 : memref<128x4xf32, #tpu.memory_space<vmem>>) offsets(%dma_start3A_50 : memref<128xi32, #tpu.memory_space<vmem>>) semaphore(%arg7 : memref<!tpu.dma_semaphore, #tpu.memory_space<semaphore_mem>>)
    %dma_wait3A_54 = arith.constant 512 : i32
    %dma_wait3A_55 = tpu.memref_slice %arg5[%dma_wait3A_54] : memref<640xi32, #tpu.memory_space<vmem>> -> memref<128xi32, #tpu.memory_space<vmem>>
    %dma_wait3A_56 = arith.constant 0 : i32
    %dma_wait3A_57 = arith.constant 0 : i32
    %dma_wait3A_58 = tpu.memref_slice %arg2[%dma_wait3A_56, %dma_wait3A_57] : memref<20000x4xf32, #tpu.memory_space<hbm>> -> memref<20000x4xf32, #tpu.memory_space<hbm>>
    tpu.wait_indirect_dma semaphore(%arg7 : memref<!tpu.dma_semaphore, #tpu.memory_space<semaphore_mem>>) src(%dma_wait3A_58 : memref<20000x4xf32, #tpu.memory_space<hbm>>) dst(%arg6 : memref<128x4xf32, #tpu.memory_space<vmem>>)
    %add3A_59 = arith.constant 512 : i32
    %add3A_60 = arith.addi %mul3A_2, %add3A_59 : i32
    "tpu.region"() ({
      %run_scoped3A = tpu.sem_alloc : memref<!tpu.dma_semaphore, #tpu.memory_space<semaphore_mem>>
      %dma_start3A_61 = arith.constant 0 : i32
      %dma_start3A_62 = tpu.memref_slice %arg4[%add3A_60, %dma_start3A_61] : memref<20480x4xf32, #tpu.memory_space<hbm>> -> memref<128x4xf32, #tpu.memory_space<hbm>>
      %dma_start3A_63 = arith.constant 0 : i32
      %dma_start3A_64 = tpu.memref_slice %arg4[%add3A_60, %dma_start3A_63] : memref<20480x4xf32, #tpu.memory_space<hbm>> -> memref<128x4xf32, #tpu.memory_space<hbm>>
      tpu.enqueue_dma source(%arg6 : memref<128x4xf32, #tpu.memory_space<vmem>>) target(%dma_start3A_64 : memref<128x4xf32, #tpu.memory_space<hbm>>) target_semaphore(%run_scoped3A : memref<!tpu.dma_semaphore, #tpu.memory_space<semaphore_mem>>)
      %dma_wait3A_65 = arith.constant 0 : i32
      %dma_wait3A_66 = tpu.memref_slice %arg4[%add3A_60, %dma_wait3A_65] : memref<20480x4xf32, #tpu.memory_space<hbm>> -> memref<128x4xf32, #tpu.memory_space<hbm>>
      %dma_wait3A_67 = arith.constant 0 : i32
      %dma_wait3A_68 = tpu.memref_slice %arg4[%add3A_60, %dma_wait3A_67] : memref<20480x4xf32, #tpu.memory_space<hbm>> -> memref<128x4xf32, #tpu.memory_space<hbm>>
      tpu.wait_dma2 semaphore(%run_scoped3A : memref<!tpu.dma_semaphore, #tpu.memory_space<semaphore_mem>>) src(%arg6 : memref<128x4xf32, #tpu.memory_space<vmem>>) dst(%dma_wait3A_68 : memref<128x4xf32, #tpu.memory_space<hbm>>)
      tpu.yield
    }) : () -> ()
    return
  }
}

#map = affine_map<(d0, d1) -> (0, 0)>
#map1 = affine_map<(d0, d1) -> (0)>
module attributes {stable_mosaic.version = 14 : i64} {
  func.func @_norm_gather_body(%arg0: i32, %arg1: i32, %arg2: memref<20000x4xf32, #tpu.memory_space<hbm>>, %arg3: memref<20480xi32, #tpu.memory_space<hbm>>, %arg4: memref<20480x4xf32, #tpu.memory_space<hbm>>, %arg5: memref<640xi32, #tpu.memory_space<vmem>>, %arg6: memref<128x4xf32, #tpu.memory_space<vmem>>, %arg7: memref<!tpu.dma_semaphore, #tpu.memory_space<semaphore_mem>>) attributes {dimension_semantics = [#tpu.dimension_semantics<core_parallel>, #tpu.dimension_semantics<subcore_parallel>], iteration_bounds = array<i64: 2, 16>, scalar_prefetch = 0 : i64, scratch_operands = 3 : i64, tpu.core_type = #tpu.core_type<sc_vector_subcore>, window_params = [{transform_indices = #map}, {transform_indices = #map1}, {transform_indices = #map}]} {
    %mul3A = arith.constant 2 : i32
    %mul3A_0 = arith.muli %arg1, %mul3A : i32
    %add3A = arith.addi %mul3A_0, %arg0 : i32
    %mul3A_1 = arith.constant 640 : i32
    %mul3A_2 = arith.muli %add3A, %mul3A_1 : i32
    "tpu.region"() ({
      %run_scoped3A = tpu.sem_alloc : memref<!tpu.dma_semaphore, #tpu.memory_space<semaphore_mem>>
      %dma_start3A_61 = arith.constant 0 : i32
      %dma_start3A_62 = tpu.memref_slice %arg5[%dma_start3A_61] : memref<640xi32, #tpu.memory_space<vmem>> -> memref<640xi32, #tpu.memory_space<vmem>>
      %dma_start3A_63 = tpu.memref_slice %arg3[%mul3A_2] : memref<20480xi32, #tpu.memory_space<hbm>> -> memref<640xi32, #tpu.memory_space<hbm>>
      %dma_start3A_64 = arith.constant 0 : i32
      %dma_start3A_65 = tpu.memref_slice %arg5[%dma_start3A_64] : memref<640xi32, #tpu.memory_space<vmem>> -> memref<640xi32, #tpu.memory_space<vmem>>
      %dma_start3A_66 = tpu.memref_slice %arg3[%mul3A_2] : memref<20480xi32, #tpu.memory_space<hbm>> -> memref<640xi32, #tpu.memory_space<hbm>>
      tpu.enqueue_dma source(%dma_start3A_66 : memref<640xi32, #tpu.memory_space<hbm>>) target(%dma_start3A_65 : memref<640xi32, #tpu.memory_space<vmem>>) target_semaphore(%run_scoped3A : memref<!tpu.dma_semaphore, #tpu.memory_space<semaphore_mem>>)
      %dma_wait3A_67 = arith.constant 0 : i32
      %dma_wait3A_68 = tpu.memref_slice %arg5[%dma_wait3A_67] : memref<640xi32, #tpu.memory_space<vmem>> -> memref<640xi32, #tpu.memory_space<vmem>>
      %dma_wait3A_69 = tpu.memref_slice %arg3[%mul3A_2] : memref<20480xi32, #tpu.memory_space<hbm>> -> memref<640xi32, #tpu.memory_space<hbm>>
      %dma_wait3A_70 = arith.constant 0 : i32
      %dma_wait3A_71 = tpu.memref_slice %arg5[%dma_wait3A_70] : memref<640xi32, #tpu.memory_space<vmem>> -> memref<640xi32, #tpu.memory_space<vmem>>
      %dma_wait3A_72 = tpu.memref_slice %arg3[%mul3A_2] : memref<20480xi32, #tpu.memory_space<hbm>> -> memref<640xi32, #tpu.memory_space<hbm>>
      tpu.wait_dma2 semaphore(%run_scoped3A : memref<!tpu.dma_semaphore, #tpu.memory_space<semaphore_mem>>) src(%dma_wait3A_72 : memref<640xi32, #tpu.memory_space<hbm>>) dst(%dma_wait3A_71 : memref<640xi32, #tpu.memory_space<vmem>>)
      tpu.yield
    }) : () -> ()
    %dma_start3A = arith.constant 0 : i32
    %dma_start3A_3 = tpu.memref_slice %arg5[%dma_start3A] : memref<640xi32, #tpu.memory_space<vmem>> -> memref<128xi32, #tpu.memory_space<vmem>>
    %dma_start3A_4 = arith.constant 0 : i32
    %dma_start3A_5 = arith.constant 0 : i32
    %dma_start3A_6 = tpu.memref_slice %arg2[%dma_start3A_4, %dma_start3A_5] : memref<20000x4xf32, #tpu.memory_space<hbm>> -> memref<20000x4xf32, #tpu.memory_space<hbm>>
    tpu.enqueue_indirect_dma source(%dma_start3A_6 : memref<20000x4xf32, #tpu.memory_space<hbm>>) target(%arg6 : memref<128x4xf32, #tpu.memory_space<vmem>>) offsets(%dma_start3A_3 : memref<128xi32, #tpu.memory_space<vmem>>) semaphore(%arg7 : memref<!tpu.dma_semaphore, #tpu.memory_space<semaphore_mem>>)
    %dma_wait3A = arith.constant 0 : i32
    %dma_wait3A_7 = tpu.memref_slice %arg5[%dma_wait3A] : memref<640xi32, #tpu.memory_space<vmem>> -> memref<128xi32, #tpu.memory_space<vmem>>
    %dma_wait3A_8 = arith.constant 0 : i32
    %dma_wait3A_9 = arith.constant 0 : i32
    %dma_wait3A_10 = tpu.memref_slice %arg2[%dma_wait3A_8, %dma_wait3A_9] : memref<20000x4xf32, #tpu.memory_space<hbm>> -> memref<20000x4xf32, #tpu.memory_space<hbm>>
    tpu.wait_indirect_dma semaphore(%arg7 : memref<!tpu.dma_semaphore, #tpu.memory_space<semaphore_mem>>) src(%dma_wait3A_10 : memref<20000x4xf32, #tpu.memory_space<hbm>>) dst(%arg6 : memref<128x4xf32, #tpu.memory_space<vmem>>)
    %add3A_11 = arith.constant 0 : i32
    %add3A_12 = arith.addi %mul3A_2, %add3A_11 : i32
    "tpu.region"() ({
      %run_scoped3A = tpu.sem_alloc : memref<!tpu.dma_semaphore, #tpu.memory_space<semaphore_mem>>
      %dma_start3A_61 = arith.constant 0 : i32
      %dma_start3A_62 = tpu.memref_slice %arg4[%add3A_12, %dma_start3A_61] : memref<20480x4xf32, #tpu.memory_space<hbm>> -> memref<128x4xf32, #tpu.memory_space<hbm>>
      %dma_start3A_63 = arith.constant 0 : i32
      %dma_start3A_64 = tpu.memref_slice %arg4[%add3A_12, %dma_start3A_63] : memref<20480x4xf32, #tpu.memory_space<hbm>> -> memref<128x4xf32, #tpu.memory_space<hbm>>
      tpu.enqueue_dma source(%arg6 : memref<128x4xf32, #tpu.memory_space<vmem>>) target(%dma_start3A_64 : memref<128x4xf32, #tpu.memory_space<hbm>>) target_semaphore(%run_scoped3A : memref<!tpu.dma_semaphore, #tpu.memory_space<semaphore_mem>>)
      %dma_wait3A_65 = arith.constant 0 : i32
      %dma_wait3A_66 = tpu.memref_slice %arg4[%add3A_12, %dma_wait3A_65] : memref<20480x4xf32, #tpu.memory_space<hbm>> -> memref<128x4xf32, #tpu.memory_space<hbm>>
      %dma_wait3A_67 = arith.constant 0 : i32
      %dma_wait3A_68 = tpu.memref_slice %arg4[%add3A_12, %dma_wait3A_67] : memref<20480x4xf32, #tpu.memory_space<hbm>> -> memref<128x4xf32, #tpu.memory_space<hbm>>
      tpu.wait_dma2 semaphore(%run_scoped3A : memref<!tpu.dma_semaphore, #tpu.memory_space<semaphore_mem>>) src(%arg6 : memref<128x4xf32, #tpu.memory_space<vmem>>) dst(%dma_wait3A_68 : memref<128x4xf32, #tpu.memory_space<hbm>>)
      tpu.yield
    }) : () -> ()
    %dma_start3A_13 = arith.constant 128 : i32
    %dma_start3A_14 = tpu.memref_slice %arg5[%dma_start3A_13] : memref<640xi32, #tpu.memory_space<vmem>> -> memref<128xi32, #tpu.memory_space<vmem>>
    %dma_start3A_15 = arith.constant 0 : i32
    %dma_start3A_16 = arith.constant 0 : i32
    %dma_start3A_17 = tpu.memref_slice %arg2[%dma_start3A_15, %dma_start3A_16] : memref<20000x4xf32, #tpu.memory_space<hbm>> -> memref<20000x4xf32, #tpu.memory_space<hbm>>
    tpu.enqueue_indirect_dma source(%dma_start3A_17 : memref<20000x4xf32, #tpu.memory_space<hbm>>) target(%arg6 : memref<128x4xf32, #tpu.memory_space<vmem>>) offsets(%dma_start3A_14 : memref<128xi32, #tpu.memory_space<vmem>>) semaphore(%arg7 : memref<!tpu.dma_semaphore, #tpu.memory_space<semaphore_mem>>)
    %dma_wait3A_18 = arith.constant 128 : i32
    %dma_wait3A_19 = tpu.memref_slice %arg5[%dma_wait3A_18] : memref<640xi32, #tpu.memory_space<vmem>> -> memref<128xi32, #tpu.memory_space<vmem>>
    %dma_wait3A_20 = arith.constant 0 : i32
    %dma_wait3A_21 = arith.constant 0 : i32
    %dma_wait3A_22 = tpu.memref_slice %arg2[%dma_wait3A_20, %dma_wait3A_21] : memref<20000x4xf32, #tpu.memory_space<hbm>> -> memref<20000x4xf32, #tpu.memory_space<hbm>>
    tpu.wait_indirect_dma semaphore(%arg7 : memref<!tpu.dma_semaphore, #tpu.memory_space<semaphore_mem>>) src(%dma_wait3A_22 : memref<20000x4xf32, #tpu.memory_space<hbm>>) dst(%arg6 : memref<128x4xf32, #tpu.memory_space<vmem>>)
    %add3A_23 = arith.constant 128 : i32
    %add3A_24 = arith.addi %mul3A_2, %add3A_23 : i32
    "tpu.region"() ({
      %run_scoped3A = tpu.sem_alloc : memref<!tpu.dma_semaphore, #tpu.memory_space<semaphore_mem>>
      %dma_start3A_61 = arith.constant 0 : i32
      %dma_start3A_62 = tpu.memref_slice %arg4[%add3A_24, %dma_start3A_61] : memref<20480x4xf32, #tpu.memory_space<hbm>> -> memref<128x4xf32, #tpu.memory_space<hbm>>
      %dma_start3A_63 = arith.constant 0 : i32
      %dma_start3A_64 = tpu.memref_slice %arg4[%add3A_24, %dma_start3A_63] : memref<20480x4xf32, #tpu.memory_space<hbm>> -> memref<128x4xf32, #tpu.memory_space<hbm>>
      tpu.enqueue_dma source(%arg6 : memref<128x4xf32, #tpu.memory_space<vmem>>) target(%dma_start3A_64 : memref<128x4xf32, #tpu.memory_space<hbm>>) target_semaphore(%run_scoped3A : memref<!tpu.dma_semaphore, #tpu.memory_space<semaphore_mem>>)
      %dma_wait3A_65 = arith.constant 0 : i32
      %dma_wait3A_66 = tpu.memref_slice %arg4[%add3A_24, %dma_wait3A_65] : memref<20480x4xf32, #tpu.memory_space<hbm>> -> memref<128x4xf32, #tpu.memory_space<hbm>>
      %dma_wait3A_67 = arith.constant 0 : i32
      %dma_wait3A_68 = tpu.memref_slice %arg4[%add3A_24, %dma_wait3A_67] : memref<20480x4xf32, #tpu.memory_space<hbm>> -> memref<128x4xf32, #tpu.memory_space<hbm>>
      tpu.wait_dma2 semaphore(%run_scoped3A : memref<!tpu.dma_semaphore, #tpu.memory_space<semaphore_mem>>) src(%arg6 : memref<128x4xf32, #tpu.memory_space<vmem>>) dst(%dma_wait3A_68 : memref<128x4xf32, #tpu.memory_space<hbm>>)
      tpu.yield
    }) : () -> ()
    %dma_start3A_25 = arith.constant 256 : i32
    %dma_start3A_26 = tpu.memref_slice %arg5[%dma_start3A_25] : memref<640xi32, #tpu.memory_space<vmem>> -> memref<128xi32, #tpu.memory_space<vmem>>
    %dma_start3A_27 = arith.constant 0 : i32
    %dma_start3A_28 = arith.constant 0 : i32
    %dma_start3A_29 = tpu.memref_slice %arg2[%dma_start3A_27, %dma_start3A_28] : memref<20000x4xf32, #tpu.memory_space<hbm>> -> memref<20000x4xf32, #tpu.memory_space<hbm>>
    tpu.enqueue_indirect_dma source(%dma_start3A_29 : memref<20000x4xf32, #tpu.memory_space<hbm>>) target(%arg6 : memref<128x4xf32, #tpu.memory_space<vmem>>) offsets(%dma_start3A_26 : memref<128xi32, #tpu.memory_space<vmem>>) semaphore(%arg7 : memref<!tpu.dma_semaphore, #tpu.memory_space<semaphore_mem>>)
    %dma_wait3A_30 = arith.constant 256 : i32
    %dma_wait3A_31 = tpu.memref_slice %arg5[%dma_wait3A_30] : memref<640xi32, #tpu.memory_space<vmem>> -> memref<128xi32, #tpu.memory_space<vmem>>
    %dma_wait3A_32 = arith.constant 0 : i32
    %dma_wait3A_33 = arith.constant 0 : i32
    %dma_wait3A_34 = tpu.memref_slice %arg2[%dma_wait3A_32, %dma_wait3A_33] : memref<20000x4xf32, #tpu.memory_space<hbm>> -> memref<20000x4xf32, #tpu.memory_space<hbm>>
    tpu.wait_indirect_dma semaphore(%arg7 : memref<!tpu.dma_semaphore, #tpu.memory_space<semaphore_mem>>) src(%dma_wait3A_34 : memref<20000x4xf32, #tpu.memory_space<hbm>>) dst(%arg6 : memref<128x4xf32, #tpu.memory_space<vmem>>)
    %add3A_35 = arith.constant 256 : i32
    %add3A_36 = arith.addi %mul3A_2, %add3A_35 : i32
    "tpu.region"() ({
      %run_scoped3A = tpu.sem_alloc : memref<!tpu.dma_semaphore, #tpu.memory_space<semaphore_mem>>
      %dma_start3A_61 = arith.constant 0 : i32
      %dma_start3A_62 = tpu.memref_slice %arg4[%add3A_36, %dma_start3A_61] : memref<20480x4xf32, #tpu.memory_space<hbm>> -> memref<128x4xf32, #tpu.memory_space<hbm>>
      %dma_start3A_63 = arith.constant 0 : i32
      %dma_start3A_64 = tpu.memref_slice %arg4[%add3A_36, %dma_start3A_63] : memref<20480x4xf32, #tpu.memory_space<hbm>> -> memref<128x4xf32, #tpu.memory_space<hbm>>
      tpu.enqueue_dma source(%arg6 : memref<128x4xf32, #tpu.memory_space<vmem>>) target(%dma_start3A_64 : memref<128x4xf32, #tpu.memory_space<hbm>>) target_semaphore(%run_scoped3A : memref<!tpu.dma_semaphore, #tpu.memory_space<semaphore_mem>>)
      %dma_wait3A_65 = arith.constant 0 : i32
      %dma_wait3A_66 = tpu.memref_slice %arg4[%add3A_36, %dma_wait3A_65] : memref<20480x4xf32, #tpu.memory_space<hbm>> -> memref<128x4xf32, #tpu.memory_space<hbm>>
      %dma_wait3A_67 = arith.constant 0 : i32
      %dma_wait3A_68 = tpu.memref_slice %arg4[%add3A_36, %dma_wait3A_67] : memref<20480x4xf32, #tpu.memory_space<hbm>> -> memref<128x4xf32, #tpu.memory_space<hbm>>
      tpu.wait_dma2 semaphore(%run_scoped3A : memref<!tpu.dma_semaphore, #tpu.memory_space<semaphore_mem>>) src(%arg6 : memref<128x4xf32, #tpu.memory_space<vmem>>) dst(%dma_wait3A_68 : memref<128x4xf32, #tpu.memory_space<hbm>>)
      tpu.yield
    }) : () -> ()
    %dma_start3A_37 = arith.constant 384 : i32
    %dma_start3A_38 = tpu.memref_slice %arg5[%dma_start3A_37] : memref<640xi32, #tpu.memory_space<vmem>> -> memref<128xi32, #tpu.memory_space<vmem>>
    %dma_start3A_39 = arith.constant 0 : i32
    %dma_start3A_40 = arith.constant 0 : i32
    %dma_start3A_41 = tpu.memref_slice %arg2[%dma_start3A_39, %dma_start3A_40] : memref<20000x4xf32, #tpu.memory_space<hbm>> -> memref<20000x4xf32, #tpu.memory_space<hbm>>
    tpu.enqueue_indirect_dma source(%dma_start3A_41 : memref<20000x4xf32, #tpu.memory_space<hbm>>) target(%arg6 : memref<128x4xf32, #tpu.memory_space<vmem>>) offsets(%dma_start3A_38 : memref<128xi32, #tpu.memory_space<vmem>>) semaphore(%arg7 : memref<!tpu.dma_semaphore, #tpu.memory_space<semaphore_mem>>)
    %dma_wait3A_42 = arith.constant 384 : i32
    %dma_wait3A_43 = tpu.memref_slice %arg5[%dma_wait3A_42] : memref<640xi32, #tpu.memory_space<vmem>> -> memref<128xi32, #tpu.memory_space<vmem>>
    %dma_wait3A_44 = arith.constant 0 : i32
    %dma_wait3A_45 = arith.constant 0 : i32
    %dma_wait3A_46 = tpu.memref_slice %arg2[%dma_wait3A_44, %dma_wait3A_45] : memref<20000x4xf32, #tpu.memory_space<hbm>> -> memref<20000x4xf32, #tpu.memory_space<hbm>>
    tpu.wait_indirect_dma semaphore(%arg7 : memref<!tpu.dma_semaphore, #tpu.memory_space<semaphore_mem>>) src(%dma_wait3A_46 : memref<20000x4xf32, #tpu.memory_space<hbm>>) dst(%arg6 : memref<128x4xf32, #tpu.memory_space<vmem>>)
    %add3A_47 = arith.constant 384 : i32
    %add3A_48 = arith.addi %mul3A_2, %add3A_47 : i32
    "tpu.region"() ({
      %run_scoped3A = tpu.sem_alloc : memref<!tpu.dma_semaphore, #tpu.memory_space<semaphore_mem>>
      %dma_start3A_61 = arith.constant 0 : i32
      %dma_start3A_62 = tpu.memref_slice %arg4[%add3A_48, %dma_start3A_61] : memref<20480x4xf32, #tpu.memory_space<hbm>> -> memref<128x4xf32, #tpu.memory_space<hbm>>
      %dma_start3A_63 = arith.constant 0 : i32
      %dma_start3A_64 = tpu.memref_slice %arg4[%add3A_48, %dma_start3A_63] : memref<20480x4xf32, #tpu.memory_space<hbm>> -> memref<128x4xf32, #tpu.memory_space<hbm>>
      tpu.enqueue_dma source(%arg6 : memref<128x4xf32, #tpu.memory_space<vmem>>) target(%dma_start3A_64 : memref<128x4xf32, #tpu.memory_space<hbm>>) target_semaphore(%run_scoped3A : memref<!tpu.dma_semaphore, #tpu.memory_space<semaphore_mem>>)
      %dma_wait3A_65 = arith.constant 0 : i32
      %dma_wait3A_66 = tpu.memref_slice %arg4[%add3A_48, %dma_wait3A_65] : memref<20480x4xf32, #tpu.memory_space<hbm>> -> memref<128x4xf32, #tpu.memory_space<hbm>>
      %dma_wait3A_67 = arith.constant 0 : i32
      %dma_wait3A_68 = tpu.memref_slice %arg4[%add3A_48, %dma_wait3A_67] : memref<20480x4xf32, #tpu.memory_space<hbm>> -> memref<128x4xf32, #tpu.memory_space<hbm>>
      tpu.wait_dma2 semaphore(%run_scoped3A : memref<!tpu.dma_semaphore, #tpu.memory_space<semaphore_mem>>) src(%arg6 : memref<128x4xf32, #tpu.memory_space<vmem>>) dst(%dma_wait3A_68 : memref<128x4xf32, #tpu.memory_space<hbm>>)
      tpu.yield
    }) : () -> ()
    %dma_start3A_49 = arith.constant 512 : i32
    %dma_start3A_50 = tpu.memref_slice %arg5[%dma_start3A_49] : memref<640xi32, #tpu.memory_space<vmem>> -> memref<128xi32, #tpu.memory_space<vmem>>
    %dma_start3A_51 = arith.constant 0 : i32
    %dma_start3A_52 = arith.constant 0 : i32
    %dma_start3A_53 = tpu.memref_slice %arg2[%dma_start3A_51, %dma_start3A_52] : memref<20000x4xf32, #tpu.memory_space<hbm>> -> memref<20000x4xf32, #tpu.memory_space<hbm>>
    tpu.enqueue_indirect_dma source(%dma_start3A_53 : memref<20000x4xf32, #tpu.memory_space<hbm>>) target(%arg6 : memref<128x4xf32, #tpu.memory_space<vmem>>) offsets(%dma_start3A_50 : memref<128xi32, #tpu.memory_space<vmem>>) semaphore(%arg7 : memref<!tpu.dma_semaphore, #tpu.memory_space<semaphore_mem>>)
    %dma_wait3A_54 = arith.constant 512 : i32
    %dma_wait3A_55 = tpu.memref_slice %arg5[%dma_wait3A_54] : memref<640xi32, #tpu.memory_space<vmem>> -> memref<128xi32, #tpu.memory_space<vmem>>
    %dma_wait3A_56 = arith.constant 0 : i32
    %dma_wait3A_57 = arith.constant 0 : i32
    %dma_wait3A_58 = tpu.memref_slice %arg2[%dma_wait3A_56, %dma_wait3A_57] : memref<20000x4xf32, #tpu.memory_space<hbm>> -> memref<20000x4xf32, #tpu.memory_space<hbm>>
    tpu.wait_indirect_dma semaphore(%arg7 : memref<!tpu.dma_semaphore, #tpu.memory_space<semaphore_mem>>) src(%dma_wait3A_58 : memref<20000x4xf32, #tpu.memory_space<hbm>>) dst(%arg6 : memref<128x4xf32, #tpu.memory_space<vmem>>)
    %add3A_59 = arith.constant 512 : i32
    %add3A_60 = arith.addi %mul3A_2, %add3A_59 : i32
    "tpu.region"() ({
      %run_scoped3A = tpu.sem_alloc : memref<!tpu.dma_semaphore, #tpu.memory_space<semaphore_mem>>
      %dma_start3A_61 = arith.constant 0 : i32
      %dma_start3A_62 = tpu.memref_slice %arg4[%add3A_60, %dma_start3A_61] : memref<20480x4xf32, #tpu.memory_space<hbm>> -> memref<128x4xf32, #tpu.memory_space<hbm>>
      %dma_start3A_63 = arith.constant 0 : i32
      %dma_start3A_64 = tpu.memref_slice %arg4[%add3A_60, %dma_start3A_63] : memref<20480x4xf32, #tpu.memory_space<hbm>> -> memref<128x4xf32, #tpu.memory_space<hbm>>
      tpu.enqueue_dma source(%arg6 : memref<128x4xf32, #tpu.memory_space<vmem>>) target(%dma_start3A_64 : memref<128x4xf32, #tpu.memory_space<hbm>>) target_semaphore(%run_scoped3A : memref<!tpu.dma_semaphore, #tpu.memory_space<semaphore_mem>>)
      %dma_wait3A_65 = arith.constant 0 : i32
      %dma_wait3A_66 = tpu.memref_slice %arg4[%add3A_60, %dma_wait3A_65] : memref<20480x4xf32, #tpu.memory_space<hbm>> -> memref<128x4xf32, #tpu.memory_space<hbm>>
      %dma_wait3A_67 = arith.constant 0 : i32
      %dma_wait3A_68 = tpu.memref_slice %arg4[%add3A_60, %dma_wait3A_67] : memref<20480x4xf32, #tpu.memory_space<hbm>> -> memref<128x4xf32, #tpu.memory_space<hbm>>
      tpu.wait_dma2 semaphore(%run_scoped3A : memref<!tpu.dma_semaphore, #tpu.memory_space<semaphore_mem>>) src(%arg6 : memref<128x4xf32, #tpu.memory_space<vmem>>) dst(%dma_wait3A_68 : memref<128x4xf32, #tpu.memory_space<hbm>>)
      tpu.yield
    }) : () -> ()
    return
  }
}

#map = affine_map<(d0, d1) -> (0, 0)>
#map1 = affine_map<(d0, d1) -> (0)>
module attributes {stable_mosaic.version = 14 : i64} {
  func.func @_face_gather_body(%arg0: i32, %arg1: i32, %arg2: memref<20000x4xf32, #tpu.memory_space<hbm>>, %arg3: memref<40960xi32, #tpu.memory_space<hbm>>, %arg4: memref<40960xi32, #tpu.memory_space<hbm>>, %arg5: memref<40960xi32, #tpu.memory_space<hbm>>, %arg6: memref<40960x4xf32, #tpu.memory_space<hbm>>, %arg7: memref<40960x4xf32, #tpu.memory_space<hbm>>, %arg8: memref<40960x4xf32, #tpu.memory_space<hbm>>, %arg9: memref<1280xi32, #tpu.memory_space<vmem>>, %arg10: memref<128x4xf32, #tpu.memory_space<vmem>>, %arg11: memref<!tpu.dma_semaphore, #tpu.memory_space<semaphore_mem>>) attributes {dimension_semantics = [#tpu.dimension_semantics<core_parallel>, #tpu.dimension_semantics<subcore_parallel>], iteration_bounds = array<i64: 2, 16>, scalar_prefetch = 0 : i64, scratch_operands = 3 : i64, tpu.core_type = #tpu.core_type<sc_vector_subcore>, window_params = [{transform_indices = #map}, {transform_indices = #map1}, {transform_indices = #map1}, {transform_indices = #map1}, {transform_indices = #map}, {transform_indices = #map}, {transform_indices = #map}]} {
    %mul3A = arith.constant 2 : i32
    %mul3A_0 = arith.muli %arg1, %mul3A : i32
    %add3A = arith.addi %mul3A_0, %arg0 : i32
    %mul3A_1 = arith.constant 1280 : i32
    %mul3A_2 = arith.muli %add3A, %mul3A_1 : i32
    "tpu.region"() ({
      %run_scoped3A = tpu.sem_alloc : memref<!tpu.dma_semaphore, #tpu.memory_space<semaphore_mem>>
      %dma_start3A_361 = arith.constant 0 : i32
      %dma_start3A_362 = tpu.memref_slice %arg9[%dma_start3A_361] : memref<1280xi32, #tpu.memory_space<vmem>> -> memref<1280xi32, #tpu.memory_space<vmem>>
      %dma_start3A_363 = tpu.memref_slice %arg3[%mul3A_2] : memref<40960xi32, #tpu.memory_space<hbm>> -> memref<1280xi32, #tpu.memory_space<hbm>>
      %dma_start3A_364 = arith.constant 0 : i32
      %dma_start3A_365 = tpu.memref_slice %arg9[%dma_start3A_364] : memref<1280xi32, #tpu.memory_space<vmem>> -> memref<1280xi32, #tpu.memory_space<vmem>>
      %dma_start3A_366 = tpu.memref_slice %arg3[%mul3A_2] : memref<40960xi32, #tpu.memory_space<hbm>> -> memref<1280xi32, #tpu.memory_space<hbm>>
      tpu.enqueue_dma source(%dma_start3A_366 : memref<1280xi32, #tpu.memory_space<hbm>>) target(%dma_start3A_365 : memref<1280xi32, #tpu.memory_space<vmem>>) target_semaphore(%run_scoped3A : memref<!tpu.dma_semaphore, #tpu.memory_space<semaphore_mem>>)
      %dma_wait3A_367 = arith.constant 0 : i32
      %dma_wait3A_368 = tpu.memref_slice %arg9[%dma_wait3A_367] : memref<1280xi32, #tpu.memory_space<vmem>> -> memref<1280xi32, #tpu.memory_space<vmem>>
      %dma_wait3A_369 = tpu.memref_slice %arg3[%mul3A_2] : memref<40960xi32, #tpu.memory_space<hbm>> -> memref<1280xi32, #tpu.memory_space<hbm>>
      %dma_wait3A_370 = arith.constant 0 : i32
      %dma_wait3A_371 = tpu.memref_slice %arg9[%dma_wait3A_370] : memref<1280xi32, #tpu.memory_space<vmem>> -> memref<1280xi32, #tpu.memory_space<vmem>>
      %dma_wait3A_372 = tpu.memref_slice %arg3[%mul3A_2] : memref<40960xi32, #tpu.memory_space<hbm>> -> memref<1280xi32, #tpu.memory_space<hbm>>
      tpu.wait_dma2 semaphore(%run_scoped3A : memref<!tpu.dma_semaphore, #tpu.memory_space<semaphore_mem>>) src(%dma_wait3A_372 : memref<1280xi32, #tpu.memory_space<hbm>>) dst(%dma_wait3A_371 : memref<1280xi32, #tpu.memory_space<vmem>>)
      tpu.yield
    }) : () -> ()
    %dma_start3A = arith.constant 0 : i32
    %dma_start3A_3 = tpu.memref_slice %arg9[%dma_start3A] : memref<1280xi32, #tpu.memory_space<vmem>> -> memref<128xi32, #tpu.memory_space<vmem>>
    %dma_start3A_4 = arith.constant 0 : i32
    %dma_start3A_5 = arith.constant 0 : i32
    %dma_start3A_6 = tpu.memref_slice %arg2[%dma_start3A_4, %dma_start3A_5] : memref<20000x4xf32, #tpu.memory_space<hbm>> -> memref<20000x4xf32, #tpu.memory_space<hbm>>
    tpu.enqueue_indirect_dma source(%dma_start3A_6 : memref<20000x4xf32, #tpu.memory_space<hbm>>) target(%arg10 : memref<128x4xf32, #tpu.memory_space<vmem>>) offsets(%dma_start3A_3 : memref<128xi32, #tpu.memory_space<vmem>>) semaphore(%arg11 : memref<!tpu.dma_semaphore, #tpu.memory_space<semaphore_mem>>)
    %dma_wait3A = arith.constant 0 : i32
    %dma_wait3A_7 = tpu.memref_slice %arg9[%dma_wait3A] : memref<1280xi32, #tpu.memory_space<vmem>> -> memref<128xi32, #tpu.memory_space<vmem>>
    %dma_wait3A_8 = arith.constant 0 : i32
    %dma_wait3A_9 = arith.constant 0 : i32
    %dma_wait3A_10 = tpu.memref_slice %arg2[%dma_wait3A_8, %dma_wait3A_9] : memref<20000x4xf32, #tpu.memory_space<hbm>> -> memref<20000x4xf32, #tpu.memory_space<hbm>>
    tpu.wait_indirect_dma semaphore(%arg11 : memref<!tpu.dma_semaphore, #tpu.memory_space<semaphore_mem>>) src(%dma_wait3A_10 : memref<20000x4xf32, #tpu.memory_space<hbm>>) dst(%arg10 : memref<128x4xf32, #tpu.memory_space<vmem>>)
    %add3A_11 = arith.constant 0 : i32
    %add3A_12 = arith.addi %mul3A_2, %add3A_11 : i32
    "tpu.region"() ({
      %run_scoped3A = tpu.sem_alloc : memref<!tpu.dma_semaphore, #tpu.memory_space<semaphore_mem>>
      %dma_start3A_361 = arith.constant 0 : i32
      %dma_start3A_362 = tpu.memref_slice %arg6[%add3A_12, %dma_start3A_361] : memref<40960x4xf32, #tpu.memory_space<hbm>> -> memref<128x4xf32, #tpu.memory_space<hbm>>
      %dma_start3A_363 = arith.constant 0 : i32
      %dma_start3A_364 = tpu.memref_slice %arg6[%add3A_12, %dma_start3A_363] : memref<40960x4xf32, #tpu.memory_space<hbm>> -> memref<128x4xf32, #tpu.memory_space<hbm>>
      tpu.enqueue_dma source(%arg10 : memref<128x4xf32, #tpu.memory_space<vmem>>) target(%dma_start3A_364 : memref<128x4xf32, #tpu.memory_space<hbm>>) target_semaphore(%run_scoped3A : memref<!tpu.dma_semaphore, #tpu.memory_space<semaphore_mem>>)
      %dma_wait3A_365 = arith.constant 0 : i32
      %dma_wait3A_366 = tpu.memref_slice %arg6[%add3A_12, %dma_wait3A_365] : memref<40960x4xf32, #tpu.memory_space<hbm>> -> memref<128x4xf32, #tpu.memory_space<hbm>>
      %dma_wait3A_367 = arith.constant 0 : i32
      %dma_wait3A_368 = tpu.memref_slice %arg6[%add3A_12, %dma_wait3A_367] : memref<40960x4xf32, #tpu.memory_space<hbm>> -> memref<128x4xf32, #tpu.memory_space<hbm>>
      tpu.wait_dma2 semaphore(%run_scoped3A : memref<!tpu.dma_semaphore, #tpu.memory_space<semaphore_mem>>) src(%arg10 : memref<128x4xf32, #tpu.memory_space<vmem>>) dst(%dma_wait3A_368 : memref<128x4xf32, #tpu.memory_space<hbm>>)
      tpu.yield
    }) : () -> ()
    %dma_start3A_13 = arith.constant 128 : i32
    %dma_start3A_14 = tpu.memref_slice %arg9[%dma_start3A_13] : memref<1280xi32, #tpu.memory_space<vmem>> -> memref<128xi32, #tpu.memory_space<vmem>>
    %dma_start3A_15 = arith.constant 0 : i32
    %dma_start3A_16 = arith.constant 0 : i32
    %dma_start3A_17 = tpu.memref_slice %arg2[%dma_start3A_15, %dma_start3A_16] : memref<20000x4xf32, #tpu.memory_space<hbm>> -> memref<20000x4xf32, #tpu.memory_space<hbm>>
    tpu.enqueue_indirect_dma source(%dma_start3A_17 : memref<20000x4xf32, #tpu.memory_space<hbm>>) target(%arg10 : memref<128x4xf32, #tpu.memory_space<vmem>>) offsets(%dma_start3A_14 : memref<128xi32, #tpu.memory_space<vmem>>) semaphore(%arg11 : memref<!tpu.dma_semaphore, #tpu.memory_space<semaphore_mem>>)
    %dma_wait3A_18 = arith.constant 128 : i32
    %dma_wait3A_19 = tpu.memref_slice %arg9[%dma_wait3A_18] : memref<1280xi32, #tpu.memory_space<vmem>> -> memref<128xi32, #tpu.memory_space<vmem>>
    %dma_wait3A_20 = arith.constant 0 : i32
    %dma_wait3A_21 = arith.constant 0 : i32
    %dma_wait3A_22 = tpu.memref_slice %arg2[%dma_wait3A_20, %dma_wait3A_21] : memref<20000x4xf32, #tpu.memory_space<hbm>> -> memref<20000x4xf32, #tpu.memory_space<hbm>>
    tpu.wait_indirect_dma semaphore(%arg11 : memref<!tpu.dma_semaphore, #tpu.memory_space<semaphore_mem>>) src(%dma_wait3A_22 : memref<20000x4xf32, #tpu.memory_space<hbm>>) dst(%arg10 : memref<128x4xf32, #tpu.memory_space<vmem>>)
    %add3A_23 = arith.constant 128 : i32
    %add3A_24 = arith.addi %mul3A_2, %add3A_23 : i32
    "tpu.region"() ({
      %run_scoped3A = tpu.sem_alloc : memref<!tpu.dma_semaphore, #tpu.memory_space<semaphore_mem>>
      %dma_start3A_361 = arith.constant 0 : i32
      %dma_start3A_362 = tpu.memref_slice %arg6[%add3A_24, %dma_start3A_361] : memref<40960x4xf32, #tpu.memory_space<hbm>> -> memref<128x4xf32, #tpu.memory_space<hbm>>
      %dma_start3A_363 = arith.constant 0 : i32
      %dma_start3A_364 = tpu.memref_slice %arg6[%add3A_24, %dma_start3A_363] : memref<40960x4xf32, #tpu.memory_space<hbm>> -> memref<128x4xf32, #tpu.memory_space<hbm>>
      tpu.enqueue_dma source(%arg10 : memref<128x4xf32, #tpu.memory_space<vmem>>) target(%dma_start3A_364 : memref<128x4xf32, #tpu.memory_space<hbm>>) target_semaphore(%run_scoped3A : memref<!tpu.dma_semaphore, #tpu.memory_space<semaphore_mem>>)
      %dma_wait3A_365 = arith.constant 0 : i32
      %dma_wait3A_366 = tpu.memref_slice %arg6[%add3A_24, %dma_wait3A_365] : memref<40960x4xf32, #tpu.memory_space<hbm>> -> memref<128x4xf32, #tpu.memory_space<hbm>>
      %dma_wait3A_367 = arith.constant 0 : i32
      %dma_wait3A_368 = tpu.memref_slice %arg6[%add3A_24, %dma_wait3A_367] : memref<40960x4xf32, #tpu.memory_space<hbm>> -> memref<128x4xf32, #tpu.memory_space<hbm>>
      tpu.wait_dma2 semaphore(%run_scoped3A : memref<!tpu.dma_semaphore, #tpu.memory_space<semaphore_mem>>) src(%arg10 : memref<128x4xf32, #tpu.memory_space<vmem>>) dst(%dma_wait3A_368 : memref<128x4xf32, #tpu.memory_space<hbm>>)
      tpu.yield
    }) : () -> ()
    %dma_start3A_25 = arith.constant 256 : i32
    %dma_start3A_26 = tpu.memref_slice %arg9[%dma_start3A_25] : memref<1280xi32, #tpu.memory_space<vmem>> -> memref<128xi32, #tpu.memory_space<vmem>>
    %dma_start3A_27 = arith.constant 0 : i32
    %dma_start3A_28 = arith.constant 0 : i32
    %dma_start3A_29 = tpu.memref_slice %arg2[%dma_start3A_27, %dma_start3A_28] : memref<20000x4xf32, #tpu.memory_space<hbm>> -> memref<20000x4xf32, #tpu.memory_space<hbm>>
    tpu.enqueue_indirect_dma source(%dma_start3A_29 : memref<20000x4xf32, #tpu.memory_space<hbm>>) target(%arg10 : memref<128x4xf32, #tpu.memory_space<vmem>>) offsets(%dma_start3A_26 : memref<128xi32, #tpu.memory_space<vmem>>) semaphore(%arg11 : memref<!tpu.dma_semaphore, #tpu.memory_space<semaphore_mem>>)
    %dma_wait3A_30 = arith.constant 256 : i32
    %dma_wait3A_31 = tpu.memref_slice %arg9[%dma_wait3A_30] : memref<1280xi32, #tpu.memory_space<vmem>> -> memref<128xi32, #tpu.memory_space<vmem>>
    %dma_wait3A_32 = arith.constant 0 : i32
    %dma_wait3A_33 = arith.constant 0 : i32
    %dma_wait3A_34 = tpu.memref_slice %arg2[%dma_wait3A_32, %dma_wait3A_33] : memref<20000x4xf32, #tpu.memory_space<hbm>> -> memref<20000x4xf32, #tpu.memory_space<hbm>>
    tpu.wait_indirect_dma semaphore(%arg11 : memref<!tpu.dma_semaphore, #tpu.memory_space<semaphore_mem>>) src(%dma_wait3A_34 : memref<20000x4xf32, #tpu.memory_space<hbm>>) dst(%arg10 : memref<128x4xf32, #tpu.memory_space<vmem>>)
    %add3A_35 = arith.constant 256 : i32
    %add3A_36 = arith.addi %mul3A_2, %add3A_35 : i32
    "tpu.region"() ({
      %run_scoped3A = tpu.sem_alloc : memref<!tpu.dma_semaphore, #tpu.memory_space<semaphore_mem>>
      %dma_start3A_361 = arith.constant 0 : i32
      %dma_start3A_362 = tpu.memref_slice %arg6[%add3A_36, %dma_start3A_361] : memref<40960x4xf32, #tpu.memory_space<hbm>> -> memref<128x4xf32, #tpu.memory_space<hbm>>
      %dma_start3A_363 = arith.constant 0 : i32
      %dma_start3A_364 = tpu.memref_slice %arg6[%add3A_36, %dma_start3A_363] : memref<40960x4xf32, #tpu.memory_space<hbm>> -> memref<128x4xf32, #tpu.memory_space<hbm>>
      tpu.enqueue_dma source(%arg10 : memref<128x4xf32, #tpu.memory_space<vmem>>) target(%dma_start3A_364 : memref<128x4xf32, #tpu.memory_space<hbm>>) target_semaphore(%run_scoped3A : memref<!tpu.dma_semaphore, #tpu.memory_space<semaphore_mem>>)
      %dma_wait3A_365 = arith.constant 0 : i32
      %dma_wait3A_366 = tpu.memref_slice %arg6[%add3A_36, %dma_wait3A_365] : memref<40960x4xf32, #tpu.memory_space<hbm>> -> memref<128x4xf32, #tpu.memory_space<hbm>>
      %dma_wait3A_367 = arith.constant 0 : i32
      %dma_wait3A_368 = tpu.memref_slice %arg6[%add3A_36, %dma_wait3A_367] : memref<40960x4xf32, #tpu.memory_space<hbm>> -> memref<128x4xf32, #tpu.memory_space<hbm>>
      tpu.wait_dma2 semaphore(%run_scoped3A : memref<!tpu.dma_semaphore, #tpu.memory_space<semaphore_mem>>) src(%arg10 : memref<128x4xf32, #tpu.memory_space<vmem>>) dst(%dma_wait3A_368 : memref<128x4xf32, #tpu.memory_space<hbm>>)
      tpu.yield
    }) : () -> ()
    %dma_start3A_37 = arith.constant 384 : i32
    %dma_start3A_38 = tpu.memref_slice %arg9[%dma_start3A_37] : memref<1280xi32, #tpu.memory_space<vmem>> -> memref<128xi32, #tpu.memory_space<vmem>>
    %dma_start3A_39 = arith.constant 0 : i32
    %dma_start3A_40 = arith.constant 0 : i32
    %dma_start3A_41 = tpu.memref_slice %arg2[%dma_start3A_39, %dma_start3A_40] : memref<20000x4xf32, #tpu.memory_space<hbm>> -> memref<20000x4xf32, #tpu.memory_space<hbm>>
    tpu.enqueue_indirect_dma source(%dma_start3A_41 : memref<20000x4xf32, #tpu.memory_space<hbm>>) target(%arg10 : memref<128x4xf32, #tpu.memory_space<vmem>>) offsets(%dma_start3A_38 : memref<128xi32, #tpu.memory_space<vmem>>) semaphore(%arg11 : memref<!tpu.dma_semaphore, #tpu.memory_space<semaphore_mem>>)
    %dma_wait3A_42 = arith.constant 384 : i32
    %dma_wait3A_43 = tpu.memref_slice %arg9[%dma_wait3A_42] : memref<1280xi32, #tpu.memory_space<vmem>> -> memref<128xi32, #tpu.memory_space<vmem>>
    %dma_wait3A_44 = arith.constant 0 : i32
    %dma_wait3A_45 = arith.constant 0 : i32
    %dma_wait3A_46 = tpu.memref_slice %arg2[%dma_wait3A_44, %dma_wait3A_45] : memref<20000x4xf32, #tpu.memory_space<hbm>> -> memref<20000x4xf32, #tpu.memory_space<hbm>>
    tpu.wait_indirect_dma semaphore(%arg11 : memref<!tpu.dma_semaphore, #tpu.memory_space<semaphore_mem>>) src(%dma_wait3A_46 : memref<20000x4xf32, #tpu.memory_space<hbm>>) dst(%arg10 : memref<128x4xf32, #tpu.memory_space<vmem>>)
    %add3A_47 = arith.constant 384 : i32
    %add3A_48 = arith.addi %mul3A_2, %add3A_47 : i32
    "tpu.region"() ({
      %run_scoped3A = tpu.sem_alloc : memref<!tpu.dma_semaphore, #tpu.memory_space<semaphore_mem>>
      %dma_start3A_361 = arith.constant 0 : i32
      %dma_start3A_362 = tpu.memref_slice %arg6[%add3A_48, %dma_start3A_361] : memref<40960x4xf32, #tpu.memory_space<hbm>> -> memref<128x4xf32, #tpu.memory_space<hbm>>
      %dma_start3A_363 = arith.constant 0 : i32
      %dma_start3A_364 = tpu.memref_slice %arg6[%add3A_48, %dma_start3A_363] : memref<40960x4xf32, #tpu.memory_space<hbm>> -> memref<128x4xf32, #tpu.memory_space<hbm>>
      tpu.enqueue_dma source(%arg10 : memref<128x4xf32, #tpu.memory_space<vmem>>) target(%dma_start3A_364 : memref<128x4xf32, #tpu.memory_space<hbm>>) target_semaphore(%run_scoped3A : memref<!tpu.dma_semaphore, #tpu.memory_space<semaphore_mem>>)
      %dma_wait3A_365 = arith.constant 0 : i32
      %dma_wait3A_366 = tpu.memref_slice %arg6[%add3A_48, %dma_wait3A_365] : memref<40960x4xf32, #tpu.memory_space<hbm>> -> memref<128x4xf32, #tpu.memory_space<hbm>>
      %dma_wait3A_367 = arith.constant 0 : i32
      %dma_wait3A_368 = tpu.memref_slice %arg6[%add3A_48, %dma_wait3A_367] : memref<40960x4xf32, #tpu.memory_space<hbm>> -> memref<128x4xf32, #tpu.memory_space<hbm>>
      tpu.wait_dma2 semaphore(%run_scoped3A : memref<!tpu.dma_semaphore, #tpu.memory_space<semaphore_mem>>) src(%arg10 : memref<128x4xf32, #tpu.memory_space<vmem>>) dst(%dma_wait3A_368 : memref<128x4xf32, #tpu.memory_space<hbm>>)
      tpu.yield
    }) : () -> ()
    %dma_start3A_49 = arith.constant 512 : i32
    %dma_start3A_50 = tpu.memref_slice %arg9[%dma_start3A_49] : memref<1280xi32, #tpu.memory_space<vmem>> -> memref<128xi32, #tpu.memory_space<vmem>>
    %dma_start3A_51 = arith.constant 0 : i32
    %dma_start3A_52 = arith.constant 0 : i32
    %dma_start3A_53 = tpu.memref_slice %arg2[%dma_start3A_51, %dma_start3A_52] : memref<20000x4xf32, #tpu.memory_space<hbm>> -> memref<20000x4xf32, #tpu.memory_space<hbm>>
    tpu.enqueue_indirect_dma source(%dma_start3A_53 : memref<20000x4xf32, #tpu.memory_space<hbm>>) target(%arg10 : memref<128x4xf32, #tpu.memory_space<vmem>>) offsets(%dma_start3A_50 : memref<128xi32, #tpu.memory_space<vmem>>) semaphore(%arg11 : memref<!tpu.dma_semaphore, #tpu.memory_space<semaphore_mem>>)
    %dma_wait3A_54 = arith.constant 512 : i32
    %dma_wait3A_55 = tpu.memref_slice %arg9[%dma_wait3A_54] : memref<1280xi32, #tpu.memory_space<vmem>> -> memref<128xi32, #tpu.memory_space<vmem>>
    %dma_wait3A_56 = arith.constant 0 : i32
    %dma_wait3A_57 = arith.constant 0 : i32
    %dma_wait3A_58 = tpu.memref_slice %arg2[%dma_wait3A_56, %dma_wait3A_57] : memref<20000x4xf32, #tpu.memory_space<hbm>> -> memref<20000x4xf32, #tpu.memory_space<hbm>>
    tpu.wait_indirect_dma semaphore(%arg11 : memref<!tpu.dma_semaphore, #tpu.memory_space<semaphore_mem>>) src(%dma_wait3A_58 : memref<20000x4xf32, #tpu.memory_space<hbm>>) dst(%arg10 : memref<128x4xf32, #tpu.memory_space<vmem>>)
    %add3A_59 = arith.constant 512 : i32
    %add3A_60 = arith.addi %mul3A_2, %add3A_59 : i32
    "tpu.region"() ({
      %run_scoped3A = tpu.sem_alloc : memref<!tpu.dma_semaphore, #tpu.memory_space<semaphore_mem>>
      %dma_start3A_361 = arith.constant 0 : i32
      %dma_start3A_362 = tpu.memref_slice %arg6[%add3A_60, %dma_start3A_361] : memref<40960x4xf32, #tpu.memory_space<hbm>> -> memref<128x4xf32, #tpu.memory_space<hbm>>
      %dma_start3A_363 = arith.constant 0 : i32
      %dma_start3A_364 = tpu.memref_slice %arg6[%add3A_60, %dma_start3A_363] : memref<40960x4xf32, #tpu.memory_space<hbm>> -> memref<128x4xf32, #tpu.memory_space<hbm>>
      tpu.enqueue_dma source(%arg10 : memref<128x4xf32, #tpu.memory_space<vmem>>) target(%dma_start3A_364 : memref<128x4xf32, #tpu.memory_space<hbm>>) target_semaphore(%run_scoped3A : memref<!tpu.dma_semaphore, #tpu.memory_space<semaphore_mem>>)
      %dma_wait3A_365 = arith.constant 0 : i32
      %dma_wait3A_366 = tpu.memref_slice %arg6[%add3A_60, %dma_wait3A_365] : memref<40960x4xf32, #tpu.memory_space<hbm>> -> memref<128x4xf32, #tpu.memory_space<hbm>>
      %dma_wait3A_367 = arith.constant 0 : i32
      %dma_wait3A_368 = tpu.memref_slice %arg6[%add3A_60, %dma_wait3A_367] : memref<40960x4xf32, #tpu.memory_space<hbm>> -> memref<128x4xf32, #tpu.memory_space<hbm>>
      tpu.wait_dma2 semaphore(%run_scoped3A : memref<!tpu.dma_semaphore, #tpu.memory_space<semaphore_mem>>) src(%arg10 : memref<128x4xf32, #tpu.memory_space<vmem>>) dst(%dma_wait3A_368 : memref<128x4xf32, #tpu.memory_space<hbm>>)
      tpu.yield
    }) : () -> ()
    %dma_start3A_61 = arith.constant 640 : i32
    %dma_start3A_62 = tpu.memref_slice %arg9[%dma_start3A_61] : memref<1280xi32, #tpu.memory_space<vmem>> -> memref<128xi32, #tpu.memory_space<vmem>>
    %dma_start3A_63 = arith.constant 0 : i32
    %dma_start3A_64 = arith.constant 0 : i32
    %dma_start3A_65 = tpu.memref_slice %arg2[%dma_start3A_63, %dma_start3A_64] : memref<20000x4xf32, #tpu.memory_space<hbm>> -> memref<20000x4xf32, #tpu.memory_space<hbm>>
    tpu.enqueue_indirect_dma source(%dma_start3A_65 : memref<20000x4xf32, #tpu.memory_space<hbm>>) target(%arg10 : memref<128x4xf32, #tpu.memory_space<vmem>>) offsets(%dma_start3A_62 : memref<128xi32, #tpu.memory_space<vmem>>) semaphore(%arg11 : memref<!tpu.dma_semaphore, #tpu.memory_space<semaphore_mem>>)
    %dma_wait3A_66 = arith.constant 640 : i32
    %dma_wait3A_67 = tpu.memref_slice %arg9[%dma_wait3A_66] : memref<1280xi32, #tpu.memory_space<vmem>> -> memref<128xi32, #tpu.memory_space<vmem>>
    %dma_wait3A_68 = arith.constant 0 : i32
    %dma_wait3A_69 = arith.constant 0 : i32
    %dma_wait3A_70 = tpu.memref_slice %arg2[%dma_wait3A_68, %dma_wait3A_69] : memref<20000x4xf32, #tpu.memory_space<hbm>> -> memref<20000x4xf32, #tpu.memory_space<hbm>>
    tpu.wait_indirect_dma semaphore(%arg11 : memref<!tpu.dma_semaphore, #tpu.memory_space<semaphore_mem>>) src(%dma_wait3A_70 : memref<20000x4xf32, #tpu.memory_space<hbm>>) dst(%arg10 : memref<128x4xf32, #tpu.memory_space<vmem>>)
    %add3A_71 = arith.constant 640 : i32
    %add3A_72 = arith.addi %mul3A_2, %add3A_71 : i32
    "tpu.region"() ({
      %run_scoped3A = tpu.sem_alloc : memref<!tpu.dma_semaphore, #tpu.memory_space<semaphore_mem>>
      %dma_start3A_361 = arith.constant 0 : i32
      %dma_start3A_362 = tpu.memref_slice %arg6[%add3A_72, %dma_start3A_361] : memref<40960x4xf32, #tpu.memory_space<hbm>> -> memref<128x4xf32, #tpu.memory_space<hbm>>
      %dma_start3A_363 = arith.constant 0 : i32
      %dma_start3A_364 = tpu.memref_slice %arg6[%add3A_72, %dma_start3A_363] : memref<40960x4xf32, #tpu.memory_space<hbm>> -> memref<128x4xf32, #tpu.memory_space<hbm>>
      tpu.enqueue_dma source(%arg10 : memref<128x4xf32, #tpu.memory_space<vmem>>) target(%dma_start3A_364 : memref<128x4xf32, #tpu.memory_space<hbm>>) target_semaphore(%run_scoped3A : memref<!tpu.dma_semaphore, #tpu.memory_space<semaphore_mem>>)
      %dma_wait3A_365 = arith.constant 0 : i32
      %dma_wait3A_366 = tpu.memref_slice %arg6[%add3A_72, %dma_wait3A_365] : memref<40960x4xf32, #tpu.memory_space<hbm>> -> memref<128x4xf32, #tpu.memory_space<hbm>>
      %dma_wait3A_367 = arith.constant 0 : i32
      %dma_wait3A_368 = tpu.memref_slice %arg6[%add3A_72, %dma_wait3A_367] : memref<40960x4xf32, #tpu.memory_space<hbm>> -> memref<128x4xf32, #tpu.memory_space<hbm>>
      tpu.wait_dma2 semaphore(%run_scoped3A : memref<!tpu.dma_semaphore, #tpu.memory_space<semaphore_mem>>) src(%arg10 : memref<128x4xf32, #tpu.memory_space<vmem>>) dst(%dma_wait3A_368 : memref<128x4xf32, #tpu.memory_space<hbm>>)
      tpu.yield
    }) : () -> ()
    %dma_start3A_73 = arith.constant 768 : i32
    %dma_start3A_74 = tpu.memref_slice %arg9[%dma_start3A_73] : memref<1280xi32, #tpu.memory_space<vmem>> -> memref<128xi32, #tpu.memory_space<vmem>>
    %dma_start3A_75 = arith.constant 0 : i32
    %dma_start3A_76 = arith.constant 0 : i32
    %dma_start3A_77 = tpu.memref_slice %arg2[%dma_start3A_75, %dma_start3A_76] : memref<20000x4xf32, #tpu.memory_space<hbm>> -> memref<20000x4xf32, #tpu.memory_space<hbm>>
    tpu.enqueue_indirect_dma source(%dma_start3A_77 : memref<20000x4xf32, #tpu.memory_space<hbm>>) target(%arg10 : memref<128x4xf32, #tpu.memory_space<vmem>>) offsets(%dma_start3A_74 : memref<128xi32, #tpu.memory_space<vmem>>) semaphore(%arg11 : memref<!tpu.dma_semaphore, #tpu.memory_space<semaphore_mem>>)
    %dma_wait3A_78 = arith.constant 768 : i32
    %dma_wait3A_79 = tpu.memref_slice %arg9[%dma_wait3A_78] : memref<1280xi32, #tpu.memory_space<vmem>> -> memref<128xi32, #tpu.memory_space<vmem>>
    %dma_wait3A_80 = arith.constant 0 : i32
    %dma_wait3A_81 = arith.constant 0 : i32
    %dma_wait3A_82 = tpu.memref_slice %arg2[%dma_wait3A_80, %dma_wait3A_81] : memref<20000x4xf32, #tpu.memory_space<hbm>> -> memref<20000x4xf32, #tpu.memory_space<hbm>>
    tpu.wait_indirect_dma semaphore(%arg11 : memref<!tpu.dma_semaphore, #tpu.memory_space<semaphore_mem>>) src(%dma_wait3A_82 : memref<20000x4xf32, #tpu.memory_space<hbm>>) dst(%arg10 : memref<128x4xf32, #tpu.memory_space<vmem>>)
    %add3A_83 = arith.constant 768 : i32
    %add3A_84 = arith.addi %mul3A_2, %add3A_83 : i32
    "tpu.region"() ({
      %run_scoped3A = tpu.sem_alloc : memref<!tpu.dma_semaphore, #tpu.memory_space<semaphore_mem>>
      %dma_start3A_361 = arith.constant 0 : i32
      %dma_start3A_362 = tpu.memref_slice %arg6[%add3A_84, %dma_start3A_361] : memref<40960x4xf32, #tpu.memory_space<hbm>> -> memref<128x4xf32, #tpu.memory_space<hbm>>
      %dma_start3A_363 = arith.constant 0 : i32
      %dma_start3A_364 = tpu.memref_slice %arg6[%add3A_84, %dma_start3A_363] : memref<40960x4xf32, #tpu.memory_space<hbm>> -> memref<128x4xf32, #tpu.memory_space<hbm>>
      tpu.enqueue_dma source(%arg10 : memref<128x4xf32, #tpu.memory_space<vmem>>) target(%dma_start3A_364 : memref<128x4xf32, #tpu.memory_space<hbm>>) target_semaphore(%run_scoped3A : memref<!tpu.dma_semaphore, #tpu.memory_space<semaphore_mem>>)
      %dma_wait3A_365 = arith.constant 0 : i32
      %dma_wait3A_366 = tpu.memref_slice %arg6[%add3A_84, %dma_wait3A_365] : memref<40960x4xf32, #tpu.memory_space<hbm>> -> memref<128x4xf32, #tpu.memory_space<hbm>>
      %dma_wait3A_367 = arith.constant 0 : i32
      %dma_wait3A_368 = tpu.memref_slice %arg6[%add3A_84, %dma_wait3A_367] : memref<40960x4xf32, #tpu.memory_space<hbm>> -> memref<128x4xf32, #tpu.memory_space<hbm>>
      tpu.wait_dma2 semaphore(%run_scoped3A : memref<!tpu.dma_semaphore, #tpu.memory_space<semaphore_mem>>) src(%arg10 : memref<128x4xf32, #tpu.memory_space<vmem>>) dst(%dma_wait3A_368 : memref<128x4xf32, #tpu.memory_space<hbm>>)
      tpu.yield
    }) : () -> ()
    %dma_start3A_85 = arith.constant 896 : i32
    %dma_start3A_86 = tpu.memref_slice %arg9[%dma_start3A_85] : memref<1280xi32, #tpu.memory_space<vmem>> -> memref<128xi32, #tpu.memory_space<vmem>>
    %dma_start3A_87 = arith.constant 0 : i32
    %dma_start3A_88 = arith.constant 0 : i32
    %dma_start3A_89 = tpu.memref_slice %arg2[%dma_start3A_87, %dma_start3A_88] : memref<20000x4xf32, #tpu.memory_space<hbm>> -> memref<20000x4xf32, #tpu.memory_space<hbm>>
    tpu.enqueue_indirect_dma source(%dma_start3A_89 : memref<20000x4xf32, #tpu.memory_space<hbm>>) target(%arg10 : memref<128x4xf32, #tpu.memory_space<vmem>>) offsets(%dma_start3A_86 : memref<128xi32, #tpu.memory_space<vmem>>) semaphore(%arg11 : memref<!tpu.dma_semaphore, #tpu.memory_space<semaphore_mem>>)
    %dma_wait3A_90 = arith.constant 896 : i32
    %dma_wait3A_91 = tpu.memref_slice %arg9[%dma_wait3A_90] : memref<1280xi32, #tpu.memory_space<vmem>> -> memref<128xi32, #tpu.memory_space<vmem>>
    %dma_wait3A_92 = arith.constant 0 : i32
    %dma_wait3A_93 = arith.constant 0 : i32
    %dma_wait3A_94 = tpu.memref_slice %arg2[%dma_wait3A_92, %dma_wait3A_93] : memref<20000x4xf32, #tpu.memory_space<hbm>> -> memref<20000x4xf32, #tpu.memory_space<hbm>>
    tpu.wait_indirect_dma semaphore(%arg11 : memref<!tpu.dma_semaphore, #tpu.memory_space<semaphore_mem>>) src(%dma_wait3A_94 : memref<20000x4xf32, #tpu.memory_space<hbm>>) dst(%arg10 : memref<128x4xf32, #tpu.memory_space<vmem>>)
    %add3A_95 = arith.constant 896 : i32
    %add3A_96 = arith.addi %mul3A_2, %add3A_95 : i32
    "tpu.region"() ({
      %run_scoped3A = tpu.sem_alloc : memref<!tpu.dma_semaphore, #tpu.memory_space<semaphore_mem>>
      %dma_start3A_361 = arith.constant 0 : i32
      %dma_start3A_362 = tpu.memref_slice %arg6[%add3A_96, %dma_start3A_361] : memref<40960x4xf32, #tpu.memory_space<hbm>> -> memref<128x4xf32, #tpu.memory_space<hbm>>
      %dma_start3A_363 = arith.constant 0 : i32
      %dma_start3A_364 = tpu.memref_slice %arg6[%add3A_96, %dma_start3A_363] : memref<40960x4xf32, #tpu.memory_space<hbm>> -> memref<128x4xf32, #tpu.memory_space<hbm>>
      tpu.enqueue_dma source(%arg10 : memref<128x4xf32, #tpu.memory_space<vmem>>) target(%dma_start3A_364 : memref<128x4xf32, #tpu.memory_space<hbm>>) target_semaphore(%run_scoped3A : memref<!tpu.dma_semaphore, #tpu.memory_space<semaphore_mem>>)
      %dma_wait3A_365 = arith.constant 0 : i32
      %dma_wait3A_366 = tpu.memref_slice %arg6[%add3A_96, %dma_wait3A_365] : memref<40960x4xf32, #tpu.memory_space<hbm>> -> memref<128x4xf32, #tpu.memory_space<hbm>>
      %dma_wait3A_367 = arith.constant 0 : i32
      %dma_wait3A_368 = tpu.memref_slice %arg6[%add3A_96, %dma_wait3A_367] : memref<40960x4xf32, #tpu.memory_space<hbm>> -> memref<128x4xf32, #tpu.memory_space<hbm>>
      tpu.wait_dma2 semaphore(%run_scoped3A : memref<!tpu.dma_semaphore, #tpu.memory_space<semaphore_mem>>) src(%arg10 : memref<128x4xf32, #tpu.memory_space<vmem>>) dst(%dma_wait3A_368 : memref<128x4xf32, #tpu.memory_space<hbm>>)
      tpu.yield
    }) : () -> ()
    %dma_start3A_97 = arith.constant 1024 : i32
    %dma_start3A_98 = tpu.memref_slice %arg9[%dma_start3A_97] : memref<1280xi32, #tpu.memory_space<vmem>> -> memref<128xi32, #tpu.memory_space<vmem>>
    %dma_start3A_99 = arith.constant 0 : i32
    %dma_start3A_100 = arith.constant 0 : i32
    %dma_start3A_101 = tpu.memref_slice %arg2[%dma_start3A_99, %dma_start3A_100] : memref<20000x4xf32, #tpu.memory_space<hbm>> -> memref<20000x4xf32, #tpu.memory_space<hbm>>
    tpu.enqueue_indirect_dma source(%dma_start3A_101 : memref<20000x4xf32, #tpu.memory_space<hbm>>) target(%arg10 : memref<128x4xf32, #tpu.memory_space<vmem>>) offsets(%dma_start3A_98 : memref<128xi32, #tpu.memory_space<vmem>>) semaphore(%arg11 : memref<!tpu.dma_semaphore, #tpu.memory_space<semaphore_mem>>)
    %dma_wait3A_102 = arith.constant 1024 : i32
    %dma_wait3A_103 = tpu.memref_slice %arg9[%dma_wait3A_102] : memref<1280xi32, #tpu.memory_space<vmem>> -> memref<128xi32, #tpu.memory_space<vmem>>
    %dma_wait3A_104 = arith.constant 0 : i32
    %dma_wait3A_105 = arith.constant 0 : i32
    %dma_wait3A_106 = tpu.memref_slice %arg2[%dma_wait3A_104, %dma_wait3A_105] : memref<20000x4xf32, #tpu.memory_space<hbm>> -> memref<20000x4xf32, #tpu.memory_space<hbm>>
    tpu.wait_indirect_dma semaphore(%arg11 : memref<!tpu.dma_semaphore, #tpu.memory_space<semaphore_mem>>) src(%dma_wait3A_106 : memref<20000x4xf32, #tpu.memory_space<hbm>>) dst(%arg10 : memref<128x4xf32, #tpu.memory_space<vmem>>)
    %add3A_107 = arith.constant 1024 : i32
    %add3A_108 = arith.addi %mul3A_2, %add3A_107 : i32
    "tpu.region"() ({
      %run_scoped3A = tpu.sem_alloc : memref<!tpu.dma_semaphore, #tpu.memory_space<semaphore_mem>>
      %dma_start3A_361 = arith.constant 0 : i32
      %dma_start3A_362 = tpu.memref_slice %arg6[%add3A_108, %dma_start3A_361] : memref<40960x4xf32, #tpu.memory_space<hbm>> -> memref<128x4xf32, #tpu.memory_space<hbm>>
      %dma_start3A_363 = arith.constant 0 : i32
      %dma_start3A_364 = tpu.memref_slice %arg6[%add3A_108, %dma_start3A_363] : memref<40960x4xf32, #tpu.memory_space<hbm>> -> memref<128x4xf32, #tpu.memory_space<hbm>>
      tpu.enqueue_dma source(%arg10 : memref<128x4xf32, #tpu.memory_space<vmem>>) target(%dma_start3A_364 : memref<128x4xf32, #tpu.memory_space<hbm>>) target_semaphore(%run_scoped3A : memref<!tpu.dma_semaphore, #tpu.memory_space<semaphore_mem>>)
      %dma_wait3A_365 = arith.constant 0 : i32
      %dma_wait3A_366 = tpu.memref_slice %arg6[%add3A_108, %dma_wait3A_365] : memref<40960x4xf32, #tpu.memory_space<hbm>> -> memref<128x4xf32, #tpu.memory_space<hbm>>
      %dma_wait3A_367 = arith.constant 0 : i32
      %dma_wait3A_368 = tpu.memref_slice %arg6[%add3A_108, %dma_wait3A_367] : memref<40960x4xf32, #tpu.memory_space<hbm>> -> memref<128x4xf32, #tpu.memory_space<hbm>>
      tpu.wait_dma2 semaphore(%run_scoped3A : memref<!tpu.dma_semaphore, #tpu.memory_space<semaphore_mem>>) src(%arg10 : memref<128x4xf32, #tpu.memory_space<vmem>>) dst(%dma_wait3A_368 : memref<128x4xf32, #tpu.memory_space<hbm>>)
      tpu.yield
    }) : () -> ()
    %dma_start3A_109 = arith.constant 1152 : i32
    %dma_start3A_110 = tpu.memref_slice %arg9[%dma_start3A_109] : memref<1280xi32, #tpu.memory_space<vmem>> -> memref<128xi32, #tpu.memory_space<vmem>>
    %dma_start3A_111 = arith.constant 0 : i32
    %dma_start3A_112 = arith.constant 0 : i32
    %dma_start3A_113 = tpu.memref_slice %arg2[%dma_start3A_111, %dma_start3A_112] : memref<20000x4xf32, #tpu.memory_space<hbm>> -> memref<20000x4xf32, #tpu.memory_space<hbm>>
    tpu.enqueue_indirect_dma source(%dma_start3A_113 : memref<20000x4xf32, #tpu.memory_space<hbm>>) target(%arg10 : memref<128x4xf32, #tpu.memory_space<vmem>>) offsets(%dma_start3A_110 : memref<128xi32, #tpu.memory_space<vmem>>) semaphore(%arg11 : memref<!tpu.dma_semaphore, #tpu.memory_space<semaphore_mem>>)
    %dma_wait3A_114 = arith.constant 1152 : i32
    %dma_wait3A_115 = tpu.memref_slice %arg9[%dma_wait3A_114] : memref<1280xi32, #tpu.memory_space<vmem>> -> memref<128xi32, #tpu.memory_space<vmem>>
    %dma_wait3A_116 = arith.constant 0 : i32
    %dma_wait3A_117 = arith.constant 0 : i32
    %dma_wait3A_118 = tpu.memref_slice %arg2[%dma_wait3A_116, %dma_wait3A_117] : memref<20000x4xf32, #tpu.memory_space<hbm>> -> memref<20000x4xf32, #tpu.memory_space<hbm>>
    tpu.wait_indirect_dma semaphore(%arg11 : memref<!tpu.dma_semaphore, #tpu.memory_space<semaphore_mem>>) src(%dma_wait3A_118 : memref<20000x4xf32, #tpu.memory_space<hbm>>) dst(%arg10 : memref<128x4xf32, #tpu.memory_space<vmem>>)
    %add3A_119 = arith.constant 1152 : i32
    %add3A_120 = arith.addi %mul3A_2, %add3A_119 : i32
    "tpu.region"() ({
      %run_scoped3A = tpu.sem_alloc : memref<!tpu.dma_semaphore, #tpu.memory_space<semaphore_mem>>
      %dma_start3A_361 = arith.constant 0 : i32
      %dma_start3A_362 = tpu.memref_slice %arg6[%add3A_120, %dma_start3A_361] : memref<40960x4xf32, #tpu.memory_space<hbm>> -> memref<128x4xf32, #tpu.memory_space<hbm>>
      %dma_start3A_363 = arith.constant 0 : i32
      %dma_start3A_364 = tpu.memref_slice %arg6[%add3A_120, %dma_start3A_363] : memref<40960x4xf32, #tpu.memory_space<hbm>> -> memref<128x4xf32, #tpu.memory_space<hbm>>
      tpu.enqueue_dma source(%arg10 : memref<128x4xf32, #tpu.memory_space<vmem>>) target(%dma_start3A_364 : memref<128x4xf32, #tpu.memory_space<hbm>>) target_semaphore(%run_scoped3A : memref<!tpu.dma_semaphore, #tpu.memory_space<semaphore_mem>>)
      %dma_wait3A_365 = arith.constant 0 : i32
      %dma_wait3A_366 = tpu.memref_slice %arg6[%add3A_120, %dma_wait3A_365] : memref<40960x4xf32, #tpu.memory_space<hbm>> -> memref<128x4xf32, #tpu.memory_space<hbm>>
      %dma_wait3A_367 = arith.constant 0 : i32
      %dma_wait3A_368 = tpu.memref_slice %arg6[%add3A_120, %dma_wait3A_367] : memref<40960x4xf32, #tpu.memory_space<hbm>> -> memref<128x4xf32, #tpu.memory_space<hbm>>
      tpu.wait_dma2 semaphore(%run_scoped3A : memref<!tpu.dma_semaphore, #tpu.memory_space<semaphore_mem>>) src(%arg10 : memref<128x4xf32, #tpu.memory_space<vmem>>) dst(%dma_wait3A_368 : memref<128x4xf32, #tpu.memory_space<hbm>>)
      tpu.yield
    }) : () -> ()
    "tpu.region"() ({
      %run_scoped3A = tpu.sem_alloc : memref<!tpu.dma_semaphore, #tpu.memory_space<semaphore_mem>>
      %dma_start3A_361 = arith.constant 0 : i32
      %dma_start3A_362 = tpu.memref_slice %arg9[%dma_start3A_361] : memref<1280xi32, #tpu.memory_space<vmem>> -> memref<1280xi32, #tpu.memory_space<vmem>>
      %dma_start3A_363 = tpu.memref_slice %arg4[%mul3A_2] : memref<40960xi32, #tpu.memory_space<hbm>> -> memref<1280xi32, #tpu.memory_space<hbm>>
      %dma_start3A_364 = arith.constant 0 : i32
      %dma_start3A_365 = tpu.memref_slice %arg9[%dma_start3A_364] : memref<1280xi32, #tpu.memory_space<vmem>> -> memref<1280xi32, #tpu.memory_space<vmem>>
      %dma_start3A_366 = tpu.memref_slice %arg4[%mul3A_2] : memref<40960xi32, #tpu.memory_space<hbm>> -> memref<1280xi32, #tpu.memory_space<hbm>>
      tpu.enqueue_dma source(%dma_start3A_366 : memref<1280xi32, #tpu.memory_space<hbm>>) target(%dma_start3A_365 : memref<1280xi32, #tpu.memory_space<vmem>>) target_semaphore(%run_scoped3A : memref<!tpu.dma_semaphore, #tpu.memory_space<semaphore_mem>>)
      %dma_wait3A_367 = arith.constant 0 : i32
      %dma_wait3A_368 = tpu.memref_slice %arg9[%dma_wait3A_367] : memref<1280xi32, #tpu.memory_space<vmem>> -> memref<1280xi32, #tpu.memory_space<vmem>>
      %dma_wait3A_369 = tpu.memref_slice %arg4[%mul3A_2] : memref<40960xi32, #tpu.memory_space<hbm>> -> memref<1280xi32, #tpu.memory_space<hbm>>
      %dma_wait3A_370 = arith.constant 0 : i32
      %dma_wait3A_371 = tpu.memref_slice %arg9[%dma_wait3A_370] : memref<1280xi32, #tpu.memory_space<vmem>> -> memref<1280xi32, #tpu.memory_space<vmem>>
      %dma_wait3A_372 = tpu.memref_slice %arg4[%mul3A_2] : memref<40960xi32, #tpu.memory_space<hbm>> -> memref<1280xi32, #tpu.memory_space<hbm>>
      tpu.wait_dma2 semaphore(%run_scoped3A : memref<!tpu.dma_semaphore, #tpu.memory_space<semaphore_mem>>) src(%dma_wait3A_372 : memref<1280xi32, #tpu.memory_space<hbm>>) dst(%dma_wait3A_371 : memref<1280xi32, #tpu.memory_space<vmem>>)
      tpu.yield
    }) : () -> ()
    %dma_start3A_121 = arith.constant 0 : i32
    %dma_start3A_122 = tpu.memref_slice %arg9[%dma_start3A_121] : memref<1280xi32, #tpu.memory_space<vmem>> -> memref<128xi32, #tpu.memory_space<vmem>>
    %dma_start3A_123 = arith.constant 0 : i32
    %dma_start3A_124 = arith.constant 0 : i32
    %dma_start3A_125 = tpu.memref_slice %arg2[%dma_start3A_123, %dma_start3A_124] : memref<20000x4xf32, #tpu.memory_space<hbm>> -> memref<20000x4xf32, #tpu.memory_space<hbm>>
    tpu.enqueue_indirect_dma source(%dma_start3A_125 : memref<20000x4xf32, #tpu.memory_space<hbm>>) target(%arg10 : memref<128x4xf32, #tpu.memory_space<vmem>>) offsets(%dma_start3A_122 : memref<128xi32, #tpu.memory_space<vmem>>) semaphore(%arg11 : memref<!tpu.dma_semaphore, #tpu.memory_space<semaphore_mem>>)
    %dma_wait3A_126 = arith.constant 0 : i32
    %dma_wait3A_127 = tpu.memref_slice %arg9[%dma_wait3A_126] : memref<1280xi32, #tpu.memory_space<vmem>> -> memref<128xi32, #tpu.memory_space<vmem>>
    %dma_wait3A_128 = arith.constant 0 : i32
    %dma_wait3A_129 = arith.constant 0 : i32
    %dma_wait3A_130 = tpu.memref_slice %arg2[%dma_wait3A_128, %dma_wait3A_129] : memref<20000x4xf32, #tpu.memory_space<hbm>> -> memref<20000x4xf32, #tpu.memory_space<hbm>>
    tpu.wait_indirect_dma semaphore(%arg11 : memref<!tpu.dma_semaphore, #tpu.memory_space<semaphore_mem>>) src(%dma_wait3A_130 : memref<20000x4xf32, #tpu.memory_space<hbm>>) dst(%arg10 : memref<128x4xf32, #tpu.memory_space<vmem>>)
    %add3A_131 = arith.constant 0 : i32
    %add3A_132 = arith.addi %mul3A_2, %add3A_131 : i32
    "tpu.region"() ({
      %run_scoped3A = tpu.sem_alloc : memref<!tpu.dma_semaphore, #tpu.memory_space<semaphore_mem>>
      %dma_start3A_361 = arith.constant 0 : i32
      %dma_start3A_362 = tpu.memref_slice %arg7[%add3A_132, %dma_start3A_361] : memref<40960x4xf32, #tpu.memory_space<hbm>> -> memref<128x4xf32, #tpu.memory_space<hbm>>
      %dma_start3A_363 = arith.constant 0 : i32
      %dma_start3A_364 = tpu.memref_slice %arg7[%add3A_132, %dma_start3A_363] : memref<40960x4xf32, #tpu.memory_space<hbm>> -> memref<128x4xf32, #tpu.memory_space<hbm>>
      tpu.enqueue_dma source(%arg10 : memref<128x4xf32, #tpu.memory_space<vmem>>) target(%dma_start3A_364 : memref<128x4xf32, #tpu.memory_space<hbm>>) target_semaphore(%run_scoped3A : memref<!tpu.dma_semaphore, #tpu.memory_space<semaphore_mem>>)
      %dma_wait3A_365 = arith.constant 0 : i32
      %dma_wait3A_366 = tpu.memref_slice %arg7[%add3A_132, %dma_wait3A_365] : memref<40960x4xf32, #tpu.memory_space<hbm>> -> memref<128x4xf32, #tpu.memory_space<hbm>>
      %dma_wait3A_367 = arith.constant 0 : i32
      %dma_wait3A_368 = tpu.memref_slice %arg7[%add3A_132, %dma_wait3A_367] : memref<40960x4xf32, #tpu.memory_space<hbm>> -> memref<128x4xf32, #tpu.memory_space<hbm>>
      tpu.wait_dma2 semaphore(%run_scoped3A : memref<!tpu.dma_semaphore, #tpu.memory_space<semaphore_mem>>) src(%arg10 : memref<128x4xf32, #tpu.memory_space<vmem>>) dst(%dma_wait3A_368 : memref<128x4xf32, #tpu.memory_space<hbm>>)
      tpu.yield
    }) : () -> ()
    %dma_start3A_133 = arith.constant 128 : i32
    %dma_start3A_134 = tpu.memref_slice %arg9[%dma_start3A_133] : memref<1280xi32, #tpu.memory_space<vmem>> -> memref<128xi32, #tpu.memory_space<vmem>>
    %dma_start3A_135 = arith.constant 0 : i32
    %dma_start3A_136 = arith.constant 0 : i32
    %dma_start3A_137 = tpu.memref_slice %arg2[%dma_start3A_135, %dma_start3A_136] : memref<20000x4xf32, #tpu.memory_space<hbm>> -> memref<20000x4xf32, #tpu.memory_space<hbm>>
    tpu.enqueue_indirect_dma source(%dma_start3A_137 : memref<20000x4xf32, #tpu.memory_space<hbm>>) target(%arg10 : memref<128x4xf32, #tpu.memory_space<vmem>>) offsets(%dma_start3A_134 : memref<128xi32, #tpu.memory_space<vmem>>) semaphore(%arg11 : memref<!tpu.dma_semaphore, #tpu.memory_space<semaphore_mem>>)
    %dma_wait3A_138 = arith.constant 128 : i32
    %dma_wait3A_139 = tpu.memref_slice %arg9[%dma_wait3A_138] : memref<1280xi32, #tpu.memory_space<vmem>> -> memref<128xi32, #tpu.memory_space<vmem>>
    %dma_wait3A_140 = arith.constant 0 : i32
    %dma_wait3A_141 = arith.constant 0 : i32
    %dma_wait3A_142 = tpu.memref_slice %arg2[%dma_wait3A_140, %dma_wait3A_141] : memref<20000x4xf32, #tpu.memory_space<hbm>> -> memref<20000x4xf32, #tpu.memory_space<hbm>>
    tpu.wait_indirect_dma semaphore(%arg11 : memref<!tpu.dma_semaphore, #tpu.memory_space<semaphore_mem>>) src(%dma_wait3A_142 : memref<20000x4xf32, #tpu.memory_space<hbm>>) dst(%arg10 : memref<128x4xf32, #tpu.memory_space<vmem>>)
    %add3A_143 = arith.constant 128 : i32
    %add3A_144 = arith.addi %mul3A_2, %add3A_143 : i32
    "tpu.region"() ({
      %run_scoped3A = tpu.sem_alloc : memref<!tpu.dma_semaphore, #tpu.memory_space<semaphore_mem>>
      %dma_start3A_361 = arith.constant 0 : i32
      %dma_start3A_362 = tpu.memref_slice %arg7[%add3A_144, %dma_start3A_361] : memref<40960x4xf32, #tpu.memory_space<hbm>> -> memref<128x4xf32, #tpu.memory_space<hbm>>
      %dma_start3A_363 = arith.constant 0 : i32
      %dma_start3A_364 = tpu.memref_slice %arg7[%add3A_144, %dma_start3A_363] : memref<40960x4xf32, #tpu.memory_space<hbm>> -> memref<128x4xf32, #tpu.memory_space<hbm>>
      tpu.enqueue_dma source(%arg10 : memref<128x4xf32, #tpu.memory_space<vmem>>) target(%dma_start3A_364 : memref<128x4xf32, #tpu.memory_space<hbm>>) target_semaphore(%run_scoped3A : memref<!tpu.dma_semaphore, #tpu.memory_space<semaphore_mem>>)
      %dma_wait3A_365 = arith.constant 0 : i32
      %dma_wait3A_366 = tpu.memref_slice %arg7[%add3A_144, %dma_wait3A_365] : memref<40960x4xf32, #tpu.memory_space<hbm>> -> memref<128x4xf32, #tpu.memory_space<hbm>>
      %dma_wait3A_367 = arith.constant 0 : i32
      %dma_wait3A_368 = tpu.memref_slice %arg7[%add3A_144, %dma_wait3A_367] : memref<40960x4xf32, #tpu.memory_space<hbm>> -> memref<128x4xf32, #tpu.memory_space<hbm>>
      tpu.wait_dma2 semaphore(%run_scoped3A : memref<!tpu.dma_semaphore, #tpu.memory_space<semaphore_mem>>) src(%arg10 : memref<128x4xf32, #tpu.memory_space<vmem>>) dst(%dma_wait3A_368 : memref<128x4xf32, #tpu.memory_space<hbm>>)
      tpu.yield
    }) : () -> ()
    %dma_start3A_145 = arith.constant 256 : i32
    %dma_start3A_146 = tpu.memref_slice %arg9[%dma_start3A_145] : memref<1280xi32, #tpu.memory_space<vmem>> -> memref<128xi32, #tpu.memory_space<vmem>>
    %dma_start3A_147 = arith.constant 0 : i32
    %dma_start3A_148 = arith.constant 0 : i32
    %dma_start3A_149 = tpu.memref_slice %arg2[%dma_start3A_147, %dma_start3A_148] : memref<20000x4xf32, #tpu.memory_space<hbm>> -> memref<20000x4xf32, #tpu.memory_space<hbm>>
    tpu.enqueue_indirect_dma source(%dma_start3A_149 : memref<20000x4xf32, #tpu.memory_space<hbm>>) target(%arg10 : memref<128x4xf32, #tpu.memory_space<vmem>>) offsets(%dma_start3A_146 : memref<128xi32, #tpu.memory_space<vmem>>) semaphore(%arg11 : memref<!tpu.dma_semaphore, #tpu.memory_space<semaphore_mem>>)
    %dma_wait3A_150 = arith.constant 256 : i32
    %dma_wait3A_151 = tpu.memref_slice %arg9[%dma_wait3A_150] : memref<1280xi32, #tpu.memory_space<vmem>> -> memref<128xi32, #tpu.memory_space<vmem>>
    %dma_wait3A_152 = arith.constant 0 : i32
    %dma_wait3A_153 = arith.constant 0 : i32
    %dma_wait3A_154 = tpu.memref_slice %arg2[%dma_wait3A_152, %dma_wait3A_153] : memref<20000x4xf32, #tpu.memory_space<hbm>> -> memref<20000x4xf32, #tpu.memory_space<hbm>>
    tpu.wait_indirect_dma semaphore(%arg11 : memref<!tpu.dma_semaphore, #tpu.memory_space<semaphore_mem>>) src(%dma_wait3A_154 : memref<20000x4xf32, #tpu.memory_space<hbm>>) dst(%arg10 : memref<128x4xf32, #tpu.memory_space<vmem>>)
    %add3A_155 = arith.constant 256 : i32
    %add3A_156 = arith.addi %mul3A_2, %add3A_155 : i32
    "tpu.region"() ({
      %run_scoped3A = tpu.sem_alloc : memref<!tpu.dma_semaphore, #tpu.memory_space<semaphore_mem>>
      %dma_start3A_361 = arith.constant 0 : i32
      %dma_start3A_362 = tpu.memref_slice %arg7[%add3A_156, %dma_start3A_361] : memref<40960x4xf32, #tpu.memory_space<hbm>> -> memref<128x4xf32, #tpu.memory_space<hbm>>
      %dma_start3A_363 = arith.constant 0 : i32
      %dma_start3A_364 = tpu.memref_slice %arg7[%add3A_156, %dma_start3A_363] : memref<40960x4xf32, #tpu.memory_space<hbm>> -> memref<128x4xf32, #tpu.memory_space<hbm>>
      tpu.enqueue_dma source(%arg10 : memref<128x4xf32, #tpu.memory_space<vmem>>) target(%dma_start3A_364 : memref<128x4xf32, #tpu.memory_space<hbm>>) target_semaphore(%run_scoped3A : memref<!tpu.dma_semaphore, #tpu.memory_space<semaphore_mem>>)
      %dma_wait3A_365 = arith.constant 0 : i32
      %dma_wait3A_366 = tpu.memref_slice %arg7[%add3A_156, %dma_wait3A_365] : memref<40960x4xf32, #tpu.memory_space<hbm>> -> memref<128x4xf32, #tpu.memory_space<hbm>>
      %dma_wait3A_367 = arith.constant 0 : i32
      %dma_wait3A_368 = tpu.memref_slice %arg7[%add3A_156, %dma_wait3A_367] : memref<40960x4xf32, #tpu.memory_space<hbm>> -> memref<128x4xf32, #tpu.memory_space<hbm>>
      tpu.wait_dma2 semaphore(%run_scoped3A : memref<!tpu.dma_semaphore, #tpu.memory_space<semaphore_mem>>) src(%arg10 : memref<128x4xf32, #tpu.memory_space<vmem>>) dst(%dma_wait3A_368 : memref<128x4xf32, #tpu.memory_space<hbm>>)
      tpu.yield
    }) : () -> ()
    %dma_start3A_157 = arith.constant 384 : i32
    %dma_start3A_158 = tpu.memref_slice %arg9[%dma_start3A_157] : memref<1280xi32, #tpu.memory_space<vmem>> -> memref<128xi32, #tpu.memory_space<vmem>>
    %dma_start3A_159 = arith.constant 0 : i32
    %dma_start3A_160 = arith.constant 0 : i32
    %dma_start3A_161 = tpu.memref_slice %arg2[%dma_start3A_159, %dma_start3A_160] : memref<20000x4xf32, #tpu.memory_space<hbm>> -> memref<20000x4xf32, #tpu.memory_space<hbm>>
    tpu.enqueue_indirect_dma source(%dma_start3A_161 : memref<20000x4xf32, #tpu.memory_space<hbm>>) target(%arg10 : memref<128x4xf32, #tpu.memory_space<vmem>>) offsets(%dma_start3A_158 : memref<128xi32, #tpu.memory_space<vmem>>) semaphore(%arg11 : memref<!tpu.dma_semaphore, #tpu.memory_space<semaphore_mem>>)
    %dma_wait3A_162 = arith.constant 384 : i32
    %dma_wait3A_163 = tpu.memref_slice %arg9[%dma_wait3A_162] : memref<1280xi32, #tpu.memory_space<vmem>> -> memref<128xi32, #tpu.memory_space<vmem>>
    %dma_wait3A_164 = arith.constant 0 : i32
    %dma_wait3A_165 = arith.constant 0 : i32
    %dma_wait3A_166 = tpu.memref_slice %arg2[%dma_wait3A_164, %dma_wait3A_165] : memref<20000x4xf32, #tpu.memory_space<hbm>> -> memref<20000x4xf32, #tpu.memory_space<hbm>>
    tpu.wait_indirect_dma semaphore(%arg11 : memref<!tpu.dma_semaphore, #tpu.memory_space<semaphore_mem>>) src(%dma_wait3A_166 : memref<20000x4xf32, #tpu.memory_space<hbm>>) dst(%arg10 : memref<128x4xf32, #tpu.memory_space<vmem>>)
    %add3A_167 = arith.constant 384 : i32
    %add3A_168 = arith.addi %mul3A_2, %add3A_167 : i32
    "tpu.region"() ({
      %run_scoped3A = tpu.sem_alloc : memref<!tpu.dma_semaphore, #tpu.memory_space<semaphore_mem>>
      %dma_start3A_361 = arith.constant 0 : i32
      %dma_start3A_362 = tpu.memref_slice %arg7[%add3A_168, %dma_start3A_361] : memref<40960x4xf32, #tpu.memory_space<hbm>> -> memref<128x4xf32, #tpu.memory_space<hbm>>
      %dma_start3A_363 = arith.constant 0 : i32
      %dma_start3A_364 = tpu.memref_slice %arg7[%add3A_168, %dma_start3A_363] : memref<40960x4xf32, #tpu.memory_space<hbm>> -> memref<128x4xf32, #tpu.memory_space<hbm>>
      tpu.enqueue_dma source(%arg10 : memref<128x4xf32, #tpu.memory_space<vmem>>) target(%dma_start3A_364 : memref<128x4xf32, #tpu.memory_space<hbm>>) target_semaphore(%run_scoped3A : memref<!tpu.dma_semaphore, #tpu.memory_space<semaphore_mem>>)
      %dma_wait3A_365 = arith.constant 0 : i32
      %dma_wait3A_366 = tpu.memref_slice %arg7[%add3A_168, %dma_wait3A_365] : memref<40960x4xf32, #tpu.memory_space<hbm>> -> memref<128x4xf32, #tpu.memory_space<hbm>>
      %dma_wait3A_367 = arith.constant 0 : i32
      %dma_wait3A_368 = tpu.memref_slice %arg7[%add3A_168, %dma_wait3A_367] : memref<40960x4xf32, #tpu.memory_space<hbm>> -> memref<128x4xf32, #tpu.memory_space<hbm>>
      tpu.wait_dma2 semaphore(%run_scoped3A : memref<!tpu.dma_semaphore, #tpu.memory_space<semaphore_mem>>) src(%arg10 : memref<128x4xf32, #tpu.memory_space<vmem>>) dst(%dma_wait3A_368 : memref<128x4xf32, #tpu.memory_space<hbm>>)
      tpu.yield
    }) : () -> ()
    %dma_start3A_169 = arith.constant 512 : i32
    %dma_start3A_170 = tpu.memref_slice %arg9[%dma_start3A_169] : memref<1280xi32, #tpu.memory_space<vmem>> -> memref<128xi32, #tpu.memory_space<vmem>>
    %dma_start3A_171 = arith.constant 0 : i32
    %dma_start3A_172 = arith.constant 0 : i32
    %dma_start3A_173 = tpu.memref_slice %arg2[%dma_start3A_171, %dma_start3A_172] : memref<20000x4xf32, #tpu.memory_space<hbm>> -> memref<20000x4xf32, #tpu.memory_space<hbm>>
    tpu.enqueue_indirect_dma source(%dma_start3A_173 : memref<20000x4xf32, #tpu.memory_space<hbm>>) target(%arg10 : memref<128x4xf32, #tpu.memory_space<vmem>>) offsets(%dma_start3A_170 : memref<128xi32, #tpu.memory_space<vmem>>) semaphore(%arg11 : memref<!tpu.dma_semaphore, #tpu.memory_space<semaphore_mem>>)
    %dma_wait3A_174 = arith.constant 512 : i32
    %dma_wait3A_175 = tpu.memref_slice %arg9[%dma_wait3A_174] : memref<1280xi32, #tpu.memory_space<vmem>> -> memref<128xi32, #tpu.memory_space<vmem>>
    %dma_wait3A_176 = arith.constant 0 : i32
    %dma_wait3A_177 = arith.constant 0 : i32
    %dma_wait3A_178 = tpu.memref_slice %arg2[%dma_wait3A_176, %dma_wait3A_177] : memref<20000x4xf32, #tpu.memory_space<hbm>> -> memref<20000x4xf32, #tpu.memory_space<hbm>>
    tpu.wait_indirect_dma semaphore(%arg11 : memref<!tpu.dma_semaphore, #tpu.memory_space<semaphore_mem>>) src(%dma_wait3A_178 : memref<20000x4xf32, #tpu.memory_space<hbm>>) dst(%arg10 : memref<128x4xf32, #tpu.memory_space<vmem>>)
    %add3A_179 = arith.constant 512 : i32
    %add3A_180 = arith.addi %mul3A_2, %add3A_179 : i32
    "tpu.region"() ({
      %run_scoped3A = tpu.sem_alloc : memref<!tpu.dma_semaphore, #tpu.memory_space<semaphore_mem>>
      %dma_start3A_361 = arith.constant 0 : i32
      %dma_start3A_362 = tpu.memref_slice %arg7[%add3A_180, %dma_start3A_361] : memref<40960x4xf32, #tpu.memory_space<hbm>> -> memref<128x4xf32, #tpu.memory_space<hbm>>
      %dma_start3A_363 = arith.constant 0 : i32
      %dma_start3A_364 = tpu.memref_slice %arg7[%add3A_180, %dma_start3A_363] : memref<40960x4xf32, #tpu.memory_space<hbm>> -> memref<128x4xf32, #tpu.memory_space<hbm>>
      tpu.enqueue_dma source(%arg10 : memref<128x4xf32, #tpu.memory_space<vmem>>) target(%dma_start3A_364 : memref<128x4xf32, #tpu.memory_space<hbm>>) target_semaphore(%run_scoped3A : memref<!tpu.dma_semaphore, #tpu.memory_space<semaphore_mem>>)
      %dma_wait3A_365 = arith.constant 0 : i32
      %dma_wait3A_366 = tpu.memref_slice %arg7[%add3A_180, %dma_wait3A_365] : memref<40960x4xf32, #tpu.memory_space<hbm>> -> memref<128x4xf32, #tpu.memory_space<hbm>>
      %dma_wait3A_367 = arith.constant 0 : i32
      %dma_wait3A_368 = tpu.memref_slice %arg7[%add3A_180, %dma_wait3A_367] : memref<40960x4xf32, #tpu.memory_space<hbm>> -> memref<128x4xf32, #tpu.memory_space<hbm>>
      tpu.wait_dma2 semaphore(%run_scoped3A : memref<!tpu.dma_semaphore, #tpu.memory_space<semaphore_mem>>) src(%arg10 : memref<128x4xf32, #tpu.memory_space<vmem>>) dst(%dma_wait3A_368 : memref<128x4xf32, #tpu.memory_space<hbm>>)
      tpu.yield
    }) : () -> ()
    %dma_start3A_181 = arith.constant 640 : i32
    %dma_start3A_182 = tpu.memref_slice %arg9[%dma_start3A_181] : memref<1280xi32, #tpu.memory_space<vmem>> -> memref<128xi32, #tpu.memory_space<vmem>>
    %dma_start3A_183 = arith.constant 0 : i32
    %dma_start3A_184 = arith.constant 0 : i32
    %dma_start3A_185 = tpu.memref_slice %arg2[%dma_start3A_183, %dma_start3A_184] : memref<20000x4xf32, #tpu.memory_space<hbm>> -> memref<20000x4xf32, #tpu.memory_space<hbm>>
    tpu.enqueue_indirect_dma source(%dma_start3A_185 : memref<20000x4xf32, #tpu.memory_space<hbm>>) target(%arg10 : memref<128x4xf32, #tpu.memory_space<vmem>>) offsets(%dma_start3A_182 : memref<128xi32, #tpu.memory_space<vmem>>) semaphore(%arg11 : memref<!tpu.dma_semaphore, #tpu.memory_space<semaphore_mem>>)
    %dma_wait3A_186 = arith.constant 640 : i32
    %dma_wait3A_187 = tpu.memref_slice %arg9[%dma_wait3A_186] : memref<1280xi32, #tpu.memory_space<vmem>> -> memref<128xi32, #tpu.memory_space<vmem>>
    %dma_wait3A_188 = arith.constant 0 : i32
    %dma_wait3A_189 = arith.constant 0 : i32
    %dma_wait3A_190 = tpu.memref_slice %arg2[%dma_wait3A_188, %dma_wait3A_189] : memref<20000x4xf32, #tpu.memory_space<hbm>> -> memref<20000x4xf32, #tpu.memory_space<hbm>>
    tpu.wait_indirect_dma semaphore(%arg11 : memref<!tpu.dma_semaphore, #tpu.memory_space<semaphore_mem>>) src(%dma_wait3A_190 : memref<20000x4xf32, #tpu.memory_space<hbm>>) dst(%arg10 : memref<128x4xf32, #tpu.memory_space<vmem>>)
    %add3A_191 = arith.constant 640 : i32
    %add3A_192 = arith.addi %mul3A_2, %add3A_191 : i32
    "tpu.region"() ({
      %run_scoped3A = tpu.sem_alloc : memref<!tpu.dma_semaphore, #tpu.memory_space<semaphore_mem>>
      %dma_start3A_361 = arith.constant 0 : i32
      %dma_start3A_362 = tpu.memref_slice %arg7[%add3A_192, %dma_start3A_361] : memref<40960x4xf32, #tpu.memory_space<hbm>> -> memref<128x4xf32, #tpu.memory_space<hbm>>
      %dma_start3A_363 = arith.constant 0 : i32
      %dma_start3A_364 = tpu.memref_slice %arg7[%add3A_192, %dma_start3A_363] : memref<40960x4xf32, #tpu.memory_space<hbm>> -> memref<128x4xf32, #tpu.memory_space<hbm>>
      tpu.enqueue_dma source(%arg10 : memref<128x4xf32, #tpu.memory_space<vmem>>) target(%dma_start3A_364 : memref<128x4xf32, #tpu.memory_space<hbm>>) target_semaphore(%run_scoped3A : memref<!tpu.dma_semaphore, #tpu.memory_space<semaphore_mem>>)
      %dma_wait3A_365 = arith.constant 0 : i32
      %dma_wait3A_366 = tpu.memref_slice %arg7[%add3A_192, %dma_wait3A_365] : memref<40960x4xf32, #tpu.memory_space<hbm>> -> memref<128x4xf32, #tpu.memory_space<hbm>>
      %dma_wait3A_367 = arith.constant 0 : i32
      %dma_wait3A_368 = tpu.memref_slice %arg7[%add3A_192, %dma_wait3A_367] : memref<40960x4xf32, #tpu.memory_space<hbm>> -> memref<128x4xf32, #tpu.memory_space<hbm>>
      tpu.wait_dma2 semaphore(%run_scoped3A : memref<!tpu.dma_semaphore, #tpu.memory_space<semaphore_mem>>) src(%arg10 : memref<128x4xf32, #tpu.memory_space<vmem>>) dst(%dma_wait3A_368 : memref<128x4xf32, #tpu.memory_space<hbm>>)
      tpu.yield
    }) : () -> ()
    %dma_start3A_193 = arith.constant 768 : i32
    %dma_start3A_194 = tpu.memref_slice %arg9[%dma_start3A_193] : memref<1280xi32, #tpu.memory_space<vmem>> -> memref<128xi32, #tpu.memory_space<vmem>>
    %dma_start3A_195 = arith.constant 0 : i32
    %dma_start3A_196 = arith.constant 0 : i32
    %dma_start3A_197 = tpu.memref_slice %arg2[%dma_start3A_195, %dma_start3A_196] : memref<20000x4xf32, #tpu.memory_space<hbm>> -> memref<20000x4xf32, #tpu.memory_space<hbm>>
    tpu.enqueue_indirect_dma source(%dma_start3A_197 : memref<20000x4xf32, #tpu.memory_space<hbm>>) target(%arg10 : memref<128x4xf32, #tpu.memory_space<vmem>>) offsets(%dma_start3A_194 : memref<128xi32, #tpu.memory_space<vmem>>) semaphore(%arg11 : memref<!tpu.dma_semaphore, #tpu.memory_space<semaphore_mem>>)
    %dma_wait3A_198 = arith.constant 768 : i32
    %dma_wait3A_199 = tpu.memref_slice %arg9[%dma_wait3A_198] : memref<1280xi32, #tpu.memory_space<vmem>> -> memref<128xi32, #tpu.memory_space<vmem>>
    %dma_wait3A_200 = arith.constant 0 : i32
    %dma_wait3A_201 = arith.constant 0 : i32
    %dma_wait3A_202 = tpu.memref_slice %arg2[%dma_wait3A_200, %dma_wait3A_201] : memref<20000x4xf32, #tpu.memory_space<hbm>> -> memref<20000x4xf32, #tpu.memory_space<hbm>>
    tpu.wait_indirect_dma semaphore(%arg11 : memref<!tpu.dma_semaphore, #tpu.memory_space<semaphore_mem>>) src(%dma_wait3A_202 : memref<20000x4xf32, #tpu.memory_space<hbm>>) dst(%arg10 : memref<128x4xf32, #tpu.memory_space<vmem>>)
    %add3A_203 = arith.constant 768 : i32
    %add3A_204 = arith.addi %mul3A_2, %add3A_203 : i32
    "tpu.region"() ({
      %run_scoped3A = tpu.sem_alloc : memref<!tpu.dma_semaphore, #tpu.memory_space<semaphore_mem>>
      %dma_start3A_361 = arith.constant 0 : i32
      %dma_start3A_362 = tpu.memref_slice %arg7[%add3A_204, %dma_start3A_361] : memref<40960x4xf32, #tpu.memory_space<hbm>> -> memref<128x4xf32, #tpu.memory_space<hbm>>
      %dma_start3A_363 = arith.constant 0 : i32
      %dma_start3A_364 = tpu.memref_slice %arg7[%add3A_204, %dma_start3A_363] : memref<40960x4xf32, #tpu.memory_space<hbm>> -> memref<128x4xf32, #tpu.memory_space<hbm>>
      tpu.enqueue_dma source(%arg10 : memref<128x4xf32, #tpu.memory_space<vmem>>) target(%dma_start3A_364 : memref<128x4xf32, #tpu.memory_space<hbm>>) target_semaphore(%run_scoped3A : memref<!tpu.dma_semaphore, #tpu.memory_space<semaphore_mem>>)
      %dma_wait3A_365 = arith.constant 0 : i32
      %dma_wait3A_366 = tpu.memref_slice %arg7[%add3A_204, %dma_wait3A_365] : memref<40960x4xf32, #tpu.memory_space<hbm>> -> memref<128x4xf32, #tpu.memory_space<hbm>>
      %dma_wait3A_367 = arith.constant 0 : i32
      %dma_wait3A_368 = tpu.memref_slice %arg7[%add3A_204, %dma_wait3A_367] : memref<40960x4xf32, #tpu.memory_space<hbm>> -> memref<128x4xf32, #tpu.memory_space<hbm>>
      tpu.wait_dma2 semaphore(%run_scoped3A : memref<!tpu.dma_semaphore, #tpu.memory_space<semaphore_mem>>) src(%arg10 : memref<128x4xf32, #tpu.memory_space<vmem>>) dst(%dma_wait3A_368 : memref<128x4xf32, #tpu.memory_space<hbm>>)
      tpu.yield
    }) : () -> ()
    %dma_start3A_205 = arith.constant 896 : i32
    %dma_start3A_206 = tpu.memref_slice %arg9[%dma_start3A_205] : memref<1280xi32, #tpu.memory_space<vmem>> -> memref<128xi32, #tpu.memory_space<vmem>>
    %dma_start3A_207 = arith.constant 0 : i32
    %dma_start3A_208 = arith.constant 0 : i32
    %dma_start3A_209 = tpu.memref_slice %arg2[%dma_start3A_207, %dma_start3A_208] : memref<20000x4xf32, #tpu.memory_space<hbm>> -> memref<20000x4xf32, #tpu.memory_space<hbm>>
    tpu.enqueue_indirect_dma source(%dma_start3A_209 : memref<20000x4xf32, #tpu.memory_space<hbm>>) target(%arg10 : memref<128x4xf32, #tpu.memory_space<vmem>>) offsets(%dma_start3A_206 : memref<128xi32, #tpu.memory_space<vmem>>) semaphore(%arg11 : memref<!tpu.dma_semaphore, #tpu.memory_space<semaphore_mem>>)
    %dma_wait3A_210 = arith.constant 896 : i32
    %dma_wait3A_211 = tpu.memref_slice %arg9[%dma_wait3A_210] : memref<1280xi32, #tpu.memory_space<vmem>> -> memref<128xi32, #tpu.memory_space<vmem>>
    %dma_wait3A_212 = arith.constant 0 : i32
    %dma_wait3A_213 = arith.constant 0 : i32
    %dma_wait3A_214 = tpu.memref_slice %arg2[%dma_wait3A_212, %dma_wait3A_213] : memref<20000x4xf32, #tpu.memory_space<hbm>> -> memref<20000x4xf32, #tpu.memory_space<hbm>>
    tpu.wait_indirect_dma semaphore(%arg11 : memref<!tpu.dma_semaphore, #tpu.memory_space<semaphore_mem>>) src(%dma_wait3A_214 : memref<20000x4xf32, #tpu.memory_space<hbm>>) dst(%arg10 : memref<128x4xf32, #tpu.memory_space<vmem>>)
    %add3A_215 = arith.constant 896 : i32
    %add3A_216 = arith.addi %mul3A_2, %add3A_215 : i32
    "tpu.region"() ({
      %run_scoped3A = tpu.sem_alloc : memref<!tpu.dma_semaphore, #tpu.memory_space<semaphore_mem>>
      %dma_start3A_361 = arith.constant 0 : i32
      %dma_start3A_362 = tpu.memref_slice %arg7[%add3A_216, %dma_start3A_361] : memref<40960x4xf32, #tpu.memory_space<hbm>> -> memref<128x4xf32, #tpu.memory_space<hbm>>
      %dma_start3A_363 = arith.constant 0 : i32
      %dma_start3A_364 = tpu.memref_slice %arg7[%add3A_216, %dma_start3A_363] : memref<40960x4xf32, #tpu.memory_space<hbm>> -> memref<128x4xf32, #tpu.memory_space<hbm>>
      tpu.enqueue_dma source(%arg10 : memref<128x4xf32, #tpu.memory_space<vmem>>) target(%dma_start3A_364 : memref<128x4xf32, #tpu.memory_space<hbm>>) target_semaphore(%run_scoped3A : memref<!tpu.dma_semaphore, #tpu.memory_space<semaphore_mem>>)
      %dma_wait3A_365 = arith.constant 0 : i32
      %dma_wait3A_366 = tpu.memref_slice %arg7[%add3A_216, %dma_wait3A_365] : memref<40960x4xf32, #tpu.memory_space<hbm>> -> memref<128x4xf32, #tpu.memory_space<hbm>>
      %dma_wait3A_367 = arith.constant 0 : i32
      %dma_wait3A_368 = tpu.memref_slice %arg7[%add3A_216, %dma_wait3A_367] : memref<40960x4xf32, #tpu.memory_space<hbm>> -> memref<128x4xf32, #tpu.memory_space<hbm>>
      tpu.wait_dma2 semaphore(%run_scoped3A : memref<!tpu.dma_semaphore, #tpu.memory_space<semaphore_mem>>) src(%arg10 : memref<128x4xf32, #tpu.memory_space<vmem>>) dst(%dma_wait3A_368 : memref<128x4xf32, #tpu.memory_space<hbm>>)
      tpu.yield
    }) : () -> ()
    %dma_start3A_217 = arith.constant 1024 : i32
    %dma_start3A_218 = tpu.memref_slice %arg9[%dma_start3A_217] : memref<1280xi32, #tpu.memory_space<vmem>> -> memref<128xi32, #tpu.memory_space<vmem>>
    %dma_start3A_219 = arith.constant 0 : i32
    %dma_start3A_220 = arith.constant 0 : i32
    %dma_start3A_221 = tpu.memref_slice %arg2[%dma_start3A_219, %dma_start3A_220] : memref<20000x4xf32, #tpu.memory_space<hbm>> -> memref<20000x4xf32, #tpu.memory_space<hbm>>
    tpu.enqueue_indirect_dma source(%dma_start3A_221 : memref<20000x4xf32, #tpu.memory_space<hbm>>) target(%arg10 : memref<128x4xf32, #tpu.memory_space<vmem>>) offsets(%dma_start3A_218 : memref<128xi32, #tpu.memory_space<vmem>>) semaphore(%arg11 : memref<!tpu.dma_semaphore, #tpu.memory_space<semaphore_mem>>)
    %dma_wait3A_222 = arith.constant 1024 : i32
    %dma_wait3A_223 = tpu.memref_slice %arg9[%dma_wait3A_222] : memref<1280xi32, #tpu.memory_space<vmem>> -> memref<128xi32, #tpu.memory_space<vmem>>
    %dma_wait3A_224 = arith.constant 0 : i32
    %dma_wait3A_225 = arith.constant 0 : i32
    %dma_wait3A_226 = tpu.memref_slice %arg2[%dma_wait3A_224, %dma_wait3A_225] : memref<20000x4xf32, #tpu.memory_space<hbm>> -> memref<20000x4xf32, #tpu.memory_space<hbm>>
    tpu.wait_indirect_dma semaphore(%arg11 : memref<!tpu.dma_semaphore, #tpu.memory_space<semaphore_mem>>) src(%dma_wait3A_226 : memref<20000x4xf32, #tpu.memory_space<hbm>>) dst(%arg10 : memref<128x4xf32, #tpu.memory_space<vmem>>)
    %add3A_227 = arith.constant 1024 : i32
    %add3A_228 = arith.addi %mul3A_2, %add3A_227 : i32
    "tpu.region"() ({
      %run_scoped3A = tpu.sem_alloc : memref<!tpu.dma_semaphore, #tpu.memory_space<semaphore_mem>>
      %dma_start3A_361 = arith.constant 0 : i32
      %dma_start3A_362 = tpu.memref_slice %arg7[%add3A_228, %dma_start3A_361] : memref<40960x4xf32, #tpu.memory_space<hbm>> -> memref<128x4xf32, #tpu.memory_space<hbm>>
      %dma_start3A_363 = arith.constant 0 : i32
      %dma_start3A_364 = tpu.memref_slice %arg7[%add3A_228, %dma_start3A_363] : memref<40960x4xf32, #tpu.memory_space<hbm>> -> memref<128x4xf32, #tpu.memory_space<hbm>>
      tpu.enqueue_dma source(%arg10 : memref<128x4xf32, #tpu.memory_space<vmem>>) target(%dma_start3A_364 : memref<128x4xf32, #tpu.memory_space<hbm>>) target_semaphore(%run_scoped3A : memref<!tpu.dma_semaphore, #tpu.memory_space<semaphore_mem>>)
      %dma_wait3A_365 = arith.constant 0 : i32
      %dma_wait3A_366 = tpu.memref_slice %arg7[%add3A_228, %dma_wait3A_365] : memref<40960x4xf32, #tpu.memory_space<hbm>> -> memref<128x4xf32, #tpu.memory_space<hbm>>
      %dma_wait3A_367 = arith.constant 0 : i32
      %dma_wait3A_368 = tpu.memref_slice %arg7[%add3A_228, %dma_wait3A_367] : memref<40960x4xf32, #tpu.memory_space<hbm>> -> memref<128x4xf32, #tpu.memory_space<hbm>>
      tpu.wait_dma2 semaphore(%run_scoped3A : memref<!tpu.dma_semaphore, #tpu.memory_space<semaphore_mem>>) src(%arg10 : memref<128x4xf32, #tpu.memory_space<vmem>>) dst(%dma_wait3A_368 : memref<128x4xf32, #tpu.memory_space<hbm>>)
      tpu.yield
    }) : () -> ()
    %dma_start3A_229 = arith.constant 1152 : i32
    %dma_start3A_230 = tpu.memref_slice %arg9[%dma_start3A_229] : memref<1280xi32, #tpu.memory_space<vmem>> -> memref<128xi32, #tpu.memory_space<vmem>>
    %dma_start3A_231 = arith.constant 0 : i32
    %dma_start3A_232 = arith.constant 0 : i32
    %dma_start3A_233 = tpu.memref_slice %arg2[%dma_start3A_231, %dma_start3A_232] : memref<20000x4xf32, #tpu.memory_space<hbm>> -> memref<20000x4xf32, #tpu.memory_space<hbm>>
    tpu.enqueue_indirect_dma source(%dma_start3A_233 : memref<20000x4xf32, #tpu.memory_space<hbm>>) target(%arg10 : memref<128x4xf32, #tpu.memory_space<vmem>>) offsets(%dma_start3A_230 : memref<128xi32, #tpu.memory_space<vmem>>) semaphore(%arg11 : memref<!tpu.dma_semaphore, #tpu.memory_space<semaphore_mem>>)
    %dma_wait3A_234 = arith.constant 1152 : i32
    %dma_wait3A_235 = tpu.memref_slice %arg9[%dma_wait3A_234] : memref<1280xi32, #tpu.memory_space<vmem>> -> memref<128xi32, #tpu.memory_space<vmem>>
    %dma_wait3A_236 = arith.constant 0 : i32
    %dma_wait3A_237 = arith.constant 0 : i32
    %dma_wait3A_238 = tpu.memref_slice %arg2[%dma_wait3A_236, %dma_wait3A_237] : memref<20000x4xf32, #tpu.memory_space<hbm>> -> memref<20000x4xf32, #tpu.memory_space<hbm>>
    tpu.wait_indirect_dma semaphore(%arg11 : memref<!tpu.dma_semaphore, #tpu.memory_space<semaphore_mem>>) src(%dma_wait3A_238 : memref<20000x4xf32, #tpu.memory_space<hbm>>) dst(%arg10 : memref<128x4xf32, #tpu.memory_space<vmem>>)
    %add3A_239 = arith.constant 1152 : i32
    %add3A_240 = arith.addi %mul3A_2, %add3A_239 : i32
    "tpu.region"() ({
      %run_scoped3A = tpu.sem_alloc : memref<!tpu.dma_semaphore, #tpu.memory_space<semaphore_mem>>
      %dma_start3A_361 = arith.constant 0 : i32
      %dma_start3A_362 = tpu.memref_slice %arg7[%add3A_240, %dma_start3A_361] : memref<40960x4xf32, #tpu.memory_space<hbm>> -> memref<128x4xf32, #tpu.memory_space<hbm>>
      %dma_start3A_363 = arith.constant 0 : i32
      %dma_start3A_364 = tpu.memref_slice %arg7[%add3A_240, %dma_start3A_363] : memref<40960x4xf32, #tpu.memory_space<hbm>> -> memref<128x4xf32, #tpu.memory_space<hbm>>
      tpu.enqueue_dma source(%arg10 : memref<128x4xf32, #tpu.memory_space<vmem>>) target(%dma_start3A_364 : memref<128x4xf32, #tpu.memory_space<hbm>>) target_semaphore(%run_scoped3A : memref<!tpu.dma_semaphore, #tpu.memory_space<semaphore_mem>>)
      %dma_wait3A_365 = arith.constant 0 : i32
      %dma_wait3A_366 = tpu.memref_slice %arg7[%add3A_240, %dma_wait3A_365] : memref<40960x4xf32, #tpu.memory_space<hbm>> -> memref<128x4xf32, #tpu.memory_space<hbm>>
      %dma_wait3A_367 = arith.constant 0 : i32
      %dma_wait3A_368 = tpu.memref_slice %arg7[%add3A_240, %dma_wait3A_367] : memref<40960x4xf32, #tpu.memory_space<hbm>> -> memref<128x4xf32, #tpu.memory_space<hbm>>
      tpu.wait_dma2 semaphore(%run_scoped3A : memref<!tpu.dma_semaphore, #tpu.memory_space<semaphore_mem>>) src(%arg10 : memref<128x4xf32, #tpu.memory_space<vmem>>) dst(%dma_wait3A_368 : memref<128x4xf32, #tpu.memory_space<hbm>>)
      tpu.yield
    }) : () -> ()
    "tpu.region"() ({
      %run_scoped3A = tpu.sem_alloc : memref<!tpu.dma_semaphore, #tpu.memory_space<semaphore_mem>>
      %dma_start3A_361 = arith.constant 0 : i32
      %dma_start3A_362 = tpu.memref_slice %arg9[%dma_start3A_361] : memref<1280xi32, #tpu.memory_space<vmem>> -> memref<1280xi32, #tpu.memory_space<vmem>>
      %dma_start3A_363 = tpu.memref_slice %arg5[%mul3A_2] : memref<40960xi32, #tpu.memory_space<hbm>> -> memref<1280xi32, #tpu.memory_space<hbm>>
      %dma_start3A_364 = arith.constant 0 : i32
      %dma_start3A_365 = tpu.memref_slice %arg9[%dma_start3A_364] : memref<1280xi32, #tpu.memory_space<vmem>> -> memref<1280xi32, #tpu.memory_space<vmem>>
      %dma_start3A_366 = tpu.memref_slice %arg5[%mul3A_2] : memref<40960xi32, #tpu.memory_space<hbm>> -> memref<1280xi32, #tpu.memory_space<hbm>>
      tpu.enqueue_dma source(%dma_start3A_366 : memref<1280xi32, #tpu.memory_space<hbm>>) target(%dma_start3A_365 : memref<1280xi32, #tpu.memory_space<vmem>>) target_semaphore(%run_scoped3A : memref<!tpu.dma_semaphore, #tpu.memory_space<semaphore_mem>>)
      %dma_wait3A_367 = arith.constant 0 : i32
      %dma_wait3A_368 = tpu.memref_slice %arg9[%dma_wait3A_367] : memref<1280xi32, #tpu.memory_space<vmem>> -> memref<1280xi32, #tpu.memory_space<vmem>>
      %dma_wait3A_369 = tpu.memref_slice %arg5[%mul3A_2] : memref<40960xi32, #tpu.memory_space<hbm>> -> memref<1280xi32, #tpu.memory_space<hbm>>
      %dma_wait3A_370 = arith.constant 0 : i32
      %dma_wait3A_371 = tpu.memref_slice %arg9[%dma_wait3A_370] : memref<1280xi32, #tpu.memory_space<vmem>> -> memref<1280xi32, #tpu.memory_space<vmem>>
      %dma_wait3A_372 = tpu.memref_slice %arg5[%mul3A_2] : memref<40960xi32, #tpu.memory_space<hbm>> -> memref<1280xi32, #tpu.memory_space<hbm>>
      tpu.wait_dma2 semaphore(%run_scoped3A : memref<!tpu.dma_semaphore, #tpu.memory_space<semaphore_mem>>) src(%dma_wait3A_372 : memref<1280xi32, #tpu.memory_space<hbm>>) dst(%dma_wait3A_371 : memref<1280xi32, #tpu.memory_space<vmem>>)
      tpu.yield
    }) : () -> ()
    %dma_start3A_241 = arith.constant 0 : i32
    %dma_start3A_242 = tpu.memref_slice %arg9[%dma_start3A_241] : memref<1280xi32, #tpu.memory_space<vmem>> -> memref<128xi32, #tpu.memory_space<vmem>>
    %dma_start3A_243 = arith.constant 0 : i32
    %dma_start3A_244 = arith.constant 0 : i32
    %dma_start3A_245 = tpu.memref_slice %arg2[%dma_start3A_243, %dma_start3A_244] : memref<20000x4xf32, #tpu.memory_space<hbm>> -> memref<20000x4xf32, #tpu.memory_space<hbm>>
    tpu.enqueue_indirect_dma source(%dma_start3A_245 : memref<20000x4xf32, #tpu.memory_space<hbm>>) target(%arg10 : memref<128x4xf32, #tpu.memory_space<vmem>>) offsets(%dma_start3A_242 : memref<128xi32, #tpu.memory_space<vmem>>) semaphore(%arg11 : memref<!tpu.dma_semaphore, #tpu.memory_space<semaphore_mem>>)
    %dma_wait3A_246 = arith.constant 0 : i32
    %dma_wait3A_247 = tpu.memref_slice %arg9[%dma_wait3A_246] : memref<1280xi32, #tpu.memory_space<vmem>> -> memref<128xi32, #tpu.memory_space<vmem>>
    %dma_wait3A_248 = arith.constant 0 : i32
    %dma_wait3A_249 = arith.constant 0 : i32
    %dma_wait3A_250 = tpu.memref_slice %arg2[%dma_wait3A_248, %dma_wait3A_249] : memref<20000x4xf32, #tpu.memory_space<hbm>> -> memref<20000x4xf32, #tpu.memory_space<hbm>>
    tpu.wait_indirect_dma semaphore(%arg11 : memref<!tpu.dma_semaphore, #tpu.memory_space<semaphore_mem>>) src(%dma_wait3A_250 : memref<20000x4xf32, #tpu.memory_space<hbm>>) dst(%arg10 : memref<128x4xf32, #tpu.memory_space<vmem>>)
    %add3A_251 = arith.constant 0 : i32
    %add3A_252 = arith.addi %mul3A_2, %add3A_251 : i32
    "tpu.region"() ({
      %run_scoped3A = tpu.sem_alloc : memref<!tpu.dma_semaphore, #tpu.memory_space<semaphore_mem>>
      %dma_start3A_361 = arith.constant 0 : i32
      %dma_start3A_362 = tpu.memref_slice %arg8[%add3A_252, %dma_start3A_361] : memref<40960x4xf32, #tpu.memory_space<hbm>> -> memref<128x4xf32, #tpu.memory_space<hbm>>
      %dma_start3A_363 = arith.constant 0 : i32
      %dma_start3A_364 = tpu.memref_slice %arg8[%add3A_252, %dma_start3A_363] : memref<40960x4xf32, #tpu.memory_space<hbm>> -> memref<128x4xf32, #tpu.memory_space<hbm>>
      tpu.enqueue_dma source(%arg10 : memref<128x4xf32, #tpu.memory_space<vmem>>) target(%dma_start3A_364 : memref<128x4xf32, #tpu.memory_space<hbm>>) target_semaphore(%run_scoped3A : memref<!tpu.dma_semaphore, #tpu.memory_space<semaphore_mem>>)
      %dma_wait3A_365 = arith.constant 0 : i32
      %dma_wait3A_366 = tpu.memref_slice %arg8[%add3A_252, %dma_wait3A_365] : memref<40960x4xf32, #tpu.memory_space<hbm>> -> memref<128x4xf32, #tpu.memory_space<hbm>>
      %dma_wait3A_367 = arith.constant 0 : i32
      %dma_wait3A_368 = tpu.memref_slice %arg8[%add3A_252, %dma_wait3A_367] : memref<40960x4xf32, #tpu.memory_space<hbm>> -> memref<128x4xf32, #tpu.memory_space<hbm>>
      tpu.wait_dma2 semaphore(%run_scoped3A : memref<!tpu.dma_semaphore, #tpu.memory_space<semaphore_mem>>) src(%arg10 : memref<128x4xf32, #tpu.memory_space<vmem>>) dst(%dma_wait3A_368 : memref<128x4xf32, #tpu.memory_space<hbm>>)
      tpu.yield
    }) : () -> ()
    %dma_start3A_253 = arith.constant 128 : i32
    %dma_start3A_254 = tpu.memref_slice %arg9[%dma_start3A_253] : memref<1280xi32, #tpu.memory_space<vmem>> -> memref<128xi32, #tpu.memory_space<vmem>>
    %dma_start3A_255 = arith.constant 0 : i32
    %dma_start3A_256 = arith.constant 0 : i32
    %dma_start3A_257 = tpu.memref_slice %arg2[%dma_start3A_255, %dma_start3A_256] : memref<20000x4xf32, #tpu.memory_space<hbm>> -> memref<20000x4xf32, #tpu.memory_space<hbm>>
    tpu.enqueue_indirect_dma source(%dma_start3A_257 : memref<20000x4xf32, #tpu.memory_space<hbm>>) target(%arg10 : memref<128x4xf32, #tpu.memory_space<vmem>>) offsets(%dma_start3A_254 : memref<128xi32, #tpu.memory_space<vmem>>) semaphore(%arg11 : memref<!tpu.dma_semaphore, #tpu.memory_space<semaphore_mem>>)
    %dma_wait3A_258 = arith.constant 128 : i32
    %dma_wait3A_259 = tpu.memref_slice %arg9[%dma_wait3A_258] : memref<1280xi32, #tpu.memory_space<vmem>> -> memref<128xi32, #tpu.memory_space<vmem>>
    %dma_wait3A_260 = arith.constant 0 : i32
    %dma_wait3A_261 = arith.constant 0 : i32
    %dma_wait3A_262 = tpu.memref_slice %arg2[%dma_wait3A_260, %dma_wait3A_261] : memref<20000x4xf32, #tpu.memory_space<hbm>> -> memref<20000x4xf32, #tpu.memory_space<hbm>>
    tpu.wait_indirect_dma semaphore(%arg11 : memref<!tpu.dma_semaphore, #tpu.memory_space<semaphore_mem>>) src(%dma_wait3A_262 : memref<20000x4xf32, #tpu.memory_space<hbm>>) dst(%arg10 : memref<128x4xf32, #tpu.memory_space<vmem>>)
    %add3A_263 = arith.constant 128 : i32
    %add3A_264 = arith.addi %mul3A_2, %add3A_263 : i32
    "tpu.region"() ({
      %run_scoped3A = tpu.sem_alloc : memref<!tpu.dma_semaphore, #tpu.memory_space<semaphore_mem>>
      %dma_start3A_361 = arith.constant 0 : i32
      %dma_start3A_362 = tpu.memref_slice %arg8[%add3A_264, %dma_start3A_361] : memref<40960x4xf32, #tpu.memory_space<hbm>> -> memref<128x4xf32, #tpu.memory_space<hbm>>
      %dma_start3A_363 = arith.constant 0 : i32
      %dma_start3A_364 = tpu.memref_slice %arg8[%add3A_264, %dma_start3A_363] : memref<40960x4xf32, #tpu.memory_space<hbm>> -> memref<128x4xf32, #tpu.memory_space<hbm>>
      tpu.enqueue_dma source(%arg10 : memref<128x4xf32, #tpu.memory_space<vmem>>) target(%dma_start3A_364 : memref<128x4xf32, #tpu.memory_space<hbm>>) target_semaphore(%run_scoped3A : memref<!tpu.dma_semaphore, #tpu.memory_space<semaphore_mem>>)
      %dma_wait3A_365 = arith.constant 0 : i32
      %dma_wait3A_366 = tpu.memref_slice %arg8[%add3A_264, %dma_wait3A_365] : memref<40960x4xf32, #tpu.memory_space<hbm>> -> memref<128x4xf32, #tpu.memory_space<hbm>>
      %dma_wait3A_367 = arith.constant 0 : i32
      %dma_wait3A_368 = tpu.memref_slice %arg8[%add3A_264, %dma_wait3A_367] : memref<40960x4xf32, #tpu.memory_space<hbm>> -> memref<128x4xf32, #tpu.memory_space<hbm>>
      tpu.wait_dma2 semaphore(%run_scoped3A : memref<!tpu.dma_semaphore, #tpu.memory_space<semaphore_mem>>) src(%arg10 : memref<128x4xf32, #tpu.memory_space<vmem>>) dst(%dma_wait3A_368 : memref<128x4xf32, #tpu.memory_space<hbm>>)
      tpu.yield
    }) : () -> ()
    %dma_start3A_265 = arith.constant 256 : i32
    %dma_start3A_266 = tpu.memref_slice %arg9[%dma_start3A_265] : memref<1280xi32, #tpu.memory_space<vmem>> -> memref<128xi32, #tpu.memory_space<vmem>>
    %dma_start3A_267 = arith.constant 0 : i32
    %dma_start3A_268 = arith.constant 0 : i32
    %dma_start3A_269 = tpu.memref_slice %arg2[%dma_start3A_267, %dma_start3A_268] : memref<20000x4xf32, #tpu.memory_space<hbm>> -> memref<20000x4xf32, #tpu.memory_space<hbm>>
    tpu.enqueue_indirect_dma source(%dma_start3A_269 : memref<20000x4xf32, #tpu.memory_space<hbm>>) target(%arg10 : memref<128x4xf32, #tpu.memory_space<vmem>>) offsets(%dma_start3A_266 : memref<128xi32, #tpu.memory_space<vmem>>) semaphore(%arg11 : memref<!tpu.dma_semaphore, #tpu.memory_space<semaphore_mem>>)
    %dma_wait3A_270 = arith.constant 256 : i32
    %dma_wait3A_271 = tpu.memref_slice %arg9[%dma_wait3A_270] : memref<1280xi32, #tpu.memory_space<vmem>> -> memref<128xi32, #tpu.memory_space<vmem>>
    %dma_wait3A_272 = arith.constant 0 : i32
    %dma_wait3A_273 = arith.constant 0 : i32
    %dma_wait3A_274 = tpu.memref_slice %arg2[%dma_wait3A_272, %dma_wait3A_273] : memref<20000x4xf32, #tpu.memory_space<hbm>> -> memref<20000x4xf32, #tpu.memory_space<hbm>>
    tpu.wait_indirect_dma semaphore(%arg11 : memref<!tpu.dma_semaphore, #tpu.memory_space<semaphore_mem>>) src(%dma_wait3A_274 : memref<20000x4xf32, #tpu.memory_space<hbm>>) dst(%arg10 : memref<128x4xf32, #tpu.memory_space<vmem>>)
    %add3A_275 = arith.constant 256 : i32
    %add3A_276 = arith.addi %mul3A_2, %add3A_275 : i32
    "tpu.region"() ({
      %run_scoped3A = tpu.sem_alloc : memref<!tpu.dma_semaphore, #tpu.memory_space<semaphore_mem>>
      %dma_start3A_361 = arith.constant 0 : i32
      %dma_start3A_362 = tpu.memref_slice %arg8[%add3A_276, %dma_start3A_361] : memref<40960x4xf32, #tpu.memory_space<hbm>> -> memref<128x4xf32, #tpu.memory_space<hbm>>
      %dma_start3A_363 = arith.constant 0 : i32
      %dma_start3A_364 = tpu.memref_slice %arg8[%add3A_276, %dma_start3A_363] : memref<40960x4xf32, #tpu.memory_space<hbm>> -> memref<128x4xf32, #tpu.memory_space<hbm>>
      tpu.enqueue_dma source(%arg10 : memref<128x4xf32, #tpu.memory_space<vmem>>) target(%dma_start3A_364 : memref<128x4xf32, #tpu.memory_space<hbm>>) target_semaphore(%run_scoped3A : memref<!tpu.dma_semaphore, #tpu.memory_space<semaphore_mem>>)
      %dma_wait3A_365 = arith.constant 0 : i32
      %dma_wait3A_366 = tpu.memref_slice %arg8[%add3A_276, %dma_wait3A_365] : memref<40960x4xf32, #tpu.memory_space<hbm>> -> memref<128x4xf32, #tpu.memory_space<hbm>>
      %dma_wait3A_367 = arith.constant 0 : i32
      %dma_wait3A_368 = tpu.memref_slice %arg8[%add3A_276, %dma_wait3A_367] : memref<40960x4xf32, #tpu.memory_space<hbm>> -> memref<128x4xf32, #tpu.memory_space<hbm>>
      tpu.wait_dma2 semaphore(%run_scoped3A : memref<!tpu.dma_semaphore, #tpu.memory_space<semaphore_mem>>) src(%arg10 : memref<128x4xf32, #tpu.memory_space<vmem>>) dst(%dma_wait3A_368 : memref<128x4xf32, #tpu.memory_space<hbm>>)
      tpu.yield
    }) : () -> ()
    %dma_start3A_277 = arith.constant 384 : i32
    %dma_start3A_278 = tpu.memref_slice %arg9[%dma_start3A_277] : memref<1280xi32, #tpu.memory_space<vmem>> -> memref<128xi32, #tpu.memory_space<vmem>>
    %dma_start3A_279 = arith.constant 0 : i32
    %dma_start3A_280 = arith.constant 0 : i32
    %dma_start3A_281 = tpu.memref_slice %arg2[%dma_start3A_279, %dma_start3A_280] : memref<20000x4xf32, #tpu.memory_space<hbm>> -> memref<20000x4xf32, #tpu.memory_space<hbm>>
    tpu.enqueue_indirect_dma source(%dma_start3A_281 : memref<20000x4xf32, #tpu.memory_space<hbm>>) target(%arg10 : memref<128x4xf32, #tpu.memory_space<vmem>>) offsets(%dma_start3A_278 : memref<128xi32, #tpu.memory_space<vmem>>) semaphore(%arg11 : memref<!tpu.dma_semaphore, #tpu.memory_space<semaphore_mem>>)
    %dma_wait3A_282 = arith.constant 384 : i32
    %dma_wait3A_283 = tpu.memref_slice %arg9[%dma_wait3A_282] : memref<1280xi32, #tpu.memory_space<vmem>> -> memref<128xi32, #tpu.memory_space<vmem>>
    %dma_wait3A_284 = arith.constant 0 : i32
    %dma_wait3A_285 = arith.constant 0 : i32
    %dma_wait3A_286 = tpu.memref_slice %arg2[%dma_wait3A_284, %dma_wait3A_285] : memref<20000x4xf32, #tpu.memory_space<hbm>> -> memref<20000x4xf32, #tpu.memory_space<hbm>>
    tpu.wait_indirect_dma semaphore(%arg11 : memref<!tpu.dma_semaphore, #tpu.memory_space<semaphore_mem>>) src(%dma_wait3A_286 : memref<20000x4xf32, #tpu.memory_space<hbm>>) dst(%arg10 : memref<128x4xf32, #tpu.memory_space<vmem>>)
    %add3A_287 = arith.constant 384 : i32
    %add3A_288 = arith.addi %mul3A_2, %add3A_287 : i32
    "tpu.region"() ({
      %run_scoped3A = tpu.sem_alloc : memref<!tpu.dma_semaphore, #tpu.memory_space<semaphore_mem>>
      %dma_start3A_361 = arith.constant 0 : i32
      %dma_start3A_362 = tpu.memref_slice %arg8[%add3A_288, %dma_start3A_361] : memref<40960x4xf32, #tpu.memory_space<hbm>> -> memref<128x4xf32, #tpu.memory_space<hbm>>
      %dma_start3A_363 = arith.constant 0 : i32
      %dma_start3A_364 = tpu.memref_slice %arg8[%add3A_288, %dma_start3A_363] : memref<40960x4xf32, #tpu.memory_space<hbm>> -> memref<128x4xf32, #tpu.memory_space<hbm>>
      tpu.enqueue_dma source(%arg10 : memref<128x4xf32, #tpu.memory_space<vmem>>) target(%dma_start3A_364 : memref<128x4xf32, #tpu.memory_space<hbm>>) target_semaphore(%run_scoped3A : memref<!tpu.dma_semaphore, #tpu.memory_space<semaphore_mem>>)
      %dma_wait3A_365 = arith.constant 0 : i32
      %dma_wait3A_366 = tpu.memref_slice %arg8[%add3A_288, %dma_wait3A_365] : memref<40960x4xf32, #tpu.memory_space<hbm>> -> memref<128x4xf32, #tpu.memory_space<hbm>>
      %dma_wait3A_367 = arith.constant 0 : i32
      %dma_wait3A_368 = tpu.memref_slice %arg8[%add3A_288, %dma_wait3A_367] : memref<40960x4xf32, #tpu.memory_space<hbm>> -> memref<128x4xf32, #tpu.memory_space<hbm>>
      tpu.wait_dma2 semaphore(%run_scoped3A : memref<!tpu.dma_semaphore, #tpu.memory_space<semaphore_mem>>) src(%arg10 : memref<128x4xf32, #tpu.memory_space<vmem>>) dst(%dma_wait3A_368 : memref<128x4xf32, #tpu.memory_space<hbm>>)
      tpu.yield
    }) : () -> ()
    %dma_start3A_289 = arith.constant 512 : i32
    %dma_start3A_290 = tpu.memref_slice %arg9[%dma_start3A_289] : memref<1280xi32, #tpu.memory_space<vmem>> -> memref<128xi32, #tpu.memory_space<vmem>>
    %dma_start3A_291 = arith.constant 0 : i32
    %dma_start3A_292 = arith.constant 0 : i32
    %dma_start3A_293 = tpu.memref_slice %arg2[%dma_start3A_291, %dma_start3A_292] : memref<20000x4xf32, #tpu.memory_space<hbm>> -> memref<20000x4xf32, #tpu.memory_space<hbm>>
    tpu.enqueue_indirect_dma source(%dma_start3A_293 : memref<20000x4xf32, #tpu.memory_space<hbm>>) target(%arg10 : memref<128x4xf32, #tpu.memory_space<vmem>>) offsets(%dma_start3A_290 : memref<128xi32, #tpu.memory_space<vmem>>) semaphore(%arg11 : memref<!tpu.dma_semaphore, #tpu.memory_space<semaphore_mem>>)
    %dma_wait3A_294 = arith.constant 512 : i32
    %dma_wait3A_295 = tpu.memref_slice %arg9[%dma_wait3A_294] : memref<1280xi32, #tpu.memory_space<vmem>> -> memref<128xi32, #tpu.memory_space<vmem>>
    %dma_wait3A_296 = arith.constant 0 : i32
    %dma_wait3A_297 = arith.constant 0 : i32
    %dma_wait3A_298 = tpu.memref_slice %arg2[%dma_wait3A_296, %dma_wait3A_297] : memref<20000x4xf32, #tpu.memory_space<hbm>> -> memref<20000x4xf32, #tpu.memory_space<hbm>>
    tpu.wait_indirect_dma semaphore(%arg11 : memref<!tpu.dma_semaphore, #tpu.memory_space<semaphore_mem>>) src(%dma_wait3A_298 : memref<20000x4xf32, #tpu.memory_space<hbm>>) dst(%arg10 : memref<128x4xf32, #tpu.memory_space<vmem>>)
    %add3A_299 = arith.constant 512 : i32
    %add3A_300 = arith.addi %mul3A_2, %add3A_299 : i32
    "tpu.region"() ({
      %run_scoped3A = tpu.sem_alloc : memref<!tpu.dma_semaphore, #tpu.memory_space<semaphore_mem>>
      %dma_start3A_361 = arith.constant 0 : i32
      %dma_start3A_362 = tpu.memref_slice %arg8[%add3A_300, %dma_start3A_361] : memref<40960x4xf32, #tpu.memory_space<hbm>> -> memref<128x4xf32, #tpu.memory_space<hbm>>
      %dma_start3A_363 = arith.constant 0 : i32
      %dma_start3A_364 = tpu.memref_slice %arg8[%add3A_300, %dma_start3A_363] : memref<40960x4xf32, #tpu.memory_space<hbm>> -> memref<128x4xf32, #tpu.memory_space<hbm>>
      tpu.enqueue_dma source(%arg10 : memref<128x4xf32, #tpu.memory_space<vmem>>) target(%dma_start3A_364 : memref<128x4xf32, #tpu.memory_space<hbm>>) target_semaphore(%run_scoped3A : memref<!tpu.dma_semaphore, #tpu.memory_space<semaphore_mem>>)
      %dma_wait3A_365 = arith.constant 0 : i32
      %dma_wait3A_366 = tpu.memref_slice %arg8[%add3A_300, %dma_wait3A_365] : memref<40960x4xf32, #tpu.memory_space<hbm>> -> memref<128x4xf32, #tpu.memory_space<hbm>>
      %dma_wait3A_367 = arith.constant 0 : i32
      %dma_wait3A_368 = tpu.memref_slice %arg8[%add3A_300, %dma_wait3A_367] : memref<40960x4xf32, #tpu.memory_space<hbm>> -> memref<128x4xf32, #tpu.memory_space<hbm>>
      tpu.wait_dma2 semaphore(%run_scoped3A : memref<!tpu.dma_semaphore, #tpu.memory_space<semaphore_mem>>) src(%arg10 : memref<128x4xf32, #tpu.memory_space<vmem>>) dst(%dma_wait3A_368 : memref<128x4xf32, #tpu.memory_space<hbm>>)
      tpu.yield
    }) : () -> ()
    %dma_start3A_301 = arith.constant 640 : i32
    %dma_start3A_302 = tpu.memref_slice %arg9[%dma_start3A_301] : memref<1280xi32, #tpu.memory_space<vmem>> -> memref<128xi32, #tpu.memory_space<vmem>>
    %dma_start3A_303 = arith.constant 0 : i32
    %dma_start3A_304 = arith.constant 0 : i32
    %dma_start3A_305 = tpu.memref_slice %arg2[%dma_start3A_303, %dma_start3A_304] : memref<20000x4xf32, #tpu.memory_space<hbm>> -> memref<20000x4xf32, #tpu.memory_space<hbm>>
    tpu.enqueue_indirect_dma source(%dma_start3A_305 : memref<20000x4xf32, #tpu.memory_space<hbm>>) target(%arg10 : memref<128x4xf32, #tpu.memory_space<vmem>>) offsets(%dma_start3A_302 : memref<128xi32, #tpu.memory_space<vmem>>) semaphore(%arg11 : memref<!tpu.dma_semaphore, #tpu.memory_space<semaphore_mem>>)
    %dma_wait3A_306 = arith.constant 640 : i32
    %dma_wait3A_307 = tpu.memref_slice %arg9[%dma_wait3A_306] : memref<1280xi32, #tpu.memory_space<vmem>> -> memref<128xi32, #tpu.memory_space<vmem>>
    %dma_wait3A_308 = arith.constant 0 : i32
    %dma_wait3A_309 = arith.constant 0 : i32
    %dma_wait3A_310 = tpu.memref_slice %arg2[%dma_wait3A_308, %dma_wait3A_309] : memref<20000x4xf32, #tpu.memory_space<hbm>> -> memref<20000x4xf32, #tpu.memory_space<hbm>>
    tpu.wait_indirect_dma semaphore(%arg11 : memref<!tpu.dma_semaphore, #tpu.memory_space<semaphore_mem>>) src(%dma_wait3A_310 : memref<20000x4xf32, #tpu.memory_space<hbm>>) dst(%arg10 : memref<128x4xf32, #tpu.memory_space<vmem>>)
    %add3A_311 = arith.constant 640 : i32
    %add3A_312 = arith.addi %mul3A_2, %add3A_311 : i32
    "tpu.region"() ({
      %run_scoped3A = tpu.sem_alloc : memref<!tpu.dma_semaphore, #tpu.memory_space<semaphore_mem>>
      %dma_start3A_361 = arith.constant 0 : i32
      %dma_start3A_362 = tpu.memref_slice %arg8[%add3A_312, %dma_start3A_361] : memref<40960x4xf32, #tpu.memory_space<hbm>> -> memref<128x4xf32, #tpu.memory_space<hbm>>
      %dma_start3A_363 = arith.constant 0 : i32
      %dma_start3A_364 = tpu.memref_slice %arg8[%add3A_312, %dma_start3A_363] : memref<40960x4xf32, #tpu.memory_space<hbm>> -> memref<128x4xf32, #tpu.memory_space<hbm>>
      tpu.enqueue_dma source(%arg10 : memref<128x4xf32, #tpu.memory_space<vmem>>) target(%dma_start3A_364 : memref<128x4xf32, #tpu.memory_space<hbm>>) target_semaphore(%run_scoped3A : memref<!tpu.dma_semaphore, #tpu.memory_space<semaphore_mem>>)
      %dma_wait3A_365 = arith.constant 0 : i32
      %dma_wait3A_366 = tpu.memref_slice %arg8[%add3A_312, %dma_wait3A_365] : memref<40960x4xf32, #tpu.memory_space<hbm>> -> memref<128x4xf32, #tpu.memory_space<hbm>>
      %dma_wait3A_367 = arith.constant 0 : i32
      %dma_wait3A_368 = tpu.memref_slice %arg8[%add3A_312, %dma_wait3A_367] : memref<40960x4xf32, #tpu.memory_space<hbm>> -> memref<128x4xf32, #tpu.memory_space<hbm>>
      tpu.wait_dma2 semaphore(%run_scoped3A : memref<!tpu.dma_semaphore, #tpu.memory_space<semaphore_mem>>) src(%arg10 : memref<128x4xf32, #tpu.memory_space<vmem>>) dst(%dma_wait3A_368 : memref<128x4xf32, #tpu.memory_space<hbm>>)
      tpu.yield
    }) : () -> ()
    %dma_start3A_313 = arith.constant 768 : i32
    %dma_start3A_314 = tpu.memref_slice %arg9[%dma_start3A_313] : memref<1280xi32, #tpu.memory_space<vmem>> -> memref<128xi32, #tpu.memory_space<vmem>>
    %dma_start3A_315 = arith.constant 0 : i32
    %dma_start3A_316 = arith.constant 0 : i32
    %dma_start3A_317 = tpu.memref_slice %arg2[%dma_start3A_315, %dma_start3A_316] : memref<20000x4xf32, #tpu.memory_space<hbm>> -> memref<20000x4xf32, #tpu.memory_space<hbm>>
    tpu.enqueue_indirect_dma source(%dma_start3A_317 : memref<20000x4xf32, #tpu.memory_space<hbm>>) target(%arg10 : memref<128x4xf32, #tpu.memory_space<vmem>>) offsets(%dma_start3A_314 : memref<128xi32, #tpu.memory_space<vmem>>) semaphore(%arg11 : memref<!tpu.dma_semaphore, #tpu.memory_space<semaphore_mem>>)
    %dma_wait3A_318 = arith.constant 768 : i32
    %dma_wait3A_319 = tpu.memref_slice %arg9[%dma_wait3A_318] : memref<1280xi32, #tpu.memory_space<vmem>> -> memref<128xi32, #tpu.memory_space<vmem>>
    %dma_wait3A_320 = arith.constant 0 : i32
    %dma_wait3A_321 = arith.constant 0 : i32
    %dma_wait3A_322 = tpu.memref_slice %arg2[%dma_wait3A_320, %dma_wait3A_321] : memref<20000x4xf32, #tpu.memory_space<hbm>> -> memref<20000x4xf32, #tpu.memory_space<hbm>>
    tpu.wait_indirect_dma semaphore(%arg11 : memref<!tpu.dma_semaphore, #tpu.memory_space<semaphore_mem>>) src(%dma_wait3A_322 : memref<20000x4xf32, #tpu.memory_space<hbm>>) dst(%arg10 : memref<128x4xf32, #tpu.memory_space<vmem>>)
    %add3A_323 = arith.constant 768 : i32
    %add3A_324 = arith.addi %mul3A_2, %add3A_323 : i32
    "tpu.region"() ({
      %run_scoped3A = tpu.sem_alloc : memref<!tpu.dma_semaphore, #tpu.memory_space<semaphore_mem>>
      %dma_start3A_361 = arith.constant 0 : i32
      %dma_start3A_362 = tpu.memref_slice %arg8[%add3A_324, %dma_start3A_361] : memref<40960x4xf32, #tpu.memory_space<hbm>> -> memref<128x4xf32, #tpu.memory_space<hbm>>
      %dma_start3A_363 = arith.constant 0 : i32
      %dma_start3A_364 = tpu.memref_slice %arg8[%add3A_324, %dma_start3A_363] : memref<40960x4xf32, #tpu.memory_space<hbm>> -> memref<128x4xf32, #tpu.memory_space<hbm>>
      tpu.enqueue_dma source(%arg10 : memref<128x4xf32, #tpu.memory_space<vmem>>) target(%dma_start3A_364 : memref<128x4xf32, #tpu.memory_space<hbm>>) target_semaphore(%run_scoped3A : memref<!tpu.dma_semaphore, #tpu.memory_space<semaphore_mem>>)
      %dma_wait3A_365 = arith.constant 0 : i32
      %dma_wait3A_366 = tpu.memref_slice %arg8[%add3A_324, %dma_wait3A_365] : memref<40960x4xf32, #tpu.memory_space<hbm>> -> memref<128x4xf32, #tpu.memory_space<hbm>>
      %dma_wait3A_367 = arith.constant 0 : i32
      %dma_wait3A_368 = tpu.memref_slice %arg8[%add3A_324, %dma_wait3A_367] : memref<40960x4xf32, #tpu.memory_space<hbm>> -> memref<128x4xf32, #tpu.memory_space<hbm>>
      tpu.wait_dma2 semaphore(%run_scoped3A : memref<!tpu.dma_semaphore, #tpu.memory_space<semaphore_mem>>) src(%arg10 : memref<128x4xf32, #tpu.memory_space<vmem>>) dst(%dma_wait3A_368 : memref<128x4xf32, #tpu.memory_space<hbm>>)
      tpu.yield
    }) : () -> ()
    %dma_start3A_325 = arith.constant 896 : i32
    %dma_start3A_326 = tpu.memref_slice %arg9[%dma_start3A_325] : memref<1280xi32, #tpu.memory_space<vmem>> -> memref<128xi32, #tpu.memory_space<vmem>>
    %dma_start3A_327 = arith.constant 0 : i32
    %dma_start3A_328 = arith.constant 0 : i32
    %dma_start3A_329 = tpu.memref_slice %arg2[%dma_start3A_327, %dma_start3A_328] : memref<20000x4xf32, #tpu.memory_space<hbm>> -> memref<20000x4xf32, #tpu.memory_space<hbm>>
    tpu.enqueue_indirect_dma source(%dma_start3A_329 : memref<20000x4xf32, #tpu.memory_space<hbm>>) target(%arg10 : memref<128x4xf32, #tpu.memory_space<vmem>>) offsets(%dma_start3A_326 : memref<128xi32, #tpu.memory_space<vmem>>) semaphore(%arg11 : memref<!tpu.dma_semaphore, #tpu.memory_space<semaphore_mem>>)
    %dma_wait3A_330 = arith.constant 896 : i32
    %dma_wait3A_331 = tpu.memref_slice %arg9[%dma_wait3A_330] : memref<1280xi32, #tpu.memory_space<vmem>> -> memref<128xi32, #tpu.memory_space<vmem>>
    %dma_wait3A_332 = arith.constant 0 : i32
    %dma_wait3A_333 = arith.constant 0 : i32
    %dma_wait3A_334 = tpu.memref_slice %arg2[%dma_wait3A_332, %dma_wait3A_333] : memref<20000x4xf32, #tpu.memory_space<hbm>> -> memref<20000x4xf32, #tpu.memory_space<hbm>>
    tpu.wait_indirect_dma semaphore(%arg11 : memref<!tpu.dma_semaphore, #tpu.memory_space<semaphore_mem>>) src(%dma_wait3A_334 : memref<20000x4xf32, #tpu.memory_space<hbm>>) dst(%arg10 : memref<128x4xf32, #tpu.memory_space<vmem>>)
    %add3A_335 = arith.constant 896 : i32
    %add3A_336 = arith.addi %mul3A_2, %add3A_335 : i32
    "tpu.region"() ({
      %run_scoped3A = tpu.sem_alloc : memref<!tpu.dma_semaphore, #tpu.memory_space<semaphore_mem>>
      %dma_start3A_361 = arith.constant 0 : i32
      %dma_start3A_362 = tpu.memref_slice %arg8[%add3A_336, %dma_start3A_361] : memref<40960x4xf32, #tpu.memory_space<hbm>> -> memref<128x4xf32, #tpu.memory_space<hbm>>
      %dma_start3A_363 = arith.constant 0 : i32
      %dma_start3A_364 = tpu.memref_slice %arg8[%add3A_336, %dma_start3A_363] : memref<40960x4xf32, #tpu.memory_space<hbm>> -> memref<128x4xf32, #tpu.memory_space<hbm>>
      tpu.enqueue_dma source(%arg10 : memref<128x4xf32, #tpu.memory_space<vmem>>) target(%dma_start3A_364 : memref<128x4xf32, #tpu.memory_space<hbm>>) target_semaphore(%run_scoped3A : memref<!tpu.dma_semaphore, #tpu.memory_space<semaphore_mem>>)
      %dma_wait3A_365 = arith.constant 0 : i32
      %dma_wait3A_366 = tpu.memref_slice %arg8[%add3A_336, %dma_wait3A_365] : memref<40960x4xf32, #tpu.memory_space<hbm>> -> memref<128x4xf32, #tpu.memory_space<hbm>>
      %dma_wait3A_367 = arith.constant 0 : i32
      %dma_wait3A_368 = tpu.memref_slice %arg8[%add3A_336, %dma_wait3A_367] : memref<40960x4xf32, #tpu.memory_space<hbm>> -> memref<128x4xf32, #tpu.memory_space<hbm>>
      tpu.wait_dma2 semaphore(%run_scoped3A : memref<!tpu.dma_semaphore, #tpu.memory_space<semaphore_mem>>) src(%arg10 : memref<128x4xf32, #tpu.memory_space<vmem>>) dst(%dma_wait3A_368 : memref<128x4xf32, #tpu.memory_space<hbm>>)
      tpu.yield
    }) : () -> ()
    %dma_start3A_337 = arith.constant 1024 : i32
    %dma_start3A_338 = tpu.memref_slice %arg9[%dma_start3A_337] : memref<1280xi32, #tpu.memory_space<vmem>> -> memref<128xi32, #tpu.memory_space<vmem>>
    %dma_start3A_339 = arith.constant 0 : i32
    %dma_start3A_340 = arith.constant 0 : i32
    %dma_start3A_341 = tpu.memref_slice %arg2[%dma_start3A_339, %dma_start3A_340] : memref<20000x4xf32, #tpu.memory_space<hbm>> -> memref<20000x4xf32, #tpu.memory_space<hbm>>
    tpu.enqueue_indirect_dma source(%dma_start3A_341 : memref<20000x4xf32, #tpu.memory_space<hbm>>) target(%arg10 : memref<128x4xf32, #tpu.memory_space<vmem>>) offsets(%dma_start3A_338 : memref<128xi32, #tpu.memory_space<vmem>>) semaphore(%arg11 : memref<!tpu.dma_semaphore, #tpu.memory_space<semaphore_mem>>)
    %dma_wait3A_342 = arith.constant 1024 : i32
    %dma_wait3A_343 = tpu.memref_slice %arg9[%dma_wait3A_342] : memref<1280xi32, #tpu.memory_space<vmem>> -> memref<128xi32, #tpu.memory_space<vmem>>
    %dma_wait3A_344 = arith.constant 0 : i32
    %dma_wait3A_345 = arith.constant 0 : i32
    %dma_wait3A_346 = tpu.memref_slice %arg2[%dma_wait3A_344, %dma_wait3A_345] : memref<20000x4xf32, #tpu.memory_space<hbm>> -> memref<20000x4xf32, #tpu.memory_space<hbm>>
    tpu.wait_indirect_dma semaphore(%arg11 : memref<!tpu.dma_semaphore, #tpu.memory_space<semaphore_mem>>) src(%dma_wait3A_346 : memref<20000x4xf32, #tpu.memory_space<hbm>>) dst(%arg10 : memref<128x4xf32, #tpu.memory_space<vmem>>)
    %add3A_347 = arith.constant 1024 : i32
    %add3A_348 = arith.addi %mul3A_2, %add3A_347 : i32
    "tpu.region"() ({
      %run_scoped3A = tpu.sem_alloc : memref<!tpu.dma_semaphore, #tpu.memory_space<semaphore_mem>>
      %dma_start3A_361 = arith.constant 0 : i32
      %dma_start3A_362 = tpu.memref_slice %arg8[%add3A_348, %dma_start3A_361] : memref<40960x4xf32, #tpu.memory_space<hbm>> -> memref<128x4xf32, #tpu.memory_space<hbm>>
      %dma_start3A_363 = arith.constant 0 : i32
      %dma_start3A_364 = tpu.memref_slice %arg8[%add3A_348, %dma_start3A_363] : memref<40960x4xf32, #tpu.memory_space<hbm>> -> memref<128x4xf32, #tpu.memory_space<hbm>>
      tpu.enqueue_dma source(%arg10 : memref<128x4xf32, #tpu.memory_space<vmem>>) target(%dma_start3A_364 : memref<128x4xf32, #tpu.memory_space<hbm>>) target_semaphore(%run_scoped3A : memref<!tpu.dma_semaphore, #tpu.memory_space<semaphore_mem>>)
      %dma_wait3A_365 = arith.constant 0 : i32
      %dma_wait3A_366 = tpu.memref_slice %arg8[%add3A_348, %dma_wait3A_365] : memref<40960x4xf32, #tpu.memory_space<hbm>> -> memref<128x4xf32, #tpu.memory_space<hbm>>
      %dma_wait3A_367 = arith.constant 0 : i32
      %dma_wait3A_368 = tpu.memref_slice %arg8[%add3A_348, %dma_wait3A_367] : memref<40960x4xf32, #tpu.memory_space<hbm>> -> memref<128x4xf32, #tpu.memory_space<hbm>>
      tpu.wait_dma2 semaphore(%run_scoped3A : memref<!tpu.dma_semaphore, #tpu.memory_space<semaphore_mem>>) src(%arg10 : memref<128x4xf32, #tpu.memory_space<vmem>>) dst(%dma_wait3A_368 : memref<128x4xf32, #tpu.memory_space<hbm>>)
      tpu.yield
    }) : () -> ()
    %dma_start3A_349 = arith.constant 1152 : i32
    %dma_start3A_350 = tpu.memref_slice %arg9[%dma_start3A_349] : memref<1280xi32, #tpu.memory_space<vmem>> -> memref<128xi32, #tpu.memory_space<vmem>>
    %dma_start3A_351 = arith.constant 0 : i32
    %dma_start3A_352 = arith.constant 0 : i32
    %dma_start3A_353 = tpu.memref_slice %arg2[%dma_start3A_351, %dma_start3A_352] : memref<20000x4xf32, #tpu.memory_space<hbm>> -> memref<20000x4xf32, #tpu.memory_space<hbm>>
    tpu.enqueue_indirect_dma source(%dma_start3A_353 : memref<20000x4xf32, #tpu.memory_space<hbm>>) target(%arg10 : memref<128x4xf32, #tpu.memory_space<vmem>>) offsets(%dma_start3A_350 : memref<128xi32, #tpu.memory_space<vmem>>) semaphore(%arg11 : memref<!tpu.dma_semaphore, #tpu.memory_space<semaphore_mem>>)
    %dma_wait3A_354 = arith.constant 1152 : i32
    %dma_wait3A_355 = tpu.memref_slice %arg9[%dma_wait3A_354] : memref<1280xi32, #tpu.memory_space<vmem>> -> memref<128xi32, #tpu.memory_space<vmem>>
    %dma_wait3A_356 = arith.constant 0 : i32
    %dma_wait3A_357 = arith.constant 0 : i32
    %dma_wait3A_358 = tpu.memref_slice %arg2[%dma_wait3A_356, %dma_wait3A_357] : memref<20000x4xf32, #tpu.memory_space<hbm>> -> memref<20000x4xf32, #tpu.memory_space<hbm>>
    tpu.wait_indirect_dma semaphore(%arg11 : memref<!tpu.dma_semaphore, #tpu.memory_space<semaphore_mem>>) src(%dma_wait3A_358 : memref<20000x4xf32, #tpu.memory_space<hbm>>) dst(%arg10 : memref<128x4xf32, #tpu.memory_space<vmem>>)
    %add3A_359 = arith.constant 1152 : i32
    %add3A_360 = arith.addi %mul3A_2, %add3A_359 : i32
    "tpu.region"() ({
      %run_scoped3A = tpu.sem_alloc : memref<!tpu.dma_semaphore, #tpu.memory_space<semaphore_mem>>
      %dma_start3A_361 = arith.constant 0 : i32
      %dma_start3A_362 = tpu.memref_slice %arg8[%add3A_360, %dma_start3A_361] : memref<40960x4xf32, #tpu.memory_space<hbm>> -> memref<128x4xf32, #tpu.memory_space<hbm>>
      %dma_start3A_363 = arith.constant 0 : i32
      %dma_start3A_364 = tpu.memref_slice %arg8[%add3A_360, %dma_start3A_363] : memref<40960x4xf32, #tpu.memory_space<hbm>> -> memref<128x4xf32, #tpu.memory_space<hbm>>
      tpu.enqueue_dma source(%arg10 : memref<128x4xf32, #tpu.memory_space<vmem>>) target(%dma_start3A_364 : memref<128x4xf32, #tpu.memory_space<hbm>>) target_semaphore(%run_scoped3A : memref<!tpu.dma_semaphore, #tpu.memory_space<semaphore_mem>>)
      %dma_wait3A_365 = arith.constant 0 : i32
      %dma_wait3A_366 = tpu.memref_slice %arg8[%add3A_360, %dma_wait3A_365] : memref<40960x4xf32, #tpu.memory_space<hbm>> -> memref<128x4xf32, #tpu.memory_space<hbm>>
      %dma_wait3A_367 = arith.constant 0 : i32
      %dma_wait3A_368 = tpu.memref_slice %arg8[%add3A_360, %dma_wait3A_367] : memref<40960x4xf32, #tpu.memory_space<hbm>> -> memref<128x4xf32, #tpu.memory_space<hbm>>
      tpu.wait_dma2 semaphore(%run_scoped3A : memref<!tpu.dma_semaphore, #tpu.memory_space<semaphore_mem>>) src(%arg10 : memref<128x4xf32, #tpu.memory_space<vmem>>) dst(%dma_wait3A_368 : memref<128x4xf32, #tpu.memory_space<hbm>>)
      tpu.yield
    }) : () -> ()
    return
  }
}

module attributes {stable_mosaic.version = 14 : i64} {
  func.func @_nn_body(%arg0: i32, %arg1: memref<1024x8xbf16, #tpu.memory_space<vmem>>, %arg2: memref<8x20480xbf16, #tpu.memory_space<vmem>>, %arg3: memref<1024x1xf32, #tpu.memory_space<vmem>>, %arg4: memref<1024x1xi32, #tpu.memory_space<vmem>>) attributes {dimension_semantics = [#tpu.dimension_semantics<parallel>], iteration_bounds = array<i64: 20>, scalar_prefetch = 0 : i64, scratch_operands = 0 : i64, tpu.core_type = #tpu.core_type<tc>, window_params = [{transform_indices = @transform_0, window_bounds = array<i64: 1024, 8>}, {pipeline_mode = #tpu.pipeline_mode<synchronous>, transform_indices = @transform_1, window_bounds = array<i64: 8, 20480>}, {transform_indices = @transform_2, window_bounds = array<i64: 1024, 1>}, {transform_indices = @transform_3, window_bounds = array<i64: 1024, 1>}]} {
    %get3A = arith.constant 0 : index
    %get3A_0 = arith.constant 0 : index
    %get3A_1 = vector.load %arg1[%get3A, %get3A_0] : memref<1024x8xbf16, #tpu.memory_space<vmem>>, vector<1024x8xbf16>
    %broadcast_in_dim3A = arith.constant 0x7F80 : bf16
    %broadcast_in_dim3A_2 = vector.broadcast %broadcast_in_dim3A : bf16 to vector<1024x128xbf16>
    %broadcast_in_dim3A_3 = arith.constant 0.000000e+00 : bf16
    %broadcast_in_dim3A_4 = vector.broadcast %broadcast_in_dim3A_3 : bf16 to vector<1024x128xbf16>
    %scan3A = arith.constant 0 : i32
    %scan3A_5 = arith.constant 4 : i32
    %scan3A_6 = arith.addi %scan3A, %scan3A_5 : i32
    %scan3A_7 = arith.constant 1 : i32
    %scan3A_8:2 = scf.for %scan3A_26 = %scan3A to %scan3A_6 step %scan3A_7 iter_args(%scan3A_27 = %broadcast_in_dim3A_2, %scan3A_28 = %broadcast_in_dim3A_4) -> (vector<1024x128xbf16>, vector<1024x128xbf16>)  : i32 {
      %mul3A_29 = arith.constant 5120 : i32
      %mul3A_30 = arith.muli %scan3A_26, %mul3A_29 : i32
      %get3A_31 = arith.constant 0 : index
      %get3A_32 = arith.index_cast %mul3A_30 : i32 to index
      %get3A_33 = vector.load %arg2[%get3A_31, %get3A_32] : memref<8x20480xbf16, #tpu.memory_space<vmem>>, vector<8x5120xbf16>
      %dot_general3A = arith.constant dense<0.000000e+00> : vector<1024x5120xf32>
      %dot_general3A_34 = tpu.matmul %get3A_1, %get3A_33, %dot_general3A {dimension_numbers = #tpu.dot_dimension_numbers<[1], [0], [0], [1], [0, 0, 1, 1], [], []>, transpose_lhs_hint = false} : vector<1024x8xbf16>, vector<8x5120xbf16>, vector<1024x5120xf32> -> vector<1024x5120xf32>
      %convert_element_type3A_35 = arith.truncf %dot_general3A_34 : vector<1024x5120xf32> to vector<1024x5120xbf16>
      %slice3A = vector.extract_strided_slice %convert_element_type3A_35 {offsets = [0, 0], sizes = [1024, 128], strides = [1, 1]} : vector<1024x5120xbf16> to vector<1024x128xbf16>
      %mul3A_36 = arith.constant 40 : i32
      %mul3A_37 = arith.muli %scan3A_26, %mul3A_36 : i32
      %add3A_38 = arith.constant 0 : i32
      %add3A_39 = arith.addi %mul3A_37, %add3A_38 : i32
      %convert_element_type3A_40 = arith.sitofp %add3A_39 : i32 to bf16
      %broadcast_in_dim3A_41 = vector.broadcast %convert_element_type3A_40 : bf16 to vector<1024x128xbf16>
      %lt3A = arith.cmpf olt, %slice3A, %scan3A_27 : vector<1024x128xbf16>
      %select_n3A_42 = arith.select %lt3A, %slice3A, %scan3A_27 : vector<1024x128xi1>, vector<1024x128xbf16>
      %select_n3A_43 = arith.select %lt3A, %broadcast_in_dim3A_41, %scan3A_28 : vector<1024x128xi1>, vector<1024x128xbf16>
      %slice3A_44 = vector.extract_strided_slice %convert_element_type3A_35 {offsets = [0, 128], sizes = [1024, 128], strides = [1, 1]} : vector<1024x5120xbf16> to vector<1024x128xbf16>
      %mul3A_45 = arith.constant 40 : i32
      %mul3A_46 = arith.muli %scan3A_26, %mul3A_45 : i32
      %add3A_47 = arith.constant 1 : i32
      %add3A_48 = arith.addi %mul3A_46, %add3A_47 : i32
      %convert_element_type3A_49 = arith.sitofp %add3A_48 : i32 to bf16
      %broadcast_in_dim3A_50 = vector.broadcast %convert_element_type3A_49 : bf16 to vector<1024x128xbf16>
      %lt3A_51 = arith.cmpf olt, %slice3A_44, %select_n3A_42 : vector<1024x128xbf16>
      %select_n3A_52 = arith.select %lt3A_51, %slice3A_44, %select_n3A_42 : vector<1024x128xi1>, vector<1024x128xbf16>
      %select_n3A_53 = arith.select %lt3A_51, %broadcast_in_dim3A_50, %select_n3A_43 : vector<1024x128xi1>, vector<1024x128xbf16>
      %slice3A_54 = vector.extract_strided_slice %convert_element_type3A_35 {offsets = [0, 256], sizes = [1024, 128], strides = [1, 1]} : vector<1024x5120xbf16> to vector<1024x128xbf16>
      %mul3A_55 = arith.constant 40 : i32
      %mul3A_56 = arith.muli %scan3A_26, %mul3A_55 : i32
      %add3A_57 = arith.constant 2 : i32
      %add3A_58 = arith.addi %mul3A_56, %add3A_57 : i32
      %convert_element_type3A_59 = arith.sitofp %add3A_58 : i32 to bf16
      %broadcast_in_dim3A_60 = vector.broadcast %convert_element_type3A_59 : bf16 to vector<1024x128xbf16>
      %lt3A_61 = arith.cmpf olt, %slice3A_54, %select_n3A_52 : vector<1024x128xbf16>
      %select_n3A_62 = arith.select %lt3A_61, %slice3A_54, %select_n3A_52 : vector<1024x128xi1>, vector<1024x128xbf16>
      %select_n3A_63 = arith.select %lt3A_61, %broadcast_in_dim3A_60, %select_n3A_53 : vector<1024x128xi1>, vector<1024x128xbf16>
      %slice3A_64 = vector.extract_strided_slice %convert_element_type3A_35 {offsets = [0, 384], sizes = [1024, 128], strides = [1, 1]} : vector<1024x5120xbf16> to vector<1024x128xbf16>
      %mul3A_65 = arith.constant 40 : i32
      %mul3A_66 = arith.muli %scan3A_26, %mul3A_65 : i32
      %add3A_67 = arith.constant 3 : i32
      %add3A_68 = arith.addi %mul3A_66, %add3A_67 : i32
      %convert_element_type3A_69 = arith.sitofp %add3A_68 : i32 to bf16
      %broadcast_in_dim3A_70 = vector.broadcast %convert_element_type3A_69 : bf16 to vector<1024x128xbf16>
      %lt3A_71 = arith.cmpf olt, %slice3A_64, %select_n3A_62 : vector<1024x128xbf16>
      %select_n3A_72 = arith.select %lt3A_71, %slice3A_64, %select_n3A_62 : vector<1024x128xi1>, vector<1024x128xbf16>
      %select_n3A_73 = arith.select %lt3A_71, %broadcast_in_dim3A_70, %select_n3A_63 : vector<1024x128xi1>, vector<1024x128xbf16>
      %slice3A_74 = vector.extract_strided_slice %convert_element_type3A_35 {offsets = [0, 512], sizes = [1024, 128], strides = [1, 1]} : vector<1024x5120xbf16> to vector<1024x128xbf16>
      %mul3A_75 = arith.constant 40 : i32
      %mul3A_76 = arith.muli %scan3A_26, %mul3A_75 : i32
      %add3A_77 = arith.constant 4 : i32
      %add3A_78 = arith.addi %mul3A_76, %add3A_77 : i32
      %convert_element_type3A_79 = arith.sitofp %add3A_78 : i32 to bf16
      %broadcast_in_dim3A_80 = vector.broadcast %convert_element_type3A_79 : bf16 to vector<1024x128xbf16>
      %lt3A_81 = arith.cmpf olt, %slice3A_74, %select_n3A_72 : vector<1024x128xbf16>
      %select_n3A_82 = arith.select %lt3A_81, %slice3A_74, %select_n3A_72 : vector<1024x128xi1>, vector<1024x128xbf16>
      %select_n3A_83 = arith.select %lt3A_81, %broadcast_in_dim3A_80, %select_n3A_73 : vector<1024x128xi1>, vector<1024x128xbf16>
      %slice3A_84 = vector.extract_strided_slice %convert_element_type3A_35 {offsets = [0, 640], sizes = [1024, 128], strides = [1, 1]} : vector<1024x5120xbf16> to vector<1024x128xbf16>
      %mul3A_85 = arith.constant 40 : i32
      %mul3A_86 = arith.muli %scan3A_26, %mul3A_85 : i32
      %add3A_87 = arith.constant 5 : i32
      %add3A_88 = arith.addi %mul3A_86, %add3A_87 : i32
      %convert_element_type3A_89 = arith.sitofp %add3A_88 : i32 to bf16
      %broadcast_in_dim3A_90 = vector.broadcast %convert_element_type3A_89 : bf16 to vector<1024x128xbf16>
      %lt3A_91 = arith.cmpf olt, %slice3A_84, %select_n3A_82 : vector<1024x128xbf16>
      %select_n3A_92 = arith.select %lt3A_91, %slice3A_84, %select_n3A_82 : vector<1024x128xi1>, vector<1024x128xbf16>
      %select_n3A_93 = arith.select %lt3A_91, %broadcast_in_dim3A_90, %select_n3A_83 : vector<1024x128xi1>, vector<1024x128xbf16>
      %slice3A_94 = vector.extract_strided_slice %convert_element_type3A_35 {offsets = [0, 768], sizes = [1024, 128], strides = [1, 1]} : vector<1024x5120xbf16> to vector<1024x128xbf16>
      %mul3A_95 = arith.constant 40 : i32
      %mul3A_96 = arith.muli %scan3A_26, %mul3A_95 : i32
      %add3A_97 = arith.constant 6 : i32
      %add3A_98 = arith.addi %mul3A_96, %add3A_97 : i32
      %convert_element_type3A_99 = arith.sitofp %add3A_98 : i32 to bf16
      %broadcast_in_dim3A_100 = vector.broadcast %convert_element_type3A_99 : bf16 to vector<1024x128xbf16>
      %lt3A_101 = arith.cmpf olt, %slice3A_94, %select_n3A_92 : vector<1024x128xbf16>
      %select_n3A_102 = arith.select %lt3A_101, %slice3A_94, %select_n3A_92 : vector<1024x128xi1>, vector<1024x128xbf16>
      %select_n3A_103 = arith.select %lt3A_101, %broadcast_in_dim3A_100, %select_n3A_93 : vector<1024x128xi1>, vector<1024x128xbf16>
      %slice3A_104 = vector.extract_strided_slice %convert_element_type3A_35 {offsets = [0, 896], sizes = [1024, 128], strides = [1, 1]} : vector<1024x5120xbf16> to vector<1024x128xbf16>
      %mul3A_105 = arith.constant 40 : i32
      %mul3A_106 = arith.muli %scan3A_26, %mul3A_105 : i32
      %add3A_107 = arith.constant 7 : i32
      %add3A_108 = arith.addi %mul3A_106, %add3A_107 : i32
      %convert_element_type3A_109 = arith.sitofp %add3A_108 : i32 to bf16
      %broadcast_in_dim3A_110 = vector.broadcast %convert_element_type3A_109 : bf16 to vector<1024x128xbf16>
      %lt3A_111 = arith.cmpf olt, %slice3A_104, %select_n3A_102 : vector<1024x128xbf16>
      %select_n3A_112 = arith.select %lt3A_111, %slice3A_104, %select_n3A_102 : vector<1024x128xi1>, vector<1024x128xbf16>
      %select_n3A_113 = arith.select %lt3A_111, %broadcast_in_dim3A_110, %select_n3A_103 : vector<1024x128xi1>, vector<1024x128xbf16>
      %slice3A_114 = vector.extract_strided_slice %convert_element_type3A_35 {offsets = [0, 1024], sizes = [1024, 128], strides = [1, 1]} : vector<1024x5120xbf16> to vector<1024x128xbf16>
      %mul3A_115 = arith.constant 40 : i32
      %mul3A_116 = arith.muli %scan3A_26, %mul3A_115 : i32
      %add3A_117 = arith.constant 8 : i32
      %add3A_118 = arith.addi %mul3A_116, %add3A_117 : i32
      %convert_element_type3A_119 = arith.sitofp %add3A_118 : i32 to bf16
      %broadcast_in_dim3A_120 = vector.broadcast %convert_element_type3A_119 : bf16 to vector<1024x128xbf16>
      %lt3A_121 = arith.cmpf olt, %slice3A_114, %select_n3A_112 : vector<1024x128xbf16>
      %select_n3A_122 = arith.select %lt3A_121, %slice3A_114, %select_n3A_112 : vector<1024x128xi1>, vector<1024x128xbf16>
      %select_n3A_123 = arith.select %lt3A_121, %broadcast_in_dim3A_120, %select_n3A_113 : vector<1024x128xi1>, vector<1024x128xbf16>
      %slice3A_124 = vector.extract_strided_slice %convert_element_type3A_35 {offsets = [0, 1152], sizes = [1024, 128], strides = [1, 1]} : vector<1024x5120xbf16> to vector<1024x128xbf16>
      %mul3A_125 = arith.constant 40 : i32
      %mul3A_126 = arith.muli %scan3A_26, %mul3A_125 : i32
      %add3A_127 = arith.constant 9 : i32
      %add3A_128 = arith.addi %mul3A_126, %add3A_127 : i32
      %convert_element_type3A_129 = arith.sitofp %add3A_128 : i32 to bf16
      %broadcast_in_dim3A_130 = vector.broadcast %convert_element_type3A_129 : bf16 to vector<1024x128xbf16>
      %lt3A_131 = arith.cmpf olt, %slice3A_124, %select_n3A_122 : vector<1024x128xbf16>
      %select_n3A_132 = arith.select %lt3A_131, %slice3A_124, %select_n3A_122 : vector<1024x128xi1>, vector<1024x128xbf16>
      %select_n3A_133 = arith.select %lt3A_131, %broadcast_in_dim3A_130, %select_n3A_123 : vector<1024x128xi1>, vector<1024x128xbf16>
      %slice3A_134 = vector.extract_strided_slice %convert_element_type3A_35 {offsets = [0, 1280], sizes = [1024, 128], strides = [1, 1]} : vector<1024x5120xbf16> to vector<1024x128xbf16>
      %mul3A_135 = arith.constant 40 : i32
      %mul3A_136 = arith.muli %scan3A_26, %mul3A_135 : i32
      %add3A_137 = arith.constant 10 : i32
      %add3A_138 = arith.addi %mul3A_136, %add3A_137 : i32
      %convert_element_type3A_139 = arith.sitofp %add3A_138 : i32 to bf16
      %broadcast_in_dim3A_140 = vector.broadcast %convert_element_type3A_139 : bf16 to vector<1024x128xbf16>
      %lt3A_141 = arith.cmpf olt, %slice3A_134, %select_n3A_132 : vector<1024x128xbf16>
      %select_n3A_142 = arith.select %lt3A_141, %slice3A_134, %select_n3A_132 : vector<1024x128xi1>, vector<1024x128xbf16>
      %select_n3A_143 = arith.select %lt3A_141, %broadcast_in_dim3A_140, %select_n3A_133 : vector<1024x128xi1>, vector<1024x128xbf16>
      %slice3A_144 = vector.extract_strided_slice %convert_element_type3A_35 {offsets = [0, 1408], sizes = [1024, 128], strides = [1, 1]} : vector<1024x5120xbf16> to vector<1024x128xbf16>
      %mul3A_145 = arith.constant 40 : i32
      %mul3A_146 = arith.muli %scan3A_26, %mul3A_145 : i32
      %add3A_147 = arith.constant 11 : i32
      %add3A_148 = arith.addi %mul3A_146, %add3A_147 : i32
      %convert_element_type3A_149 = arith.sitofp %add3A_148 : i32 to bf16
      %broadcast_in_dim3A_150 = vector.broadcast %convert_element_type3A_149 : bf16 to vector<1024x128xbf16>
      %lt3A_151 = arith.cmpf olt, %slice3A_144, %select_n3A_142 : vector<1024x128xbf16>
      %select_n3A_152 = arith.select %lt3A_151, %slice3A_144, %select_n3A_142 : vector<1024x128xi1>, vector<1024x128xbf16>
      %select_n3A_153 = arith.select %lt3A_151, %broadcast_in_dim3A_150, %select_n3A_143 : vector<1024x128xi1>, vector<1024x128xbf16>
      %slice3A_154 = vector.extract_strided_slice %convert_element_type3A_35 {offsets = [0, 1536], sizes = [1024, 128], strides = [1, 1]} : vector<1024x5120xbf16> to vector<1024x128xbf16>
      %mul3A_155 = arith.constant 40 : i32
      %mul3A_156 = arith.muli %scan3A_26, %mul3A_155 : i32
      %add3A_157 = arith.constant 12 : i32
      %add3A_158 = arith.addi %mul3A_156, %add3A_157 : i32
      %convert_element_type3A_159 = arith.sitofp %add3A_158 : i32 to bf16
      %broadcast_in_dim3A_160 = vector.broadcast %convert_element_type3A_159 : bf16 to vector<1024x128xbf16>
      %lt3A_161 = arith.cmpf olt, %slice3A_154, %select_n3A_152 : vector<1024x128xbf16>
      %select_n3A_162 = arith.select %lt3A_161, %slice3A_154, %select_n3A_152 : vector<1024x128xi1>, vector<1024x128xbf16>
      %select_n3A_163 = arith.select %lt3A_161, %broadcast_in_dim3A_160, %select_n3A_153 : vector<1024x128xi1>, vector<1024x128xbf16>
      %slice3A_164 = vector.extract_strided_slice %convert_element_type3A_35 {offsets = [0, 1664], sizes = [1024, 128], strides = [1, 1]} : vector<1024x5120xbf16> to vector<1024x128xbf16>
      %mul3A_165 = arith.constant 40 : i32
      %mul3A_166 = arith.muli %scan3A_26, %mul3A_165 : i32
      %add3A_167 = arith.constant 13 : i32
      %add3A_168 = arith.addi %mul3A_166, %add3A_167 : i32
      %convert_element_type3A_169 = arith.sitofp %add3A_168 : i32 to bf16
      %broadcast_in_dim3A_170 = vector.broadcast %convert_element_type3A_169 : bf16 to vector<1024x128xbf16>
      %lt3A_171 = arith.cmpf olt, %slice3A_164, %select_n3A_162 : vector<1024x128xbf16>
      %select_n3A_172 = arith.select %lt3A_171, %slice3A_164, %select_n3A_162 : vector<1024x128xi1>, vector<1024x128xbf16>
      %select_n3A_173 = arith.select %lt3A_171, %broadcast_in_dim3A_170, %select_n3A_163 : vector<1024x128xi1>, vector<1024x128xbf16>
      %slice3A_174 = vector.extract_strided_slice %convert_element_type3A_35 {offsets = [0, 1792], sizes = [1024, 128], strides = [1, 1]} : vector<1024x5120xbf16> to vector<1024x128xbf16>
      %mul3A_175 = arith.constant 40 : i32
      %mul3A_176 = arith.muli %scan3A_26, %mul3A_175 : i32
      %add3A_177 = arith.constant 14 : i32
      %add3A_178 = arith.addi %mul3A_176, %add3A_177 : i32
      %convert_element_type3A_179 = arith.sitofp %add3A_178 : i32 to bf16
      %broadcast_in_dim3A_180 = vector.broadcast %convert_element_type3A_179 : bf16 to vector<1024x128xbf16>
      %lt3A_181 = arith.cmpf olt, %slice3A_174, %select_n3A_172 : vector<1024x128xbf16>
      %select_n3A_182 = arith.select %lt3A_181, %slice3A_174, %select_n3A_172 : vector<1024x128xi1>, vector<1024x128xbf16>
      %select_n3A_183 = arith.select %lt3A_181, %broadcast_in_dim3A_180, %select_n3A_173 : vector<1024x128xi1>, vector<1024x128xbf16>
      %slice3A_184 = vector.extract_strided_slice %convert_element_type3A_35 {offsets = [0, 1920], sizes = [1024, 128], strides = [1, 1]} : vector<1024x5120xbf16> to vector<1024x128xbf16>
      %mul3A_185 = arith.constant 40 : i32
      %mul3A_186 = arith.muli %scan3A_26, %mul3A_185 : i32
      %add3A_187 = arith.constant 15 : i32
      %add3A_188 = arith.addi %mul3A_186, %add3A_187 : i32
      %convert_element_type3A_189 = arith.sitofp %add3A_188 : i32 to bf16
      %broadcast_in_dim3A_190 = vector.broadcast %convert_element_type3A_189 : bf16 to vector<1024x128xbf16>
      %lt3A_191 = arith.cmpf olt, %slice3A_184, %select_n3A_182 : vector<1024x128xbf16>
      %select_n3A_192 = arith.select %lt3A_191, %slice3A_184, %select_n3A_182 : vector<1024x128xi1>, vector<1024x128xbf16>
      %select_n3A_193 = arith.select %lt3A_191, %broadcast_in_dim3A_190, %select_n3A_183 : vector<1024x128xi1>, vector<1024x128xbf16>
      %slice3A_194 = vector.extract_strided_slice %convert_element_type3A_35 {offsets = [0, 2048], sizes = [1024, 128], strides = [1, 1]} : vector<1024x5120xbf16> to vector<1024x128xbf16>
      %mul3A_195 = arith.constant 40 : i32
      %mul3A_196 = arith.muli %scan3A_26, %mul3A_195 : i32
      %add3A_197 = arith.constant 16 : i32
      %add3A_198 = arith.addi %mul3A_196, %add3A_197 : i32
      %convert_element_type3A_199 = arith.sitofp %add3A_198 : i32 to bf16
      %broadcast_in_dim3A_200 = vector.broadcast %convert_element_type3A_199 : bf16 to vector<1024x128xbf16>
      %lt3A_201 = arith.cmpf olt, %slice3A_194, %select_n3A_192 : vector<1024x128xbf16>
      %select_n3A_202 = arith.select %lt3A_201, %slice3A_194, %select_n3A_192 : vector<1024x128xi1>, vector<1024x128xbf16>
      %select_n3A_203 = arith.select %lt3A_201, %broadcast_in_dim3A_200, %select_n3A_193 : vector<1024x128xi1>, vector<1024x128xbf16>
      %slice3A_204 = vector.extract_strided_slice %convert_element_type3A_35 {offsets = [0, 2176], sizes = [1024, 128], strides = [1, 1]} : vector<1024x5120xbf16> to vector<1024x128xbf16>
      %mul3A_205 = arith.constant 40 : i32
      %mul3A_206 = arith.muli %scan3A_26, %mul3A_205 : i32
      %add3A_207 = arith.constant 17 : i32
      %add3A_208 = arith.addi %mul3A_206, %add3A_207 : i32
      %convert_element_type3A_209 = arith.sitofp %add3A_208 : i32 to bf16
      %broadcast_in_dim3A_210 = vector.broadcast %convert_element_type3A_209 : bf16 to vector<1024x128xbf16>
      %lt3A_211 = arith.cmpf olt, %slice3A_204, %select_n3A_202 : vector<1024x128xbf16>
      %select_n3A_212 = arith.select %lt3A_211, %slice3A_204, %select_n3A_202 : vector<1024x128xi1>, vector<1024x128xbf16>
      %select_n3A_213 = arith.select %lt3A_211, %broadcast_in_dim3A_210, %select_n3A_203 : vector<1024x128xi1>, vector<1024x128xbf16>
      %slice3A_214 = vector.extract_strided_slice %convert_element_type3A_35 {offsets = [0, 2304], sizes = [1024, 128], strides = [1, 1]} : vector<1024x5120xbf16> to vector<1024x128xbf16>
      %mul3A_215 = arith.constant 40 : i32
      %mul3A_216 = arith.muli %scan3A_26, %mul3A_215 : i32
      %add3A_217 = arith.constant 18 : i32
      %add3A_218 = arith.addi %mul3A_216, %add3A_217 : i32
      %convert_element_type3A_219 = arith.sitofp %add3A_218 : i32 to bf16
      %broadcast_in_dim3A_220 = vector.broadcast %convert_element_type3A_219 : bf16 to vector<1024x128xbf16>
      %lt3A_221 = arith.cmpf olt, %slice3A_214, %select_n3A_212 : vector<1024x128xbf16>
      %select_n3A_222 = arith.select %lt3A_221, %slice3A_214, %select_n3A_212 : vector<1024x128xi1>, vector<1024x128xbf16>
      %select_n3A_223 = arith.select %lt3A_221, %broadcast_in_dim3A_220, %select_n3A_213 : vector<1024x128xi1>, vector<1024x128xbf16>
      %slice3A_224 = vector.extract_strided_slice %convert_element_type3A_35 {offsets = [0, 2432], sizes = [1024, 128], strides = [1, 1]} : vector<1024x5120xbf16> to vector<1024x128xbf16>
      %mul3A_225 = arith.constant 40 : i32
      %mul3A_226 = arith.muli %scan3A_26, %mul3A_225 : i32
      %add3A_227 = arith.constant 19 : i32
      %add3A_228 = arith.addi %mul3A_226, %add3A_227 : i32
      %convert_element_type3A_229 = arith.sitofp %add3A_228 : i32 to bf16
      %broadcast_in_dim3A_230 = vector.broadcast %convert_element_type3A_229 : bf16 to vector<1024x128xbf16>
      %lt3A_231 = arith.cmpf olt, %slice3A_224, %select_n3A_222 : vector<1024x128xbf16>
      %select_n3A_232 = arith.select %lt3A_231, %slice3A_224, %select_n3A_222 : vector<1024x128xi1>, vector<1024x128xbf16>
      %select_n3A_233 = arith.select %lt3A_231, %broadcast_in_dim3A_230, %select_n3A_223 : vector<1024x128xi1>, vector<1024x128xbf16>
      %slice3A_234 = vector.extract_strided_slice %convert_element_type3A_35 {offsets = [0, 2560], sizes = [1024, 128], strides = [1, 1]} : vector<1024x5120xbf16> to vector<1024x128xbf16>
      %mul3A_235 = arith.constant 40 : i32
      %mul3A_236 = arith.muli %scan3A_26, %mul3A_235 : i32
      %add3A_237 = arith.constant 20 : i32
      %add3A_238 = arith.addi %mul3A_236, %add3A_237 : i32
      %convert_element_type3A_239 = arith.sitofp %add3A_238 : i32 to bf16
      %broadcast_in_dim3A_240 = vector.broadcast %convert_element_type3A_239 : bf16 to vector<1024x128xbf16>
      %lt3A_241 = arith.cmpf olt, %slice3A_234, %select_n3A_232 : vector<1024x128xbf16>
      %select_n3A_242 = arith.select %lt3A_241, %slice3A_234, %select_n3A_232 : vector<1024x128xi1>, vector<1024x128xbf16>
      %select_n3A_243 = arith.select %lt3A_241, %broadcast_in_dim3A_240, %select_n3A_233 : vector<1024x128xi1>, vector<1024x128xbf16>
      %slice3A_244 = vector.extract_strided_slice %convert_element_type3A_35 {offsets = [0, 2688], sizes = [1024, 128], strides = [1, 1]} : vector<1024x5120xbf16> to vector<1024x128xbf16>
      %mul3A_245 = arith.constant 40 : i32
      %mul3A_246 = arith.muli %scan3A_26, %mul3A_245 : i32
      %add3A_247 = arith.constant 21 : i32
      %add3A_248 = arith.addi %mul3A_246, %add3A_247 : i32
      %convert_element_type3A_249 = arith.sitofp %add3A_248 : i32 to bf16
      %broadcast_in_dim3A_250 = vector.broadcast %convert_element_type3A_249 : bf16 to vector<1024x128xbf16>
      %lt3A_251 = arith.cmpf olt, %slice3A_244, %select_n3A_242 : vector<1024x128xbf16>
      %select_n3A_252 = arith.select %lt3A_251, %slice3A_244, %select_n3A_242 : vector<1024x128xi1>, vector<1024x128xbf16>
      %select_n3A_253 = arith.select %lt3A_251, %broadcast_in_dim3A_250, %select_n3A_243 : vector<1024x128xi1>, vector<1024x128xbf16>
      %slice3A_254 = vector.extract_strided_slice %convert_element_type3A_35 {offsets = [0, 2816], sizes = [1024, 128], strides = [1, 1]} : vector<1024x5120xbf16> to vector<1024x128xbf16>
      %mul3A_255 = arith.constant 40 : i32
      %mul3A_256 = arith.muli %scan3A_26, %mul3A_255 : i32
      %add3A_257 = arith.constant 22 : i32
      %add3A_258 = arith.addi %mul3A_256, %add3A_257 : i32
      %convert_element_type3A_259 = arith.sitofp %add3A_258 : i32 to bf16
      %broadcast_in_dim3A_260 = vector.broadcast %convert_element_type3A_259 : bf16 to vector<1024x128xbf16>
      %lt3A_261 = arith.cmpf olt, %slice3A_254, %select_n3A_252 : vector<1024x128xbf16>
      %select_n3A_262 = arith.select %lt3A_261, %slice3A_254, %select_n3A_252 : vector<1024x128xi1>, vector<1024x128xbf16>
      %select_n3A_263 = arith.select %lt3A_261, %broadcast_in_dim3A_260, %select_n3A_253 : vector<1024x128xi1>, vector<1024x128xbf16>
      %slice3A_264 = vector.extract_strided_slice %convert_element_type3A_35 {offsets = [0, 2944], sizes = [1024, 128], strides = [1, 1]} : vector<1024x5120xbf16> to vector<1024x128xbf16>
      %mul3A_265 = arith.constant 40 : i32
      %mul3A_266 = arith.muli %scan3A_26, %mul3A_265 : i32
      %add3A_267 = arith.constant 23 : i32
      %add3A_268 = arith.addi %mul3A_266, %add3A_267 : i32
      %convert_element_type3A_269 = arith.sitofp %add3A_268 : i32 to bf16
      %broadcast_in_dim3A_270 = vector.broadcast %convert_element_type3A_269 : bf16 to vector<1024x128xbf16>
      %lt3A_271 = arith.cmpf olt, %slice3A_264, %select_n3A_262 : vector<1024x128xbf16>
      %select_n3A_272 = arith.select %lt3A_271, %slice3A_264, %select_n3A_262 : vector<1024x128xi1>, vector<1024x128xbf16>
      %select_n3A_273 = arith.select %lt3A_271, %broadcast_in_dim3A_270, %select_n3A_263 : vector<1024x128xi1>, vector<1024x128xbf16>
      %slice3A_274 = vector.extract_strided_slice %convert_element_type3A_35 {offsets = [0, 3072], sizes = [1024, 128], strides = [1, 1]} : vector<1024x5120xbf16> to vector<1024x128xbf16>
      %mul3A_275 = arith.constant 40 : i32
      %mul3A_276 = arith.muli %scan3A_26, %mul3A_275 : i32
      %add3A_277 = arith.constant 24 : i32
      %add3A_278 = arith.addi %mul3A_276, %add3A_277 : i32
      %convert_element_type3A_279 = arith.sitofp %add3A_278 : i32 to bf16
      %broadcast_in_dim3A_280 = vector.broadcast %convert_element_type3A_279 : bf16 to vector<1024x128xbf16>
      %lt3A_281 = arith.cmpf olt, %slice3A_274, %select_n3A_272 : vector<1024x128xbf16>
      %select_n3A_282 = arith.select %lt3A_281, %slice3A_274, %select_n3A_272 : vector<1024x128xi1>, vector<1024x128xbf16>
      %select_n3A_283 = arith.select %lt3A_281, %broadcast_in_dim3A_280, %select_n3A_273 : vector<1024x128xi1>, vector<1024x128xbf16>
      %slice3A_284 = vector.extract_strided_slice %convert_element_type3A_35 {offsets = [0, 3200], sizes = [1024, 128], strides = [1, 1]} : vector<1024x5120xbf16> to vector<1024x128xbf16>
      %mul3A_285 = arith.constant 40 : i32
      %mul3A_286 = arith.muli %scan3A_26, %mul3A_285 : i32
      %add3A_287 = arith.constant 25 : i32
      %add3A_288 = arith.addi %mul3A_286, %add3A_287 : i32
      %convert_element_type3A_289 = arith.sitofp %add3A_288 : i32 to bf16
      %broadcast_in_dim3A_290 = vector.broadcast %convert_element_type3A_289 : bf16 to vector<1024x128xbf16>
      %lt3A_291 = arith.cmpf olt, %slice3A_284, %select_n3A_282 : vector<1024x128xbf16>
      %select_n3A_292 = arith.select %lt3A_291, %slice3A_284, %select_n3A_282 : vector<1024x128xi1>, vector<1024x128xbf16>
      %select_n3A_293 = arith.select %lt3A_291, %broadcast_in_dim3A_290, %select_n3A_283 : vector<1024x128xi1>, vector<1024x128xbf16>
      %slice3A_294 = vector.extract_strided_slice %convert_element_type3A_35 {offsets = [0, 3328], sizes = [1024, 128], strides = [1, 1]} : vector<1024x5120xbf16> to vector<1024x128xbf16>
      %mul3A_295 = arith.constant 40 : i32
      %mul3A_296 = arith.muli %scan3A_26, %mul3A_295 : i32
      %add3A_297 = arith.constant 26 : i32
      %add3A_298 = arith.addi %mul3A_296, %add3A_297 : i32
      %convert_element_type3A_299 = arith.sitofp %add3A_298 : i32 to bf16
      %broadcast_in_dim3A_300 = vector.broadcast %convert_element_type3A_299 : bf16 to vector<1024x128xbf16>
      %lt3A_301 = arith.cmpf olt, %slice3A_294, %select_n3A_292 : vector<1024x128xbf16>
      %select_n3A_302 = arith.select %lt3A_301, %slice3A_294, %select_n3A_292 : vector<1024x128xi1>, vector<1024x128xbf16>
      %select_n3A_303 = arith.select %lt3A_301, %broadcast_in_dim3A_300, %select_n3A_293 : vector<1024x128xi1>, vector<1024x128xbf16>
      %slice3A_304 = vector.extract_strided_slice %convert_element_type3A_35 {offsets = [0, 3456], sizes = [1024, 128], strides = [1, 1]} : vector<1024x5120xbf16> to vector<1024x128xbf16>
      %mul3A_305 = arith.constant 40 : i32
      %mul3A_306 = arith.muli %scan3A_26, %mul3A_305 : i32
      %add3A_307 = arith.constant 27 : i32
      %add3A_308 = arith.addi %mul3A_306, %add3A_307 : i32
      %convert_element_type3A_309 = arith.sitofp %add3A_308 : i32 to bf16
      %broadcast_in_dim3A_310 = vector.broadcast %convert_element_type3A_309 : bf16 to vector<1024x128xbf16>
      %lt3A_311 = arith.cmpf olt, %slice3A_304, %select_n3A_302 : vector<1024x128xbf16>
      %select_n3A_312 = arith.select %lt3A_311, %slice3A_304, %select_n3A_302 : vector<1024x128xi1>, vector<1024x128xbf16>
      %select_n3A_313 = arith.select %lt3A_311, %broadcast_in_dim3A_310, %select_n3A_303 : vector<1024x128xi1>, vector<1024x128xbf16>
      %slice3A_314 = vector.extract_strided_slice %convert_element_type3A_35 {offsets = [0, 3584], sizes = [1024, 128], strides = [1, 1]} : vector<1024x5120xbf16> to vector<1024x128xbf16>
      %mul3A_315 = arith.constant 40 : i32
      %mul3A_316 = arith.muli %scan3A_26, %mul3A_315 : i32
      %add3A_317 = arith.constant 28 : i32
      %add3A_318 = arith.addi %mul3A_316, %add3A_317 : i32
      %convert_element_type3A_319 = arith.sitofp %add3A_318 : i32 to bf16
      %broadcast_in_dim3A_320 = vector.broadcast %convert_element_type3A_319 : bf16 to vector<1024x128xbf16>
      %lt3A_321 = arith.cmpf olt, %slice3A_314, %select_n3A_312 : vector<1024x128xbf16>
      %select_n3A_322 = arith.select %lt3A_321, %slice3A_314, %select_n3A_312 : vector<1024x128xi1>, vector<1024x128xbf16>
      %select_n3A_323 = arith.select %lt3A_321, %broadcast_in_dim3A_320, %select_n3A_313 : vector<1024x128xi1>, vector<1024x128xbf16>
      %slice3A_324 = vector.extract_strided_slice %convert_element_type3A_35 {offsets = [0, 3712], sizes = [1024, 128], strides = [1, 1]} : vector<1024x5120xbf16> to vector<1024x128xbf16>
      %mul3A_325 = arith.constant 40 : i32
      %mul3A_326 = arith.muli %scan3A_26, %mul3A_325 : i32
      %add3A_327 = arith.constant 29 : i32
      %add3A_328 = arith.addi %mul3A_326, %add3A_327 : i32
      %convert_element_type3A_329 = arith.sitofp %add3A_328 : i32 to bf16
      %broadcast_in_dim3A_330 = vector.broadcast %convert_element_type3A_329 : bf16 to vector<1024x128xbf16>
      %lt3A_331 = arith.cmpf olt, %slice3A_324, %select_n3A_322 : vector<1024x128xbf16>
      %select_n3A_332 = arith.select %lt3A_331, %slice3A_324, %select_n3A_322 : vector<1024x128xi1>, vector<1024x128xbf16>
      %select_n3A_333 = arith.select %lt3A_331, %broadcast_in_dim3A_330, %select_n3A_323 : vector<1024x128xi1>, vector<1024x128xbf16>
      %slice3A_334 = vector.extract_strided_slice %convert_element_type3A_35 {offsets = [0, 3840], sizes = [1024, 128], strides = [1, 1]} : vector<1024x5120xbf16> to vector<1024x128xbf16>
      %mul3A_335 = arith.constant 40 : i32
      %mul3A_336 = arith.muli %scan3A_26, %mul3A_335 : i32
      %add3A_337 = arith.constant 30 : i32
      %add3A_338 = arith.addi %mul3A_336, %add3A_337 : i32
      %convert_element_type3A_339 = arith.sitofp %add3A_338 : i32 to bf16
      %broadcast_in_dim3A_340 = vector.broadcast %convert_element_type3A_339 : bf16 to vector<1024x128xbf16>
      %lt3A_341 = arith.cmpf olt, %slice3A_334, %select_n3A_332 : vector<1024x128xbf16>
      %select_n3A_342 = arith.select %lt3A_341, %slice3A_334, %select_n3A_332 : vector<1024x128xi1>, vector<1024x128xbf16>
      %select_n3A_343 = arith.select %lt3A_341, %broadcast_in_dim3A_340, %select_n3A_333 : vector<1024x128xi1>, vector<1024x128xbf16>
      %slice3A_344 = vector.extract_strided_slice %convert_element_type3A_35 {offsets = [0, 3968], sizes = [1024, 128], strides = [1, 1]} : vector<1024x5120xbf16> to vector<1024x128xbf16>
      %mul3A_345 = arith.constant 40 : i32
      %mul3A_346 = arith.muli %scan3A_26, %mul3A_345 : i32
      %add3A_347 = arith.constant 31 : i32
      %add3A_348 = arith.addi %mul3A_346, %add3A_347 : i32
      %convert_element_type3A_349 = arith.sitofp %add3A_348 : i32 to bf16
      %broadcast_in_dim3A_350 = vector.broadcast %convert_element_type3A_349 : bf16 to vector<1024x128xbf16>
      %lt3A_351 = arith.cmpf olt, %slice3A_344, %select_n3A_342 : vector<1024x128xbf16>
      %select_n3A_352 = arith.select %lt3A_351, %slice3A_344, %select_n3A_342 : vector<1024x128xi1>, vector<1024x128xbf16>
      %select_n3A_353 = arith.select %lt3A_351, %broadcast_in_dim3A_350, %select_n3A_343 : vector<1024x128xi1>, vector<1024x128xbf16>
      %slice3A_354 = vector.extract_strided_slice %convert_element_type3A_35 {offsets = [0, 4096], sizes = [1024, 128], strides = [1, 1]} : vector<1024x5120xbf16> to vector<1024x128xbf16>
      %mul3A_355 = arith.constant 40 : i32
      %mul3A_356 = arith.muli %scan3A_26, %mul3A_355 : i32
      %add3A_357 = arith.constant 32 : i32
      %add3A_358 = arith.addi %mul3A_356, %add3A_357 : i32
      %convert_element_type3A_359 = arith.sitofp %add3A_358 : i32 to bf16
      %broadcast_in_dim3A_360 = vector.broadcast %convert_element_type3A_359 : bf16 to vector<1024x128xbf16>
      %lt3A_361 = arith.cmpf olt, %slice3A_354, %select_n3A_352 : vector<1024x128xbf16>
      %select_n3A_362 = arith.select %lt3A_361, %slice3A_354, %select_n3A_352 : vector<1024x128xi1>, vector<1024x128xbf16>
      %select_n3A_363 = arith.select %lt3A_361, %broadcast_in_dim3A_360, %select_n3A_353 : vector<1024x128xi1>, vector<1024x128xbf16>
      %slice3A_364 = vector.extract_strided_slice %convert_element_type3A_35 {offsets = [0, 4224], sizes = [1024, 128], strides = [1, 1]} : vector<1024x5120xbf16> to vector<1024x128xbf16>
      %mul3A_365 = arith.constant 40 : i32
      %mul3A_366 = arith.muli %scan3A_26, %mul3A_365 : i32
      %add3A_367 = arith.constant 33 : i32
      %add3A_368 = arith.addi %mul3A_366, %add3A_367 : i32
      %convert_element_type3A_369 = arith.sitofp %add3A_368 : i32 to bf16
      %broadcast_in_dim3A_370 = vector.broadcast %convert_element_type3A_369 : bf16 to vector<1024x128xbf16>
      %lt3A_371 = arith.cmpf olt, %slice3A_364, %select_n3A_362 : vector<1024x128xbf16>
      %select_n3A_372 = arith.select %lt3A_371, %slice3A_364, %select_n3A_362 : vector<1024x128xi1>, vector<1024x128xbf16>
      %select_n3A_373 = arith.select %lt3A_371, %broadcast_in_dim3A_370, %select_n3A_363 : vector<1024x128xi1>, vector<1024x128xbf16>
      %slice3A_374 = vector.extract_strided_slice %convert_element_type3A_35 {offsets = [0, 4352], sizes = [1024, 128], strides = [1, 1]} : vector<1024x5120xbf16> to vector<1024x128xbf16>
      %mul3A_375 = arith.constant 40 : i32
      %mul3A_376 = arith.muli %scan3A_26, %mul3A_375 : i32
      %add3A_377 = arith.constant 34 : i32
      %add3A_378 = arith.addi %mul3A_376, %add3A_377 : i32
      %convert_element_type3A_379 = arith.sitofp %add3A_378 : i32 to bf16
      %broadcast_in_dim3A_380 = vector.broadcast %convert_element_type3A_379 : bf16 to vector<1024x128xbf16>
      %lt3A_381 = arith.cmpf olt, %slice3A_374, %select_n3A_372 : vector<1024x128xbf16>
      %select_n3A_382 = arith.select %lt3A_381, %slice3A_374, %select_n3A_372 : vector<1024x128xi1>, vector<1024x128xbf16>
      %select_n3A_383 = arith.select %lt3A_381, %broadcast_in_dim3A_380, %select_n3A_373 : vector<1024x128xi1>, vector<1024x128xbf16>
      %slice3A_384 = vector.extract_strided_slice %convert_element_type3A_35 {offsets = [0, 4480], sizes = [1024, 128], strides = [1, 1]} : vector<1024x5120xbf16> to vector<1024x128xbf16>
      %mul3A_385 = arith.constant 40 : i32
      %mul3A_386 = arith.muli %scan3A_26, %mul3A_385 : i32
      %add3A_387 = arith.constant 35 : i32
      %add3A_388 = arith.addi %mul3A_386, %add3A_387 : i32
      %convert_element_type3A_389 = arith.sitofp %add3A_388 : i32 to bf16
      %broadcast_in_dim3A_390 = vector.broadcast %convert_element_type3A_389 : bf16 to vector<1024x128xbf16>
      %lt3A_391 = arith.cmpf olt, %slice3A_384, %select_n3A_382 : vector<1024x128xbf16>
      %select_n3A_392 = arith.select %lt3A_391, %slice3A_384, %select_n3A_382 : vector<1024x128xi1>, vector<1024x128xbf16>
      %select_n3A_393 = arith.select %lt3A_391, %broadcast_in_dim3A_390, %select_n3A_383 : vector<1024x128xi1>, vector<1024x128xbf16>
      %slice3A_394 = vector.extract_strided_slice %convert_element_type3A_35 {offsets = [0, 4608], sizes = [1024, 128], strides = [1, 1]} : vector<1024x5120xbf16> to vector<1024x128xbf16>
      %mul3A_395 = arith.constant 40 : i32
      %mul3A_396 = arith.muli %scan3A_26, %mul3A_395 : i32
      %add3A_397 = arith.constant 36 : i32
      %add3A_398 = arith.addi %mul3A_396, %add3A_397 : i32
      %convert_element_type3A_399 = arith.sitofp %add3A_398 : i32 to bf16
      %broadcast_in_dim3A_400 = vector.broadcast %convert_element_type3A_399 : bf16 to vector<1024x128xbf16>
      %lt3A_401 = arith.cmpf olt, %slice3A_394, %select_n3A_392 : vector<1024x128xbf16>
      %select_n3A_402 = arith.select %lt3A_401, %slice3A_394, %select_n3A_392 : vector<1024x128xi1>, vector<1024x128xbf16>
      %select_n3A_403 = arith.select %lt3A_401, %broadcast_in_dim3A_400, %select_n3A_393 : vector<1024x128xi1>, vector<1024x128xbf16>
      %slice3A_404 = vector.extract_strided_slice %convert_element_type3A_35 {offsets = [0, 4736], sizes = [1024, 128], strides = [1, 1]} : vector<1024x5120xbf16> to vector<1024x128xbf16>
      %mul3A_405 = arith.constant 40 : i32
      %mul3A_406 = arith.muli %scan3A_26, %mul3A_405 : i32
      %add3A_407 = arith.constant 37 : i32
      %add3A_408 = arith.addi %mul3A_406, %add3A_407 : i32
      %convert_element_type3A_409 = arith.sitofp %add3A_408 : i32 to bf16
      %broadcast_in_dim3A_410 = vector.broadcast %convert_element_type3A_409 : bf16 to vector<1024x128xbf16>
      %lt3A_411 = arith.cmpf olt, %slice3A_404, %select_n3A_402 : vector<1024x128xbf16>
      %select_n3A_412 = arith.select %lt3A_411, %slice3A_404, %select_n3A_402 : vector<1024x128xi1>, vector<1024x128xbf16>
      %select_n3A_413 = arith.select %lt3A_411, %broadcast_in_dim3A_410, %select_n3A_403 : vector<1024x128xi1>, vector<1024x128xbf16>
      %slice3A_414 = vector.extract_strided_slice %convert_element_type3A_35 {offsets = [0, 4864], sizes = [1024, 128], strides = [1, 1]} : vector<1024x5120xbf16> to vector<1024x128xbf16>
      %mul3A_415 = arith.constant 40 : i32
      %mul3A_416 = arith.muli %scan3A_26, %mul3A_415 : i32
      %add3A_417 = arith.constant 38 : i32
      %add3A_418 = arith.addi %mul3A_416, %add3A_417 : i32
      %convert_element_type3A_419 = arith.sitofp %add3A_418 : i32 to bf16
      %broadcast_in_dim3A_420 = vector.broadcast %convert_element_type3A_419 : bf16 to vector<1024x128xbf16>
      %lt3A_421 = arith.cmpf olt, %slice3A_414, %select_n3A_412 : vector<1024x128xbf16>
      %select_n3A_422 = arith.select %lt3A_421, %slice3A_414, %select_n3A_412 : vector<1024x128xi1>, vector<1024x128xbf16>
      %select_n3A_423 = arith.select %lt3A_421, %broadcast_in_dim3A_420, %select_n3A_413 : vector<1024x128xi1>, vector<1024x128xbf16>
      %slice3A_424 = vector.extract_strided_slice %convert_element_type3A_35 {offsets = [0, 4992], sizes = [1024, 128], strides = [1, 1]} : vector<1024x5120xbf16> to vector<1024x128xbf16>
      %mul3A_425 = arith.constant 40 : i32
      %mul3A_426 = arith.muli %scan3A_26, %mul3A_425 : i32
      %add3A_427 = arith.constant 39 : i32
      %add3A_428 = arith.addi %mul3A_426, %add3A_427 : i32
      %convert_element_type3A_429 = arith.sitofp %add3A_428 : i32 to bf16
      %broadcast_in_dim3A_430 = vector.broadcast %convert_element_type3A_429 : bf16 to vector<1024x128xbf16>
      %lt3A_431 = arith.cmpf olt, %slice3A_424, %select_n3A_422 : vector<1024x128xbf16>
      %select_n3A_432 = arith.select %lt3A_431, %slice3A_424, %select_n3A_422 : vector<1024x128xi1>, vector<1024x128xbf16>
      %select_n3A_433 = arith.select %lt3A_431, %broadcast_in_dim3A_430, %select_n3A_423 : vector<1024x128xi1>, vector<1024x128xbf16>
      scf.yield %select_n3A_432, %select_n3A_433 : vector<1024x128xbf16>, vector<1024x128xbf16>
    }
    %scan3A_9 = arith.constant 4 : i32
    %convert_element_type3A = arith.extf %scan3A_8#0 : vector<1024x128xbf16> to vector<1024x128xf32>
    %reduce_min3A = arith.constant dense<0x7F800000> : vector<1024xf32>
    %reduce_min3A_10 = vector.multi_reduction <minimumf>, %convert_element_type3A, %reduce_min3A [1] : vector<1024x128xf32> to vector<1024xf32>
    %broadcast_in_dim3A_11 = vector.shape_cast %reduce_min3A_10 : vector<1024xf32> to vector<1024x1xf32>
    %iota3A = tpu.iota {dimensions = array<i32: 1>} : vector<1024x128xi32>
    %convert_element_type3A_12 = arith.extf %scan3A_8#1 : vector<1024x128xbf16> to vector<1024x128xf32>
    %convert_element_type3A_13 = arith.fptosi %convert_element_type3A_12 : vector<1024x128xf32> to vector<1024x128xi32>
    %mul3A = arith.constant 128 : i32
    %mul3A_14 = vector.broadcast %mul3A : i32 to vector<1024x128xi32>
    %mul3A_15 = arith.muli %convert_element_type3A_13, %mul3A_14 : vector<1024x128xi32>
    %add3A = arith.addi %mul3A_15, %iota3A : vector<1024x128xi32>
    %eq3A = vector.broadcast %broadcast_in_dim3A_11 : vector<1024x1xf32> to vector<1024x128xf32>
    %eq3A_16 = arith.cmpf oeq, %convert_element_type3A, %eq3A : vector<1024x128xf32>
    %jit3A = arith.constant 1073741824 : i32
    %broadcast_in_dim3A_17 = vector.broadcast %jit3A : i32 to vector<1024x128xi32>
    %select_n3A = arith.select %eq3A_16, %add3A, %broadcast_in_dim3A_17 : vector<1024x128xi1>, vector<1024x128xi32>
    %reduce_min3A_18 = arith.constant dense<2147483647> : vector<1024xi32>
    %reduce_min3A_19 = vector.multi_reduction <minsi>, %select_n3A, %reduce_min3A_18 [1] : vector<1024x128xi32> to vector<1024xi32>
    %broadcast_in_dim3A_20 = vector.shape_cast %reduce_min3A_19 : vector<1024xi32> to vector<1024x1xi32>
    %swap3A = arith.constant 0 : index
    %swap3A_21 = arith.constant 0 : index
    %swap3A_22 = vector.load %arg3[%swap3A, %swap3A_21] : memref<1024x1xf32, #tpu.memory_space<vmem>>, vector<1024x1xf32>
    tpu.vector_store %arg3[%swap3A, %swap3A_21], %broadcast_in_dim3A_11 {strides = array<i32>} : memref<1024x1xf32, #tpu.memory_space<vmem>>, vector<1024x1xf32>,
    %swap3A_23 = arith.constant 0 : index
    %swap3A_24 = arith.constant 0 : index
    %swap3A_25 = vector.load %arg4[%swap3A_23, %swap3A_24] : memref<1024x1xi32, #tpu.memory_space<vmem>>, vector<1024x1xi32>
    tpu.vector_store %arg4[%swap3A_23, %swap3A_24], %broadcast_in_dim3A_20 {strides = array<i32>} : memref<1024x1xi32, #tpu.memory_space<vmem>>, vector<1024x1xi32>,
    return
  }
  func.func @transform_0(%arg0: i32) -> (i32, i32) {
    %c0_i32 = arith.constant 0 : i32
    %c0_i32_0 = arith.constant 0 : i32
    return %arg0, %c0_i32 : i32, i32
  }
  func.func @transform_1(%arg0: i32) -> (i32, i32) {
    %c0_i32 = arith.constant 0 : i32
    %c0_i32_0 = arith.constant 0 : i32
    %c0_i32_1 = arith.constant 0 : i32
    return %c0_i32, %c0_i32_0 : i32, i32
  }
  func.func @transform_2(%arg0: i32) -> (i32, i32) {
    %c0_i32 = arith.constant 0 : i32
    %c0_i32_0 = arith.constant 0 : i32
    return %arg0, %c0_i32 : i32, i32
  }
  func.func @transform_3(%arg0: i32) -> (i32, i32) {
    %c0_i32 = arith.constant 0 : i32
    %c0_i32_0 = arith.constant 0 : i32
    return %arg0, %c0_i32 : i32, i32
  }
}

module attributes {stable_mosaic.version = 14 : i64} {
  func.func @_fin_body(%arg0: memref<1x20480xf32, #tpu.memory_space<vmem>>, %arg1: memref<1x20480xf32, #tpu.memory_space<vmem>>, %arg2: memref<3x20480xf32, #tpu.memory_space<vmem>>, %arg3: memref<3x20480xf32, #tpu.memory_space<vmem>>, %arg4: memref<4x20480xf32, #tpu.memory_space<vmem>>, %arg5: memref<4x20480xf32, #tpu.memory_space<vmem>>, %arg6: memref<4x40960xf32, #tpu.memory_space<vmem>>, %arg7: memref<4x40960xf32, #tpu.memory_space<vmem>>, %arg8: memref<4x40960xf32, #tpu.memory_space<vmem>>, %arg9: memref<1x1xf32, #tpu.memory_space<vmem>>) attributes {dimension_semantics = [], scalar_prefetch = 0 : i64, scratch_operands = 0 : i64, tpu.core_type = #tpu.core_type<tc>} {
    %iota3A = tpu.iota {dimensions = array<i32: 1>} : vector<1x20480xi32>
    %lt3A = arith.constant 20000 : i32
    %lt3A_0 = vector.broadcast %lt3A : i32 to vector<1x20480xi32>
    %lt3A_1 = arith.cmpi slt, %iota3A, %lt3A_0 : vector<1x20480xi32>
    %convert_element_type3A = arith.extui %lt3A_1 : vector<1x20480xi1> to vector<1x20480xi32>
    %convert_element_type3A_2 = arith.sitofp %convert_element_type3A : vector<1x20480xi32> to vector<1x20480xf32>
    %get3A = arith.constant 0 : index
    %get3A_3 = arith.constant 0 : index
    %get3A_4 = vector.load %arg0[%get3A, %get3A_3] : memref<1x20480xf32, #tpu.memory_space<vmem>>, vector<1x20480xf32>
    %mul3A = arith.mulf %get3A_4, %convert_element_type3A_2 : vector<1x20480xf32>
    %reduce_sum3A = vector.shape_cast %mul3A : vector<1x20480xf32> to vector<1x1x20480xf32>
    %reduce_sum3A_5 = arith.constant dense<0.000000e+00> : vector<1xf32>
    %reduce_sum3A_6 = vector.multi_reduction <add>, %reduce_sum3A, %reduce_sum3A_5 [1, 2] : vector<1x1x20480xf32> to vector<1xf32>
    %reduce_sum3A_7 = vector.shape_cast %reduce_sum3A_6 : vector<1xf32> to vector<1x1x1xf32>
    %reduce_sum3A_8 = vector.extract %reduce_sum3A_7[0, 0, 0] : f32 from vector<1x1x1xf32>
    %get3A_9 = arith.constant 0 : index
    %get3A_10 = arith.constant 0 : index
    %get3A_11 = vector.load %arg1[%get3A_9, %get3A_10] : memref<1x20480xf32, #tpu.memory_space<vmem>>, vector<1x20480xf32>
    %mul3A_12 = arith.mulf %get3A_11, %convert_element_type3A_2 : vector<1x20480xf32>
    %reduce_sum3A_13 = vector.shape_cast %mul3A_12 : vector<1x20480xf32> to vector<1x1x20480xf32>
    %reduce_sum3A_14 = arith.constant dense<0.000000e+00> : vector<1xf32>
    %reduce_sum3A_15 = vector.multi_reduction <add>, %reduce_sum3A_13, %reduce_sum3A_14 [1, 2] : vector<1x1x20480xf32> to vector<1xf32>
    %reduce_sum3A_16 = vector.shape_cast %reduce_sum3A_15 : vector<1xf32> to vector<1x1x1xf32>
    %reduce_sum3A_17 = vector.extract %reduce_sum3A_16[0, 0, 0] : f32 from vector<1x1x1xf32>
    %add3A = arith.addf %reduce_sum3A_8, %reduce_sum3A_17 : f32
    %mul3A_18 = arith.constant 5.000000e-05 : f32
    %mul3A_19 = arith.mulf %add3A, %mul3A_18 : f32
    %get3A_20 = arith.constant 0 : index
    %get3A_21 = arith.constant 0 : index
    %get3A_22 = vector.load %arg2[%get3A_20, %get3A_21] : memref<3x20480xf32, #tpu.memory_space<vmem>>, vector<3x20480xf32>
    %get3A_23 = arith.constant 0 : index
    %get3A_24 = arith.constant 0 : index
    %get3A_25 = vector.load %arg4[%get3A_23, %get3A_24] : memref<4x20480xf32, #tpu.memory_space<vmem>>, vector<4x20480xf32>
    %slice3A = vector.extract_strided_slice %get3A_25 {offsets = [0, 0], sizes = [3, 20480], strides = [1, 1]} : vector<4x20480xf32> to vector<3x20480xf32>
    %mul3A_26 = arith.mulf %get3A_22, %slice3A : vector<3x20480xf32>
    %reduce_sum3A_27 = arith.constant dense<0.000000e+00> : vector<20480xf32>
    %reduce_sum3A_28 = vector.multi_reduction <add>, %mul3A_26, %reduce_sum3A_27 [0] : vector<3x20480xf32> to vector<20480xf32>
    %broadcast_in_dim3A = vector.shape_cast %reduce_sum3A_28 : vector<20480xf32> to vector<1x20480xf32>
    %mul3A_29 = arith.mulf %get3A_22, %get3A_22 : vector<3x20480xf32>
    %reduce_sum3A_30 = arith.constant dense<0.000000e+00> : vector<20480xf32>
    %reduce_sum3A_31 = vector.multi_reduction <add>, %mul3A_29, %reduce_sum3A_30 [0] : vector<3x20480xf32> to vector<20480xf32>
    %broadcast_in_dim3A_32 = vector.shape_cast %reduce_sum3A_31 : vector<20480xf32> to vector<1x20480xf32>
    %sqrt3A = math.sqrt %broadcast_in_dim3A_32 : vector<1x20480xf32>
    %mul3A_33 = arith.mulf %slice3A, %slice3A : vector<3x20480xf32>
    %reduce_sum3A_34 = arith.constant dense<0.000000e+00> : vector<20480xf32>
    %reduce_sum3A_35 = vector.multi_reduction <add>, %mul3A_33, %reduce_sum3A_34 [0] : vector<3x20480xf32> to vector<20480xf32>
    %broadcast_in_dim3A_36 = vector.shape_cast %reduce_sum3A_35 : vector<20480xf32> to vector<1x20480xf32>
    %sqrt3A_37 = math.sqrt %broadcast_in_dim3A_36 : vector<1x20480xf32>
    %mul3A_38 = arith.mulf %sqrt3A, %sqrt3A_37 : vector<1x20480xf32>
    %add3A_39 = arith.constant 9.99999993E-9 : f32
    %add3A_40 = vector.broadcast %add3A_39 : f32 to vector<1x20480xf32>
    %add3A_41 = arith.addf %mul3A_38, %add3A_40 : vector<1x20480xf32>
    %div3A = arith.divf %broadcast_in_dim3A, %add3A_41 : vector<1x20480xf32>
    %abs3A = math.absf %div3A : vector<1x20480xf32>
    %sub3A = arith.constant 1.000000e+00 : f32
    %sub3A_42 = vector.broadcast %sub3A : f32 to vector<1x20480xf32>
    %sub3A_43 = arith.subf %sub3A_42, %abs3A : vector<1x20480xf32>
    %mul3A_44 = arith.mulf %sub3A_43, %convert_element_type3A_2 : vector<1x20480xf32>
    %reduce_sum3A_45 = vector.shape_cast %mul3A_44 : vector<1x20480xf32> to vector<1x1x20480xf32>
    %reduce_sum3A_46 = arith.constant dense<0.000000e+00> : vector<1xf32>
    %reduce_sum3A_47 = vector.multi_reduction <add>, %reduce_sum3A_45, %reduce_sum3A_46 [1, 2] : vector<1x1x20480xf32> to vector<1xf32>
    %reduce_sum3A_48 = vector.shape_cast %reduce_sum3A_47 : vector<1xf32> to vector<1x1x1xf32>
    %reduce_sum3A_49 = vector.extract %reduce_sum3A_48[0, 0, 0] : f32 from vector<1x1x1xf32>
    %mul3A_50 = arith.constant 5.000000e-05 : f32
    %mul3A_51 = arith.mulf %reduce_sum3A_49, %mul3A_50 : f32
    %get3A_52 = arith.constant 0 : index
    %get3A_53 = arith.constant 0 : index
    %get3A_54 = vector.load %arg3[%get3A_52, %get3A_53] : memref<3x20480xf32, #tpu.memory_space<vmem>>, vector<3x20480xf32>
    %get3A_55 = arith.constant 0 : index
    %get3A_56 = arith.constant 0 : index
    %get3A_57 = vector.load %arg5[%get3A_55, %get3A_56] : memref<4x20480xf32, #tpu.memory_space<vmem>>, vector<4x20480xf32>
    %slice3A_58 = vector.extract_strided_slice %get3A_57 {offsets = [0, 0], sizes = [3, 20480], strides = [1, 1]} : vector<4x20480xf32> to vector<3x20480xf32>
    %mul3A_59 = arith.mulf %get3A_54, %slice3A_58 : vector<3x20480xf32>
    %reduce_sum3A_60 = arith.constant dense<0.000000e+00> : vector<20480xf32>
    %reduce_sum3A_61 = vector.multi_reduction <add>, %mul3A_59, %reduce_sum3A_60 [0] : vector<3x20480xf32> to vector<20480xf32>
    %broadcast_in_dim3A_62 = vector.shape_cast %reduce_sum3A_61 : vector<20480xf32> to vector<1x20480xf32>
    %mul3A_63 = arith.mulf %get3A_54, %get3A_54 : vector<3x20480xf32>
    %reduce_sum3A_64 = arith.constant dense<0.000000e+00> : vector<20480xf32>
    %reduce_sum3A_65 = vector.multi_reduction <add>, %mul3A_63, %reduce_sum3A_64 [0] : vector<3x20480xf32> to vector<20480xf32>
    %broadcast_in_dim3A_66 = vector.shape_cast %reduce_sum3A_65 : vector<20480xf32> to vector<1x20480xf32>
    %sqrt3A_67 = math.sqrt %broadcast_in_dim3A_66 : vector<1x20480xf32>
    %mul3A_68 = arith.mulf %slice3A_58, %slice3A_58 : vector<3x20480xf32>
    %reduce_sum3A_69 = arith.constant dense<0.000000e+00> : vector<20480xf32>
    %reduce_sum3A_70 = vector.multi_reduction <add>, %mul3A_68, %reduce_sum3A_69 [0] : vector<3x20480xf32> to vector<20480xf32>
    %broadcast_in_dim3A_71 = vector.shape_cast %reduce_sum3A_70 : vector<20480xf32> to vector<1x20480xf32>
    %sqrt3A_72 = math.sqrt %broadcast_in_dim3A_71 : vector<1x20480xf32>
    %mul3A_73 = arith.mulf %sqrt3A_67, %sqrt3A_72 : vector<1x20480xf32>
    %add3A_74 = arith.constant 9.99999993E-9 : f32
    %add3A_75 = vector.broadcast %add3A_74 : f32 to vector<1x20480xf32>
    %add3A_76 = arith.addf %mul3A_73, %add3A_75 : vector<1x20480xf32>
    %div3A_77 = arith.divf %broadcast_in_dim3A_62, %add3A_76 : vector<1x20480xf32>
    %abs3A_78 = math.absf %div3A_77 : vector<1x20480xf32>
    %sub3A_79 = arith.constant 1.000000e+00 : f32
    %sub3A_80 = vector.broadcast %sub3A_79 : f32 to vector<1x20480xf32>
    %sub3A_81 = arith.subf %sub3A_80, %abs3A_78 : vector<1x20480xf32>
    %mul3A_82 = arith.mulf %sub3A_81, %convert_element_type3A_2 : vector<1x20480xf32>
    %reduce_sum3A_83 = vector.shape_cast %mul3A_82 : vector<1x20480xf32> to vector<1x1x20480xf32>
    %reduce_sum3A_84 = arith.constant dense<0.000000e+00> : vector<1xf32>
    %reduce_sum3A_85 = vector.multi_reduction <add>, %reduce_sum3A_83, %reduce_sum3A_84 [1, 2] : vector<1x1x20480xf32> to vector<1xf32>
    %reduce_sum3A_86 = vector.shape_cast %reduce_sum3A_85 : vector<1xf32> to vector<1x1x1xf32>
    %reduce_sum3A_87 = vector.extract %reduce_sum3A_86[0, 0, 0] : f32 from vector<1x1x1xf32>
    %mul3A_88 = arith.constant 5.000000e-05 : f32
    %mul3A_89 = arith.mulf %reduce_sum3A_87, %mul3A_88 : f32
    %add3A_90 = arith.addf %mul3A_51, %mul3A_89 : f32
    %mul3A_91 = arith.constant 8.000000e-01 : f32
    %mul3A_92 = arith.mulf %mul3A_19, %mul3A_91 : f32
    %mul3A_93 = arith.constant 2.000000e-01 : f32
    %mul3A_94 = arith.mulf %add3A_90, %mul3A_93 : f32
    %add3A_95 = arith.addf %mul3A_92, %mul3A_94 : f32
    %iota3A_96 = tpu.iota {dimensions = array<i32: 1>} : vector<1x40960xi32>
    %lt3A_97 = arith.constant 40000 : i32
    %lt3A_98 = vector.broadcast %lt3A_97 : i32 to vector<1x40960xi32>
    %lt3A_99 = arith.cmpi slt, %iota3A_96, %lt3A_98 : vector<1x40960xi32>
    %convert_element_type3A_100 = arith.extui %lt3A_99 : vector<1x40960xi1> to vector<1x40960xi32>
    %convert_element_type3A_101 = arith.sitofp %convert_element_type3A_100 : vector<1x40960xi32> to vector<1x40960xf32>
    %get3A_102 = arith.constant 0 : index
    %get3A_103 = arith.constant 0 : index
    %get3A_104 = vector.load %arg6[%get3A_102, %get3A_103] : memref<4x40960xf32, #tpu.memory_space<vmem>>, vector<4x40960xf32>
    %slice3A_105 = vector.extract_strided_slice %get3A_104 {offsets = [0, 0], sizes = [3, 40960], strides = [1, 1]} : vector<4x40960xf32> to vector<3x40960xf32>
    %get3A_106 = arith.constant 0 : index
    %get3A_107 = arith.constant 0 : index
    %get3A_108 = vector.load %arg7[%get3A_106, %get3A_107] : memref<4x40960xf32, #tpu.memory_space<vmem>>, vector<4x40960xf32>
    %slice3A_109 = vector.extract_strided_slice %get3A_108 {offsets = [0, 0], sizes = [3, 40960], strides = [1, 1]} : vector<4x40960xf32> to vector<3x40960xf32>
    %get3A_110 = arith.constant 0 : index
    %get3A_111 = arith.constant 0 : index
    %get3A_112 = vector.load %arg8[%get3A_110, %get3A_111] : memref<4x40960xf32, #tpu.memory_space<vmem>>, vector<4x40960xf32>
    %slice3A_113 = vector.extract_strided_slice %get3A_112 {offsets = [0, 0], sizes = [3, 40960], strides = [1, 1]} : vector<4x40960xf32> to vector<3x40960xf32>
    %sub3A_114 = arith.subf %slice3A_105, %slice3A_109 : vector<3x40960xf32>
    %mul3A_115 = arith.mulf %sub3A_114, %sub3A_114 : vector<3x40960xf32>
    %reduce_sum3A_116 = arith.constant dense<0.000000e+00> : vector<40960xf32>
    %reduce_sum3A_117 = vector.multi_reduction <add>, %mul3A_115, %reduce_sum3A_116 [0] : vector<3x40960xf32> to vector<40960xf32>
    %broadcast_in_dim3A_118 = vector.shape_cast %reduce_sum3A_117 : vector<40960xf32> to vector<1x40960xf32>
    %sqrt3A_119 = math.sqrt %broadcast_in_dim3A_118 : vector<1x40960xf32>
    %sub3A_120 = arith.subf %slice3A_109, %slice3A_113 : vector<3x40960xf32>
    %mul3A_121 = arith.mulf %sub3A_120, %sub3A_120 : vector<3x40960xf32>
    %reduce_sum3A_122 = arith.constant dense<0.000000e+00> : vector<40960xf32>
    %reduce_sum3A_123 = vector.multi_reduction <add>, %mul3A_121, %reduce_sum3A_122 [0] : vector<3x40960xf32> to vector<40960xf32>
    %broadcast_in_dim3A_124 = vector.shape_cast %reduce_sum3A_123 : vector<40960xf32> to vector<1x40960xf32>
    %sqrt3A_125 = math.sqrt %broadcast_in_dim3A_124 : vector<1x40960xf32>
    %sub3A_126 = arith.subf %slice3A_113, %slice3A_105 : vector<3x40960xf32>
    %mul3A_127 = arith.mulf %sub3A_126, %sub3A_126 : vector<3x40960xf32>
    %reduce_sum3A_128 = arith.constant dense<0.000000e+00> : vector<40960xf32>
    %reduce_sum3A_129 = vector.multi_reduction <add>, %mul3A_127, %reduce_sum3A_128 [0] : vector<3x40960xf32> to vector<40960xf32>
    %broadcast_in_dim3A_130 = vector.shape_cast %reduce_sum3A_129 : vector<40960xf32> to vector<1x40960xf32>
    %sqrt3A_131 = math.sqrt %broadcast_in_dim3A_130 : vector<1x40960xf32>
    %add3A_132 = arith.addf %sqrt3A_119, %sqrt3A_125 : vector<1x40960xf32>
    %add3A_133 = arith.addf %add3A_132, %sqrt3A_131 : vector<1x40960xf32>
    %mul3A_134 = arith.mulf %add3A_133, %convert_element_type3A_101 : vector<1x40960xf32>
    %reduce_sum3A_135 = vector.shape_cast %mul3A_134 : vector<1x40960xf32> to vector<1x1x40960xf32>
    %reduce_sum3A_136 = arith.constant dense<0.000000e+00> : vector<1xf32>
    %reduce_sum3A_137 = vector.multi_reduction <add>, %reduce_sum3A_135, %reduce_sum3A_136 [1, 2] : vector<1x1x40960xf32> to vector<1xf32>
    %reduce_sum3A_138 = vector.shape_cast %reduce_sum3A_137 : vector<1xf32> to vector<1x1x1xf32>
    %reduce_sum3A_139 = vector.extract %reduce_sum3A_138[0, 0, 0] : f32 from vector<1x1x1xf32>
    %mul3A_140 = arith.constant 2.500000e-05 : f32
    %mul3A_141 = arith.mulf %reduce_sum3A_139, %mul3A_140 : f32
    %div3A_142 = arith.constant 3.000000e+00 : f32
    %div3A_143 = arith.divf %mul3A_141, %div3A_142 : f32
    %sub3A_144 = arith.subf %sqrt3A_119, %sqrt3A_125 : vector<1x40960xf32>
    %abs3A_145 = math.absf %sub3A_144 : vector<1x40960xf32>
    %mul3A_146 = arith.mulf %abs3A_145, %convert_element_type3A_101 : vector<1x40960xf32>
    %reduce_sum3A_147 = vector.shape_cast %mul3A_146 : vector<1x40960xf32> to vector<1x1x40960xf32>
    %reduce_sum3A_148 = arith.constant dense<0.000000e+00> : vector<1xf32>
    %reduce_sum3A_149 = vector.multi_reduction <add>, %reduce_sum3A_147, %reduce_sum3A_148 [1, 2] : vector<1x1x40960xf32> to vector<1xf32>
    %reduce_sum3A_150 = vector.shape_cast %reduce_sum3A_149 : vector<1xf32> to vector<1x1x1xf32>
    %reduce_sum3A_151 = vector.extract %reduce_sum3A_150[0, 0, 0] : f32 from vector<1x1x1xf32>
    %mul3A_152 = arith.constant 2.500000e-05 : f32
    %mul3A_153 = arith.mulf %reduce_sum3A_151, %mul3A_152 : f32
    %sub3A_154 = arith.subf %sqrt3A_125, %sqrt3A_131 : vector<1x40960xf32>
    %abs3A_155 = math.absf %sub3A_154 : vector<1x40960xf32>
    %mul3A_156 = arith.mulf %abs3A_155, %convert_element_type3A_101 : vector<1x40960xf32>
    %reduce_sum3A_157 = vector.shape_cast %mul3A_156 : vector<1x40960xf32> to vector<1x1x40960xf32>
    %reduce_sum3A_158 = arith.constant dense<0.000000e+00> : vector<1xf32>
    %reduce_sum3A_159 = vector.multi_reduction <add>, %reduce_sum3A_157, %reduce_sum3A_158 [1, 2] : vector<1x1x40960xf32> to vector<1xf32>
    %reduce_sum3A_160 = vector.shape_cast %reduce_sum3A_159 : vector<1xf32> to vector<1x1x1xf32>
    %reduce_sum3A_161 = vector.extract %reduce_sum3A_160[0, 0, 0] : f32 from vector<1x1x1xf32>
    %mul3A_162 = arith.constant 2.500000e-05 : f32
    %mul3A_163 = arith.mulf %reduce_sum3A_161, %mul3A_162 : f32
    %add3A_164 = arith.addf %mul3A_153, %mul3A_163 : f32
    %sub3A_165 = arith.subf %sqrt3A_131, %sqrt3A_119 : vector<1x40960xf32>
    %abs3A_166 = math.absf %sub3A_165 : vector<1x40960xf32>
    %mul3A_167 = arith.mulf %abs3A_166, %convert_element_type3A_101 : vector<1x40960xf32>
    %reduce_sum3A_168 = vector.shape_cast %mul3A_167 : vector<1x40960xf32> to vector<1x1x40960xf32>
    %reduce_sum3A_169 = arith.constant dense<0.000000e+00> : vector<1xf32>
    %reduce_sum3A_170 = vector.multi_reduction <add>, %reduce_sum3A_168, %reduce_sum3A_169 [1, 2] : vector<1x1x40960xf32> to vector<1xf32>
    %reduce_sum3A_171 = vector.shape_cast %reduce_sum3A_170 : vector<1xf32> to vector<1x1x1xf32>
    %reduce_sum3A_172 = vector.extract %reduce_sum3A_171[0, 0, 0] : f32 from vector<1x1x1xf32>
    %mul3A_173 = arith.constant 2.500000e-05 : f32
    %mul3A_174 = arith.mulf %reduce_sum3A_172, %mul3A_173 : f32
    %add3A_175 = arith.addf %add3A_164, %mul3A_174 : f32
    %sub3A_176 = vector.broadcast %div3A_143 : f32 to vector<1x40960xf32>
    %sub3A_177 = arith.subf %sqrt3A_119, %sub3A_176 : vector<1x40960xf32>
    %abs3A_178 = math.absf %sub3A_177 : vector<1x40960xf32>
    %mul3A_179 = arith.mulf %abs3A_178, %convert_element_type3A_101 : vector<1x40960xf32>
    %reduce_sum3A_180 = vector.shape_cast %mul3A_179 : vector<1x40960xf32> to vector<1x1x40960xf32>
    %reduce_sum3A_181 = arith.constant dense<0.000000e+00> : vector<1xf32>
    %reduce_sum3A_182 = vector.multi_reduction <add>, %reduce_sum3A_180, %reduce_sum3A_181 [1, 2] : vector<1x1x40960xf32> to vector<1xf32>
    %reduce_sum3A_183 = vector.shape_cast %reduce_sum3A_182 : vector<1xf32> to vector<1x1x1xf32>
    %reduce_sum3A_184 = vector.extract %reduce_sum3A_183[0, 0, 0] : f32 from vector<1x1x1xf32>
    %mul3A_185 = arith.constant 2.500000e-05 : f32
    %mul3A_186 = arith.mulf %reduce_sum3A_184, %mul3A_185 : f32
    %add3A_187 = arith.addf %add3A_175, %mul3A_186 : f32
    %sub3A_188 = vector.broadcast %div3A_143 : f32 to vector<1x40960xf32>
    %sub3A_189 = arith.subf %sqrt3A_125, %sub3A_188 : vector<1x40960xf32>
    %abs3A_190 = math.absf %sub3A_189 : vector<1x40960xf32>
    %mul3A_191 = arith.mulf %abs3A_190, %convert_element_type3A_101 : vector<1x40960xf32>
    %reduce_sum3A_192 = vector.shape_cast %mul3A_191 : vector<1x40960xf32> to vector<1x1x40960xf32>
    %reduce_sum3A_193 = arith.constant dense<0.000000e+00> : vector<1xf32>
    %reduce_sum3A_194 = vector.multi_reduction <add>, %reduce_sum3A_192, %reduce_sum3A_193 [1, 2] : vector<1x1x40960xf32> to vector<1xf32>
    %reduce_sum3A_195 = vector.shape_cast %reduce_sum3A_194 : vector<1xf32> to vector<1x1x1xf32>
    %reduce_sum3A_196 = vector.extract %reduce_sum3A_195[0, 0, 0] : f32 from vector<1x1x1xf32>
    %mul3A_197 = arith.constant 2.500000e-05 : f32
    %mul3A_198 = arith.mulf %reduce_sum3A_196, %mul3A_197 : f32
    %add3A_199 = arith.addf %add3A_187, %mul3A_198 : f32
    %sub3A_200 = vector.broadcast %div3A_143 : f32 to vector<1x40960xf32>
    %sub3A_201 = arith.subf %sqrt3A_131, %sub3A_200 : vector<1x40960xf32>
    %abs3A_202 = math.absf %sub3A_201 : vector<1x40960xf32>
    %mul3A_203 = arith.mulf %abs3A_202, %convert_element_type3A_101 : vector<1x40960xf32>
    %reduce_sum3A_204 = vector.shape_cast %mul3A_203 : vector<1x40960xf32> to vector<1x1x40960xf32>
    %reduce_sum3A_205 = arith.constant dense<0.000000e+00> : vector<1xf32>
    %reduce_sum3A_206 = vector.multi_reduction <add>, %reduce_sum3A_204, %reduce_sum3A_205 [1, 2] : vector<1x1x40960xf32> to vector<1xf32>
    %reduce_sum3A_207 = vector.shape_cast %reduce_sum3A_206 : vector<1xf32> to vector<1x1x1xf32>
    %reduce_sum3A_208 = vector.extract %reduce_sum3A_207[0, 0, 0] : f32 from vector<1x1x1xf32>
    %mul3A_209 = arith.constant 2.500000e-05 : f32
    %mul3A_210 = arith.mulf %reduce_sum3A_208, %mul3A_209 : f32
    %add3A_211 = arith.addf %add3A_199, %mul3A_210 : f32
    %sub3A_212 = vector.broadcast %div3A_143 : f32 to vector<1x40960xf32>
    %sub3A_213 = arith.subf %sqrt3A_119, %sub3A_212 : vector<1x40960xf32>
    %integer_pow3A = arith.mulf %sub3A_213, %sub3A_213 : vector<1x40960xf32>
    %mul3A_214 = arith.mulf %integer_pow3A, %convert_element_type3A_101 : vector<1x40960xf32>
    %reduce_sum3A_215 = vector.shape_cast %mul3A_214 : vector<1x40960xf32> to vector<1x1x40960xf32>
    %reduce_sum3A_216 = arith.constant dense<0.000000e+00> : vector<1xf32>
    %reduce_sum3A_217 = vector.multi_reduction <add>, %reduce_sum3A_215, %reduce_sum3A_216 [1, 2] : vector<1x1x40960xf32> to vector<1xf32>
    %reduce_sum3A_218 = vector.shape_cast %reduce_sum3A_217 : vector<1xf32> to vector<1x1x1xf32>
    %reduce_sum3A_219 = vector.extract %reduce_sum3A_218[0, 0, 0] : f32 from vector<1x1x1xf32>
    %mul3A_220 = arith.constant 2.500000e-05 : f32
    %mul3A_221 = arith.mulf %reduce_sum3A_219, %mul3A_220 : f32
    %sub3A_222 = vector.broadcast %div3A_143 : f32 to vector<1x40960xf32>
    %sub3A_223 = arith.subf %sqrt3A_125, %sub3A_222 : vector<1x40960xf32>
    %integer_pow3A_224 = arith.mulf %sub3A_223, %sub3A_223 : vector<1x40960xf32>
    %mul3A_225 = arith.mulf %integer_pow3A_224, %convert_element_type3A_101 : vector<1x40960xf32>
    %reduce_sum3A_226 = vector.shape_cast %mul3A_225 : vector<1x40960xf32> to vector<1x1x40960xf32>
    %reduce_sum3A_227 = arith.constant dense<0.000000e+00> : vector<1xf32>
    %reduce_sum3A_228 = vector.multi_reduction <add>, %reduce_sum3A_226, %reduce_sum3A_227 [1, 2] : vector<1x1x40960xf32> to vector<1xf32>
    %reduce_sum3A_229 = vector.shape_cast %reduce_sum3A_228 : vector<1xf32> to vector<1x1x1xf32>
    %reduce_sum3A_230 = vector.extract %reduce_sum3A_229[0, 0, 0] : f32 from vector<1x1x1xf32>
    %mul3A_231 = arith.constant 2.500000e-05 : f32
    %mul3A_232 = arith.mulf %reduce_sum3A_230, %mul3A_231 : f32
    %add3A_233 = arith.addf %mul3A_221, %mul3A_232 : f32
    %sub3A_234 = vector.broadcast %div3A_143 : f32 to vector<1x40960xf32>
    %sub3A_235 = arith.subf %sqrt3A_131, %sub3A_234 : vector<1x40960xf32>
    %integer_pow3A_236 = arith.mulf %sub3A_235, %sub3A_235 : vector<1x40960xf32>
    %mul3A_237 = arith.mulf %integer_pow3A_236, %convert_element_type3A_101 : vector<1x40960xf32>
    %reduce_sum3A_238 = vector.shape_cast %mul3A_237 : vector<1x40960xf32> to vector<1x1x40960xf32>
    %reduce_sum3A_239 = arith.constant dense<0.000000e+00> : vector<1xf32>
    %reduce_sum3A_240 = vector.multi_reduction <add>, %reduce_sum3A_238, %reduce_sum3A_239 [1, 2] : vector<1x1x40960xf32> to vector<1xf32>
    %reduce_sum3A_241 = vector.shape_cast %reduce_sum3A_240 : vector<1xf32> to vector<1x1x1xf32>
    %reduce_sum3A_242 = vector.extract %reduce_sum3A_241[0, 0, 0] : f32 from vector<1x1x1xf32>
    %mul3A_243 = arith.constant 2.500000e-05 : f32
    %mul3A_244 = arith.mulf %reduce_sum3A_242, %mul3A_243 : f32
    %add3A_245 = arith.addf %add3A_233, %mul3A_244 : f32
    %div3A_246 = arith.constant 3.000000e+00 : f32
    %div3A_247 = arith.divf %add3A_245, %div3A_246 : f32
    %mul3A_248 = arith.constant 8.000000e-01 : f32
    %mul3A_249 = arith.mulf %add3A_95, %mul3A_248 : f32
    %mul3A_250 = arith.constant 2.000000e-01 : f32
    %mul3A_251 = arith.mulf %div3A_247, %mul3A_250 : f32
    %add3A_252 = arith.addf %mul3A_249, %mul3A_251 : f32
    %mul3A_253 = arith.constant 1.000000e-01 : f32
    %mul3A_254 = arith.mulf %add3A_211, %mul3A_253 : f32
    %add3A_255 = arith.addf %add3A_252, %mul3A_254 : f32
    %reshape3A = vector.broadcast %add3A_255 : f32 to vector<1x1xf32>
    %swap3A = arith.constant 0 : index
    %swap3A_256 = arith.constant 0 : index
    %swap3A_257 = vector.load %arg9[%swap3A, %swap3A_256] : memref<1x1xf32, #tpu.memory_space<vmem>>, vector<1x1xf32>
    tpu.vector_store %arg9[%swap3A, %swap3A_256], %reshape3A {strides = array<i32>} : memref<1x1xf32, #tpu.memory_space<vmem>>, vector<1x1xf32>,
    return
  }
}

</mosaic_0001>

<sc_bundles>
// kernel: kernel.11.cloned.1.call-start
scs
__scs_entry_jumppad:
0x0: {  	(pc) =	sbr.rel $0x88, $3  }
0x1: {  	(tag) =	ssettag $0x0;
	lr =	simm.s32 $0x1  }
0x2: {  	[smem:$0x3F9C] =	sst lr;
	_ =	strace $0xD0000000  }
0x3: {  	_ = 	snop  }
0x4: {  	_ = 	snop  }
0x5: {  	_ = 	snop  }
0x6: {  	_ = 	snop  }
0x7: {  	_ = 	snop  }
__scs_overlays_trampoline_lowered:
0x8: {  	[smem:$0x3FAB] =	sst s0  }
0x9: {  	[smem:$0x3FAC] =	sst s1  }
0xa: {  	[smem:$0x3FAD] =	sst s2  }
0xb: {  	[smem:$0x3FAE] =	sst s3  }
0xc: {  	[smem:$0x3FAF] =	sst s4  }
0xd: {  	[smem:$0x3FB0] =	sst s5  }
0xe: {  	[smem:$0x3FB1] =	sst s6  }
0xf: {  	[smem:$0x3FB2] =	sst s7  }
0x10: {  	[smem:$0x3FB3] =	sst s8  }
0x11: {  	[smem:$0x3FB4] =	sst s9;
	s0 =	simm.s32 @!p0 $0x0  }
0x12: {  	s1 =	sld [smem:$0x3F9A];
	s0 =	simm.s32 @p0 $0x1  }
0x13: {  	[smem:$0x3FB5] =	sst s0;
	s0 =	simm.s32 @!p1 $0x0  }
0x14: {  	s2 =	sld [smem:$0x3F99];
	s0 =	simm.s32 @p1 $0x1  }
0x15: {  	[smem:$0x3FB6] =	sst s0;
	s0 =	simm.s32 @!p2 $0x0  }
0x16: {  	s3 =	sld [smem:$0x3FDB];
	s0 =	simm.s32 @p2 $0x1  }
0x17: {  	s4 =	simm.s32 $0x1BF5;
	[smem:$0x3FB8] =	sst s0  }
0x18: {  	s0 =	sld [smem:$0x3F9B];
	_ =	swait.ge [sflag:s4], $0x0  }
0x19: {  	s7 =	sld [smem:$0x3F9C]  }
0x1a: {  	s8 =	sadd.s32 $0xFFFFE003, lr  }
0x1b: {  	s9 =	sadd.s32 $0xFFFFFEF7, lr;
	s5 =	simm.s32 $0xFFFFFFFF;
	p2 =	slt.u32 s8, $0xFFFFF086  }
0x1c: {  	p1 =	slt.u32 s9, $0xF7A;
	s5 =	simm.s32 @!p2 $0x0  }
0x1d: {  	s5 =	simm.s32 @p1 $0x1;
	p0 =	seq.s32 s7, s2  }
0x1e: {  	s7 =	smul.u32 @!p0 $0xF7A, s2;
	p2 =	seq.s32 @!p0 s5, $0x0  }
0x1f: {  	s9 =	smul.u32 $0xF7A, s1;
	s8 =	simm.s32 @!p0 $0x1BF5;
	p2 =	por !p2, p0  }
0x20: {  	[sflag:s8] =	ssyncset.s32 @!p0 $0xFFFFF086;
	s6 =	sadd.s32 @!p0 s3, s7;
	s7 =	simm.s32 @!p0 $0x108  }
0x21: {  	s3 =	sadd.s32 s3, s9;
	s6 =	sadd.s32 @!p0 $0x88, s6;
	s7 =	simm.s32 @p2 $0x1082  }
0x22: {  	[simem:s7], [sflag:s8] =	dma.local @!p0 [hbm:s6], $0xF7A  }
0x23: {  	s9 =	sor.u32 $0xD0000000, s2;
	s6 =	simm.s32 $0x108;
	_ =	swait.ge @!p0 [sflag:s8], $0x0  }
0x24: {  	s3 =	sadd.s32 $0x88, s3;
	s6 =	simm.s32 @!p1 $0x1082;
	[sflag:s4] =	ssyncset.s32 $0xFFFFF086  }
0x25: {  	[simem:s6], [sflag:s4] =	dma.local [hbm:s3], $0xF7A  }
0x26: {  	[smem:$0x3F9C] =	sst s1;
	(tag) =	ssettag s2;
	_ =	strace s9  }
0x27: {  	s1 =	sld [smem:$0x3FAC]  }
0x28: {  	s2 =	sld [smem:$0x3FAD]  }
0x29: {  	s4 =	sld [smem:$0x3FAF]  }
0x2a: {  	p0 =	seq.s32 s5, $0x0;
	s5 =	sld [smem:$0x3FB0]  }
0x2b: {  	s6 =	sld [smem:$0x3FB1]  }
0x2c: {  	s7 =	sld [smem:$0x3FB2]  }
0x2d: {  	s3 =	simm.s32 $0x108;
	s8 =	sld [smem:$0x3FB3]  }
0x2e: {  	s3 =	simm.s32 @!p0 $0x1082;
	s9 =	sld [smem:$0x3FB4]  }
0x2f: {  	lr =	sadd.s32 s0, s3;
	s0 =	sld [smem:$0x3FAB]  }
0x30: {  	s3 =	sld [smem:$0x3FAE]  }
0x31: {  	[smem:$0x3FB7] =	sst s10  }
0x32: {  	s10 =	sld [smem:$0x3FB5];
	_ =	sdelay $0x3  }
0x33: {  	p0 =	seq.s32 s10, $0x1;
	s10 =	sld [smem:$0x3FB7];
	_ =	sdelay $0x3  }
0x34: {  	[smem:$0x3FB7] =	sst s10  }
0x35: {  	s10 =	sld [smem:$0x3FB6];
	_ =	sdelay $0x3  }
0x36: {  	p1 =	seq.s32 s10, $0x1;
	s10 =	sld [smem:$0x3FB7];
	_ =	sdelay $0x3  }
0x37: {  	[smem:$0x3FB7] =	sst s10  }
0x38: {  	s10 =	sld [smem:$0x3FB8]  }
0x39: {  	_ = 	snop;
	(pc) =	sbr.ind lr, $3  }
0x3a: {  	_ = 	snop  }
0x3b: {  	_ = 	snop  }
0x3c: {  	p2 =	seq.s32 s10, $0x1;
	s10 =	sld [smem:$0x3FB7]  }
0x3d: {  	_ =	shalt  }
0x3e: {  	_ =	shalt  }
0x3f: {  	_ =	shalt  }
0x40: {  	_ =	shalt  }
0x41: {  	_ =	shalt  }
0x42: {  	_ =	shalt  }
0x43: {  	_ =	shalt  }
0x44: {  	_ =	shalt  }
0x45: {  	_ =	shalt  }
0x46: {  	_ =	shalt  }
0x47: {  	_ =	shalt  }
0x48: {  	_ =	shalt  }
0x49: {  	_ =	shalt  }
0x4a: {  	_ =	shalt  }
0x4b: {  	_ =	shalt  }
0x4c: {  	_ =	shalt  }
0x4d: {  	_ =	shalt  }
0x4e: {  	_ =	shalt  }
0x4f: {  	_ =	shalt  }
0x50: {  	_ =	shalt  }
0x51: {  	_ =	shalt  }
0x52: {  	_ =	shalt  }
0x53: {  	_ =	shalt  }
0x54: {  	_ =	shalt  }
0x55: {  	_ =	shalt  }
0x56: {  	_ =	shalt  }
0x57: {  	_ =	shalt  }
0x58: {  	_ =	shalt  }
0x59: {  	_ =	shalt  }
0x5a: {  	_ =	shalt  }
0x5b: {  	_ =	shalt  }
0x5c: {  	_ =	shalt  }
0x5d: {  	_ =	shalt  }
0x5e: {  	_ =	shalt  }
0x5f: {  	_ =	shalt  }
0x60: {  	_ =	shalt  }
0x61: {  	_ =	shalt  }
0x62: {  	_ =	shalt  }
0x63: {  	_ =	shalt  }
0x64: {  	_ =	shalt  }
0x65: {  	_ =	shalt  }
0x66: {  	_ =	shalt  }
0x67: {  	_ =	shalt  }
0x68: {  	_ =	shalt  }
0x69: {  	_ =	shalt  }
0x6a: {  	_ =	shalt  }
0x6b: {  	_ =	shalt  }
0x6c: {  	_ =	shalt  }
0x6d: {  	_ =	shalt  }
0x6e: {  	_ =	shalt  }
0x6f: {  	_ =	shalt  }
0x70: {  	_ =	shalt  }
0x71: {  	_ =	shalt  }
0x72: {  	_ =	shalt  }
0x73: {  	_ =	shalt  }
0x74: {  	_ =	shalt  }
0x75: {  	_ =	shalt  }
0x76: {  	_ =	shalt  }
0x77: {  	_ =	shalt  }
0x78: {  	_ =	shalt  }
0x79: {  	_ =	shalt  }
0x7a: {  	_ =	shalt  }
0x7b: {  	_ =	shalt  }
0x7c: {  	_ =	shalt  }
0x7d: {  	_ =	shalt  }
0x7e: {  	_ =	shalt  }
0x7f: {  	_ =	shalt  }
0x80: {  	_ =	shalt  }
0x81: {  	_ =	shalt  }
0x82: {  	_ =	shalt  }
0x83: {  	_ =	shalt  }
0x84: {  	_ =	shalt  }
0x85: {  	_ =	shalt  }
0x86: {  	_ =	shalt  }
0x87: {  	_ =	shalt  }
.Lfunc_end0:
.L_simem_size_0:
called_computation.1_lowered:
.L_overlay_start_0:
0x88: {  	s2 =	sld [smem:$0x3FD9]  }
0x89: {  	s3 =	sld [smem:$0x3FFE];
	_ =	sdelay $0x1  }
0x8a: {  	s1 =	srdreg.scid  }
0x8b: {  	s0 =	sand.u32 $0x1, s1  }
0x8c: {  	s16 =	sshll.u32 s0, $0xA;
	s2 =	sadd.s32 s3, s2  }
0x8d: {  	s2 =	sadd.s32 s2, s16  }
0x8e: {  	[smem:$0x3FC3] =	sst s2  }
0x8f: {  	_ = 	snop  }
0x90: {  	(tm) =	ssettm $0x1  }
0x91: {  	s17 =	sld [smem:$0x3FFB];
	_ =	sdelay $0x3  }
0x92: {  	_ =	strace s17  }
0x93: {  	s2 =	sld [smem:$0x3FFC];
	_ =	sdelay $0x3  }
0x94: {  	_ =	strace s2  }
0x95: {  	s2 =	sld [smem:$0x3FFD];
	_ =	sdelay $0x3  }
0x96: {  	_ =	strace s2  }
0x97: {  	_ =	strace $0x8FFFFFFF  }
0x98: {  	s18 =	sld [smem:$0x3FDB];
	_ =	sdelay $0x1  }
0x99: {  	s19 =	simm.s32 $_scs_section_size  }
0x9a: {  	s4 =	simm.s32 $_size__tile_overlayer_lowered;
	s5 =	simm.s32 $_tile_overlayer_lowered  }
0x9b: {  	s22 =	simm.s32 $0x1BFF;
	s21 =	sshll.u32 s5, $0x1;
	s2 =	sadd.s32 s19, s18  }
0x9c: {  	s6 =	simm.s32 $0x0;
	s20 =	sshll.u32 s4, $0x1;
	s4 =	sadd.s32 s21, s2  }
0x9d: {  	[timem:s6], [sflag:s22] =	dma.local [hbm:s4], s20  }
0x9e: {  	_ =	swait.ge [sflag:s22], s20  }
0x9f: {  	s3 =	ssub.s32 $0x0, s20;
	[sflag:s22] =	ssyncset.done $0x0  }
0xa0: {  	[sflag:s22] =	ssyncadd.s32 s3;
	_ =	sdelay $0x1  }
0xa1: {  	s23 =	simm.s32 $0x1B8B  }
0xa2: {  	_ =	swait.ge [sflag:s23], $0x1  }
0xa3: {  	[sflag:s23] =	ssyncset.done $0x0  }
0xa4: {  	s25 =	simm.s32 $0x1B8E;
	s24 =	sld [smem:$0x3FFE];
	[sflag:s23] =	ssyncadd.s32 $0xFFFFFFFF  }
0xa5: {  	s26 =	simm.s32 $execute0_lowered;
	[smem:$0x3FD2] =	sst s25  }
0xa6: {  	s4 =	sshll.u32 s26, $0x1;
	_ =	strace $0x80000046;
	[dreg:$0x1] =	wrdreg $0xFFFFFFFF  }
0xa7: {  	s28 =	simm.s32 $_size_execute0_lowered;
	s2 =	sadd.s32 s2, s4;
	[dreg:$0x0] =	wrdreg $0x0  }
0xa8: {  	s4 =	sshll.u32 s28, $0x1;
	[dreg:$0x2] =	wrdreg s2  }
0xa9: {  	[dreg:$0x3] =	wrdreg s4  }
0xaa: {  	[dreg:$0x4] =	wrdreg $0xC0  }
0xab: {  	_ =	task [dreg:s6], $0x5FFFF  }
0xac: {  	[dreg:$0x1] =	wrdreg $0xFFFFFFFF  }
0xad: {  	[dreg:$0x0] =	wrdreg $0x60  }
0xae: {  	[dreg:$0x2] =	wrdreg s24  }
0xaf: {  	[dreg:$0x3] =	wrdreg $0xA  }
0xb0: {  	_ =	task.clear_ibuf [dreg:s6], $0x4FFFF;
	_ =	strace $0x90000046  }
0xb1: {  	s29 =	simm.s32 $0xA;
	_ =	strace $0x80000048  }
0xb2: {  	_ =	swait.ge [sflag:s29], $0x1  }
0xb3: {  	[sflag:s29] =	ssyncadd.s32 $0xFFFFFFFF  }
0xb4: {  	_ =	strace $0x90000048  }
0xb5: {  	_ =	sfence  }
0xb6: {  	s30 =	sld [smem:$0x0];
	_ =	sdelay $0x2  }
0xb7: {  	s31 =	sshll.u32 s1, $0xD;
	s1 =	sshrl.u32 s1, $0x2  }
0xb8: {  	s3 =	sand.u32 $0x4000, s31;
	s1 =	sadd.s32 s1, s30  }
0xb9: {  	s0 =	sor.u32 s3, s0;
	s1 =	sshll.u32 s1, $0x11  }
0xba: {  	s0 =	sor.u32 s1, s0  }
0xbb: {  	s0 =	sadd.s32 $0x8F2B, s0  }
0xbc: {  	[sflag:s0] =	ssyncadd.remote.s32 $0x1  }
0xbd: {  	_ =	sfence.sel $0xFFFF  }
0xbe: {  	[dreg:$0x0] =	wrdreg $0xFFFFFFFF;
	(pc) =	sbr.abs _section_cstart, $3  }
0xbf: {  	[dreg:$0x1] =	wrdreg $0xFFFFFFFF  }
0xc0: {  	_ =	task.clear_ibuf [dreg:s6], $0x2FFFF;
	_ =	strace $0x9FFFFFFF  }
0xc1: {  	(tm) =	ssettm $0x7FFFFFFF  }
tec
execute0_lowered:
.L_overlay_start_1:
0x0: {  	(tag) =	ssettag $0x1  }
0x1: {  	s1 =	srdreg.scid;
	s0 =	stileid.u32  }
0x2: {  	s15 =	sand.u32 $0x1, s1;
	s31 =	sshll.u32 s0, $0x1  }
0x3: {  	s10 =	sor.u32 s15, s31  }
0x4: {  	s9 =	rddreg [dreg:$0x0];
	s3 =	smul.u32 $0x50, s10  }
0x5: {  	s2 =	simm.s32 $0x0;
	s1 =	rddreg [dreg:$0x1]  }
0x6: {  	[smem:$0x7FF] =	sst s2;
	s3 =	sadd.s32 s3, s9  }
0x7: {  	_ =	strace $0x80000047;
	s4 =	sadd.s32 $0x55800, s3;
	s3 =	simm.s32 $0x2  }
0x8: {  	[tilespmem:s2], [sflag:$0x2] =	stream.linear.gather [hbm4b:s4+s2], $0x280, $0x38;
	[tilespmem:$0x680] =	vst v63  }
0x9: {  	_ =	swait.ge [sflag:s3], $0x280  }
0xa: {  	s6 =	simm.s32 $0x80;
	s7 =	simm.s32 $0x280;
	[sflag:s3] =	ssyncset.done $0x0  }
0xb: {  	s8 =	simm.s32 $0x1;
	s5 =	sadd.s32 $0x800, s9;
	[sflag:s3] =	ssyncadd.s32 $0xFFFFFD80  }
0xc: {  	[tilespmem:s7], [sflag:$0x1] =	stream.indirect.gather [hbm4b:s5+s6], $0x4, s2, s6, $0xb8;
	[tilespmem:$0x680] =	vst v63  }
0xd: {  	s11 =	smul.u32 $0x280, s10;
	_ =	swait.ge [sflag:s8], $0x200  }
0xe: {  	s12 =	sadd.s32 $0x5800, s9;
	[sflag:s8] =	ssyncset.done $0x0  }
0xf: {  	s9 =	sadd.s32 s12, s11;
	[sflag:s8] =	ssyncadd.s32 $0xFFFFFE00  }
0x10: {  	[hbm4b:s9+s2] =	stream.linear.scatter [tilespmem:s7], [sflag:$0x2], $0x400, $0x38;
	[tilespmem:$0x680] =	vst v63  }
0x11: {  	_ =	swait.ge [sflag:s3], $0x400  }
0x12: {  	[sflag:s3] =	ssyncset.done $0x0  }
0x13: {  	s10 =	smul.u32 $0x1400, s10;
	[sflag:s3] =	ssyncadd.s32 $0xFFFFFC00  }
0x14: {  	[tilespmem:s7], [sflag:$0x1] =	stream.indirect.gather [hbm4b:s5+s6], $0x4, s6, s6, $0xb8;
	[tilespmem:$0x680] =	vst v63  }
0x15: {  	s10 =	sshrl.u32 s10, $0x3;
	_ =	swait.ge [sflag:s8], $0x200  }
0x16: {  	s16 =	sadd.s32 s12, s10;
	[sflag:s8] =	ssyncset.done $0x0  }
0x17: {  	s10 =	sadd.s32 $0x80, s16;
	[sflag:s8] =	ssyncadd.s32 $0xFFFFFE00  }
0x18: {  	[hbm4b:s10+s2] =	stream.linear.scatter [tilespmem:s7], [sflag:$0x2], $0x400, $0x38;
	[tilespmem:$0x680] =	vst v63  }
0x19: {  	_ =	swait.ge [sflag:s3], $0x400  }
0x1a: {  	[sflag:s3] =	ssyncset.done $0x0  }
0x1b: {  	s11 =	simm.s32 $0x100;
	[sflag:s3] =	ssyncadd.s32 $0xFFFFFC00  }
0x1c: {  	[tilespmem:s7], [sflag:$0x1] =	stream.indirect.gather [hbm4b:s5+s6], $0x4, s11, s6, $0xb8;
	[tilespmem:$0x680] =	vst v63  }
0x1d: {  	_ =	swait.ge [sflag:s8], $0x200  }
0x1e: {  	[sflag:s8] =	ssyncset.done $0x0  }
0x1f: {  	s12 =	sadd.s32 $0x100, s16;
	[sflag:s8] =	ssyncadd.s32 $0xFFFFFE00  }
0x20: {  	[hbm4b:s12+s2] =	stream.linear.scatter [tilespmem:s7], [sflag:$0x2], $0x400, $0x38;
	[tilespmem:$0x680] =	vst v63  }
0x21: {  	_ =	swait.ge [sflag:s3], $0x400  }
0x22: {  	[sflag:s3] =	ssyncset.done $0x0  }
0x23: {  	s13 =	simm.s32 $0x180;
	[sflag:s3] =	ssyncadd.s32 $0xFFFFFC00  }
0x24: {  	[tilespmem:s7], [sflag:$0x1] =	stream.indirect.gather [hbm4b:s5+s6], $0x4, s13, s6, $0xb8;
	[tilespmem:$0x680] =	vst v63  }
0x25: {  	_ =	swait.ge [sflag:s8], $0x200  }
0x26: {  	[sflag:s8] =	ssyncset.done $0x0  }
0x27: {  	s17 =	ssub.s32 $0x2, s15;
	s14 =	sadd.s32 $0x180, s16;
	[sflag:s8] =	ssyncadd.s32 $0xFFFFFE00  }
0x28: {  	[hbm4b:s14+s2] =	stream.linear.scatter [tilespmem:s7], [sflag:$0x2], $0x400, $0x38;
	[tilespmem:$0x680] =	vst v63  }
0x29: {  	s18 =	sshrl.u32 s17, $0x1;
	_ =	swait.ge [sflag:s3], $0x400  }
0x2a: {  	s17 =	ssub.s32 s17, s18;
	[sflag:s3] =	ssyncset.done $0x0  }
0x2b: {  	s15 =	simm.s32 $0x200;
	s17 =	smax.u32 s17, $0x1;
	[sflag:s3] =	ssyncadd.s32 $0xFFFFFC00  }
0x2c: {  	[tilespmem:s7], [sflag:$0x1] =	stream.indirect.gather [hbm4b:s5+s6], $0x4, s15, s6, $0xb8;
	[tilespmem:$0x680] =	vst v63  }
0x2d: {  	p0 =	sne.s32 s17, $0x1;
	_ =	swait.ge [sflag:s8], $0x200  }
.Ltmp0:
0x2e: {  	[sflag:s8] =	ssyncset.done $0x0;
	(pc) =	sbr.rel @!p0 .LBB2_2-.Ltmp0, $4  }
0x2f: {  	s16 =	sadd.s32 $0x200, s16;
	[sflag:s8] =	ssyncadd.s32 $0xFFFFFE00  }
0x30: {  	[hbm4b:s16+s2] =	stream.linear.scatter [tilespmem:s7], [sflag:$0x2], $0x400, $0x38;
	[tilespmem:$0x680] =	vst v63  }
0x31: {  	_ =	swait.ge [sflag:s3], $0x400  }
0x32: {  	s17 =	sadd.s32 $0xFFFFFFFF, s17;
	[sflag:s3] =	ssyncset.done $0x0  }
.LBB2_1:
0x33: {  	p0 =	sne.s32 s17, $0x1;
	s17 =	sadd.s32 $0xFFFFFFFF, s17;
	[sflag:s3] =	ssyncadd.s32 $0xFFFFFC00  }
0x34: {  	[tilespmem:s2], [sflag:$0x2] =	stream.linear.gather [hbm4b:s4+s2], $0x280, $0x38;
	[tilespmem:$0x680] =	vst v63  }
0x35: {  	_ =	swait.ge [sflag:s3], $0x280  }
0x36: {  	[sflag:s3] =	ssyncset.done $0x0  }
0x37: {  	[sflag:s3] =	ssyncadd.s32 $0xFFFFFD80  }
0x38: {  	[tilespmem:s7], [sflag:$0x1] =	stream.indirect.gather [hbm4b:s5+s6], $0x4, s2, s6, $0xb8;
	[tilespmem:$0x680] =	vst v63  }
0x39: {  	_ =	swait.ge [sflag:s8], $0x200  }
0x3a: {  	[sflag:s8] =	ssyncset.done $0x0  }
0x3b: {  	[sflag:s8] =	ssyncadd.s32 $0xFFFFFE00  }
0x3c: {  	[hbm4b:s9+s2] =	stream.linear.scatter [tilespmem:s7], [sflag:$0x2], $0x400, $0x38;
	[tilespmem:$0x680] =	vst v63  }
0x3d: {  	_ =	swait.ge [sflag:s3], $0x400  }
0x3e: {  	[sflag:s3] =	ssyncset.done $0x0  }
0x3f: {  	[sflag:s3] =	ssyncadd.s32 $0xFFFFFC00  }
0x40: {  	[tilespmem:s7], [sflag:$0x1] =	stream.indirect.gather [hbm4b:s5+s6], $0x4, s6, s6, $0xb8;
	[tilespmem:$0x680] =	vst v63  }
0x41: {  	_ =	swait.ge [sflag:s8], $0x200  }
0x42: {  	[sflag:s8] =	ssyncset.done $0x0  }
0x43: {  	[sflag:s8] =	ssyncadd.s32 $0xFFFFFE00  }
0x44: {  	[hbm4b:s10+s2] =	stream.linear.scatter [tilespmem:s7], [sflag:$0x2], $0x400, $0x38;
	[tilespmem:$0x680] =	vst v63  }
0x45: {  	_ =	swait.ge [sflag:s3], $0x400  }
0x46: {  	[sflag:s3] =	ssyncset.done $0x0  }
0x47: {  	[sflag:s3] =	ssyncadd.s32 $0xFFFFFC00  }
0x48: {  	[tilespmem:s7], [sflag:$0x1] =	stream.indirect.gather [hbm4b:s5+s6], $0x4, s11, s6, $0xb8;
	[tilespmem:$0x680] =	vst v63  }
0x49: {  	_ =	swait.ge [sflag:s8], $0x200  }
0x4a: {  	[sflag:s8] =	ssyncset.done $0x0  }
0x4b: {  	[sflag:s8] =	ssyncadd.s32 $0xFFFFFE00  }
0x4c: {  	[hbm4b:s12+s2] =	stream.linear.scatter [tilespmem:s7], [sflag:$0x2], $0x400, $0x38;
	[tilespmem:$0x680] =	vst v63  }
0x4d: {  	_ =	swait.ge [sflag:s3], $0x400  }
0x4e: {  	[sflag:s3] =	ssyncset.done $0x0  }
0x4f: {  	[sflag:s3] =	ssyncadd.s32 $0xFFFFFC00  }
0x50: {  	[tilespmem:s7], [sflag:$0x1] =	stream.indirect.gather [hbm4b:s5+s6], $0x4, s13, s6, $0xb8;
	[tilespmem:$0x680] =	vst v63  }
0x51: {  	_ =	swait.ge [sflag:s8], $0x200  }
0x52: {  	[sflag:s8] =	ssyncset.done $0x0  }
0x53: {  	[sflag:s8] =	ssyncadd.s32 $0xFFFFFE00  }
0x54: {  	[hbm4b:s14+s2] =	stream.linear.scatter [tilespmem:s7], [sflag:$0x2], $0x400, $0x38;
	[tilespmem:$0x680] =	vst v63  }
0x55: {  	_ =	swait.ge [sflag:s3], $0x400  }
0x56: {  	[sflag:s3] =	ssyncset.done $0x0  }
0x57: {  	[sflag:s3] =	ssyncadd.s32 $0xFFFFFC00  }
0x58: {  	[tilespmem:s7], [sflag:$0x1] =	stream.indirect.gather [hbm4b:s5+s6], $0x4, s15, s6, $0xb8;
	[tilespmem:$0x680] =	vst v63  }
0x59: {  	_ =	swait.ge [sflag:s8], $0x200  }
.Ltmp1:
0x5a: {  	[sflag:s8] =	ssyncset.done $0x0;
	(pc) =	sbr.rel @p0 .LBB2_1-.Ltmp1, $4  }
0x5b: {  	[sflag:s8] =	ssyncadd.s32 $0xFFFFFE00  }
0x5c: {  	[hbm4b:s16+s2] =	stream.linear.scatter [tilespmem:s7], [sflag:$0x2], $0x400, $0x38;
	[tilespmem:$0x680] =	vst v63  }
0x5d: {  	_ =	swait.ge [sflag:s3], $0x400  }
0x5e: {  	[sflag:s3] =	ssyncset.done $0x0  }
.LBB2_2:
0x5f: {  	[sflag:s3] =	ssyncadd.s32 $0xFFFFFC00  }
0x60: {  	_ =	sfence.sel $0x180000  }
0x61: {  	[bflag:$0x0] =	sbarrier.arrive $0xFFFF  }
0x62: {  	p0 =	sne.s32 s0, $0x0;
	_ =	strace $0x90000047  }
0x63: {  	s0 =	sadd.s32 @!p0 $0x100000, s1;
	[bflag:$0x2] =	sbarrier.arrive $0xFFFF  }
0x64: {  	[sflag:s0] =	ssyncadd.tile.s32 @!p0 $0x1;
	_ =	shalt  }
.Lfunc_end2:
_tile_overlayer_lowered:
.L_overlay_start_2:
0x65: {  	(tag) =	ssettag $0x2  }
0x66: {  	s0 =	rddreg [dreg:$0x0];
	s2 =	stileid.u32  }
0x67: {  	s1 =	rddreg [dreg:$0x1];
	p0 =	sne.s32 s2, $0x0  }
0x68: {  	s3 =	rddreg [dreg:$0x2];
	[bflag:$0x3] =	sbarrier.arrive $0xFFFF;
	s2 =	simm.s32 @!p0 $0x1C02  }
0x69: {  	[timem:s3], [sflag:s2] =	dma.local @!p0 [hbm:s0], s1  }
0x6a: {  	s0 =	simm.s32 @!p0 $0x2  }
0x6b: {  	_ =	swait.ge @!p0 [sflag:s0], s1  }
0x6c: {  	s1 =	ssub.s32 @!p0 $0x0, s1;
	[sflag:s0] =	ssyncset.done @!p0 $0x0  }
0x6d: {  	[sflag:s0] =	ssyncadd.s32 @!p0 s1  }
0x6e: {  	[bflag:$0x3] =	sbarrier.arrive $0xFFFF  }
0x6f: {  	_ =	shalt  }

// kernel: kernel.14.cloned.1.call-start
scs
__scs_entry_jumppad:
0x0: {  	(pc) =	sbr.rel $0x88, $3  }
0x1: {  	(tag) =	ssettag $0x0;
	lr =	simm.s32 $0x1  }
0x2: {  	[smem:$0x3F9C] =	sst lr;
	_ =	strace $0xD0000000  }
0x3: {  	_ = 	snop  }
0x4: {  	_ = 	snop  }
0x5: {  	_ = 	snop  }
0x6: {  	_ = 	snop  }
0x7: {  	_ = 	snop  }
__scs_overlays_trampoline_lowered:
0x8: {  	[smem:$0x3FAB] =	sst s0  }
0x9: {  	[smem:$0x3FAC] =	sst s1  }
0xa: {  	[smem:$0x3FAD] =	sst s2  }
0xb: {  	[smem:$0x3FAE] =	sst s3  }
0xc: {  	[smem:$0x3FAF] =	sst s4  }
0xd: {  	[smem:$0x3FB0] =	sst s5  }
0xe: {  	[smem:$0x3FB1] =	sst s6  }
0xf: {  	[smem:$0x3FB2] =	sst s7  }
0x10: {  	[smem:$0x3FB3] =	sst s8  }
0x11: {  	[smem:$0x3FB4] =	sst s9;
	s0 =	simm.s32 @!p0 $0x0  }
0x12: {  	s1 =	sld [smem:$0x3F9A];
	s0 =	simm.s32 @p0 $0x1  }
0x13: {  	[smem:$0x3FB5] =	sst s0;
	s0 =	simm.s32 @!p1 $0x0  }
0x14: {  	s2 =	sld [smem:$0x3F99];
	s0 =	simm.s32 @p1 $0x1  }
0x15: {  	[smem:$0x3FB6] =	sst s0;
	s0 =	simm.s32 @!p2 $0x0  }
0x16: {  	s3 =	sld [smem:$0x3FDB];
	s0 =	simm.s32 @p2 $0x1  }
0x17: {  	s4 =	simm.s32 $0x1BF5;
	[smem:$0x3FB8] =	sst s0  }
0x18: {  	s0 =	sld [smem:$0x3F9B];
	_ =	swait.ge [sflag:s4], $0x0  }
0x19: {  	s7 =	sld [smem:$0x3F9C]  }
0x1a: {  	s8 =	sadd.s32 $0xFFFFE003, lr  }
0x1b: {  	s9 =	sadd.s32 $0xFFFFFEF7, lr;
	s5 =	simm.s32 $0xFFFFFFFF;
	p2 =	slt.u32 s8, $0xFFFFF086  }
0x1c: {  	p1 =	slt.u32 s9, $0xF7A;
	s5 =	simm.s32 @!p2 $0x0  }
0x1d: {  	s5 =	simm.s32 @p1 $0x1;
	p0 =	seq.s32 s7, s2  }
0x1e: {  	s7 =	smul.u32 @!p0 $0xF7A, s2;
	p2 =	seq.s32 @!p0 s5, $0x0  }
0x1f: {  	s9 =	smul.u32 $0xF7A, s1;
	s8 =	simm.s32 @!p0 $0x1BF5;
	p2 =	por !p2, p0  }
0x20: {  	[sflag:s8] =	ssyncset.s32 @!p0 $0xFFFFF086;
	s6 =	sadd.s32 @!p0 s3, s7;
	s7 =	simm.s32 @!p0 $0x108  }
0x21: {  	s3 =	sadd.s32 s3, s9;
	s6 =	sadd.s32 @!p0 $0x88, s6;
	s7 =	simm.s32 @p2 $0x1082  }
0x22: {  	[simem:s7], [sflag:s8] =	dma.local @!p0 [hbm:s6], $0xF7A  }
0x23: {  	s9 =	sor.u32 $0xD0000000, s2;
	s6 =	simm.s32 $0x108;
	_ =	swait.ge @!p0 [sflag:s8], $0x0  }
0x24: {  	s3 =	sadd.s32 $0x88, s3;
	s6 =	simm.s32 @!p1 $0x1082;
	[sflag:s4] =	ssyncset.s32 $0xFFFFF086  }
0x25: {  	[simem:s6], [sflag:s4] =	dma.local [hbm:s3], $0xF7A  }
0x26: {  	[smem:$0x3F9C] =	sst s1;
	(tag) =	ssettag s2;
	_ =	strace s9  }
0x27: {  	s1 =	sld [smem:$0x3FAC]  }
0x28: {  	s2 =	sld [smem:$0x3FAD]  }
0x29: {  	s4 =	sld [smem:$0x3FAF]  }
0x2a: {  	p0 =	seq.s32 s5, $0x0;
	s5 =	sld [smem:$0x3FB0]  }
0x2b: {  	s6 =	sld [smem:$0x3FB1]  }
0x2c: {  	s7 =	sld [smem:$0x3FB2]  }
0x2d: {  	s3 =	simm.s32 $0x108;
	s8 =	sld [smem:$0x3FB3]  }
0x2e: {  	s3 =	simm.s32 @!p0 $0x1082;
	s9 =	sld [smem:$0x3FB4]  }
0x2f: {  	lr =	sadd.s32 s0, s3;
	s0 =	sld [smem:$0x3FAB]  }
0x30: {  	s3 =	sld [smem:$0x3FAE]  }
0x31: {  	[smem:$0x3FB7] =	sst s10  }
0x32: {  	s10 =	sld [smem:$0x3FB5];
	_ =	sdelay $0x3  }
0x33: {  	p0 =	seq.s32 s10, $0x1;
	s10 =	sld [smem:$0x3FB7];
	_ =	sdelay $0x3  }
0x34: {  	[smem:$0x3FB7] =	sst s10  }
0x35: {  	s10 =	sld [smem:$0x3FB6];
	_ =	sdelay $0x3  }
0x36: {  	p1 =	seq.s32 s10, $0x1;
	s10 =	sld [smem:$0x3FB7];
	_ =	sdelay $0x3  }
0x37: {  	[smem:$0x3FB7] =	sst s10  }
0x38: {  	s10 =	sld [smem:$0x3FB8]  }
0x39: {  	_ = 	snop;
	(pc) =	sbr.ind lr, $3  }
0x3a: {  	_ = 	snop  }
0x3b: {  	_ = 	snop  }
0x3c: {  	p2 =	seq.s32 s10, $0x1;
	s10 =	sld [smem:$0x3FB7]  }
0x3d: {  	_ =	shalt  }
0x3e: {  	_ =	shalt  }
0x3f: {  	_ =	shalt  }
0x40: {  	_ =	shalt  }
0x41: {  	_ =	shalt  }
0x42: {  	_ =	shalt  }
0x43: {  	_ =	shalt  }
0x44: {  	_ =	shalt  }
0x45: {  	_ =	shalt  }
0x46: {  	_ =	shalt  }
0x47: {  	_ =	shalt  }
0x48: {  	_ =	shalt  }
0x49: {  	_ =	shalt  }
0x4a: {  	_ =	shalt  }
0x4b: {  	_ =	shalt  }
0x4c: {  	_ =	shalt  }
0x4d: {  	_ =	shalt  }
0x4e: {  	_ =	shalt  }
0x4f: {  	_ =	shalt  }
0x50: {  	_ =	shalt  }
0x51: {  	_ =	shalt  }
0x52: {  	_ =	shalt  }
0x53: {  	_ =	shalt  }
0x54: {  	_ =	shalt  }
0x55: {  	_ =	shalt  }
0x56: {  	_ =	shalt  }
0x57: {  	_ =	shalt  }
0x58: {  	_ =	shalt  }
0x59: {  	_ =	shalt  }
0x5a: {  	_ =	shalt  }
0x5b: {  	_ =	shalt  }
0x5c: {  	_ =	shalt  }
0x5d: {  	_ =	shalt  }
0x5e: {  	_ =	shalt  }
0x5f: {  	_ =	shalt  }
0x60: {  	_ =	shalt  }
0x61: {  	_ =	shalt  }
0x62: {  	_ =	shalt  }
0x63: {  	_ =	shalt  }
0x64: {  	_ =	shalt  }
0x65: {  	_ =	shalt  }
0x66: {  	_ =	shalt  }
0x67: {  	_ =	shalt  }
0x68: {  	_ =	shalt  }
0x69: {  	_ =	shalt  }
0x6a: {  	_ =	shalt  }
0x6b: {  	_ =	shalt  }
0x6c: {  	_ =	shalt  }
0x6d: {  	_ =	shalt  }
0x6e: {  	_ =	shalt  }
0x6f: {  	_ =	shalt  }
0x70: {  	_ =	shalt  }
0x71: {  	_ =	shalt  }
0x72: {  	_ =	shalt  }
0x73: {  	_ =	shalt  }
0x74: {  	_ =	shalt  }
0x75: {  	_ =	shalt  }
0x76: {  	_ =	shalt  }
0x77: {  	_ =	shalt  }
0x78: {  	_ =	shalt  }
0x79: {  	_ =	shalt  }
0x7a: {  	_ =	shalt  }
0x7b: {  	_ =	shalt  }
0x7c: {  	_ =	shalt  }
0x7d: {  	_ =	shalt  }
0x7e: {  	_ =	shalt  }
0x7f: {  	_ =	shalt  }
0x80: {  	_ =	shalt  }
0x81: {  	_ =	shalt  }
0x82: {  	_ =	shalt  }
0x83: {  	_ =	shalt  }
0x84: {  	_ =	shalt  }
0x85: {  	_ =	shalt  }
0x86: {  	_ =	shalt  }
0x87: {  	_ =	shalt  }
.Lfunc_end0:
.L_simem_size_0:
called_computation.2_lowered:
.L_overlay_start_0:
0x88: {  	s2 =	sld [smem:$0x3FD9]  }
0x89: {  	s3 =	sld [smem:$0x3FFE];
	_ =	sdelay $0x1  }
0x8a: {  	s1 =	srdreg.scid  }
0x8b: {  	s0 =	sand.u32 $0x1, s1  }
0x8c: {  	s17 =	sshll.u32 s0, $0xA;
	s2 =	sadd.s32 s3, s2  }
0x8d: {  	s2 =	sadd.s32 s2, s17  }
0x8e: {  	[smem:$0x3FC3] =	sst s2  }
0x8f: {  	_ = 	snop  }
0x90: {  	(tm) =	ssettm $0x1  }
0x91: {  	s18 =	sld [smem:$0x3FFB];
	_ =	sdelay $0x3  }
0x92: {  	_ =	strace s18  }
0x93: {  	s2 =	sld [smem:$0x3FFC];
	_ =	sdelay $0x3  }
0x94: {  	_ =	strace s2  }
0x95: {  	s2 =	sld [smem:$0x3FFD];
	_ =	sdelay $0x3  }
0x96: {  	_ =	strace s2  }
0x97: {  	_ =	strace $0x8FFFFFFF  }
0x98: {  	s19 =	sld [smem:$0x3FDB];
	_ =	sdelay $0x1  }
0x99: {  	s20 =	simm.s32 $_scs_section_size  }
0x9a: {  	s4 =	simm.s32 $_size__tile_overlayer_lowered;
	s5 =	simm.s32 $_tile_overlayer_lowered  }
0x9b: {  	s6 =	simm.s32 $0x1BFF;
	s21 =	sshll.u32 s5, $0x1;
	s3 =	sadd.s32 s20, s19  }
0x9c: {  	s22 =	simm.s32 $0x0;
	s4 =	sshll.u32 s4, $0x1;
	s5 =	sadd.s32 s21, s3  }
0x9d: {  	[timem:s22], [sflag:s6] =	dma.local [hbm:s5], s4  }
0x9e: {  	_ =	swait.ge [sflag:s6], s4  }
0x9f: {  	s4 =	ssub.s32 $0x0, s4;
	[sflag:s6] =	ssyncset.done $0x0  }
0xa0: {  	[sflag:s6] =	ssyncadd.s32 s4;
	_ =	sdelay $0x1  }
0xa1: {  	s23 =	simm.s32 $0x1B8B  }
0xa2: {  	_ =	swait.ge [sflag:s23], $0x1  }
0xa3: {  	[sflag:s23] =	ssyncset.done $0x0  }
0xa4: {  	[sflag:s23] =	ssyncadd.s32 $0xFFFFFFFF  }
0xa5: {  	s4 =	sld [smem:$0x0]  }
0xa6: {  	s5 =	sand.u32 $0xFFFFFFFE, s1  }
0xa7: {  	p0 =	sne.s32 s1, s5  }
0xa8: {  	s5 =	sshll.u32 @p0 s5, $0xE  }
0xa9: {  	s5 =	sadd.s32 @p0 $0x11B8D, s5;
	s6 =	sshll.u32 @p0 s4, $0x11  }
0xaa: {  	s5 =	sor.u32 @p0 s6, s5  }
0xab: {  	[sflag:s5] =	ssyncadd.remote.s32 @p0 $0x1;
	_ =	sdelay $0x1  }
0xac: {  	s5 =	simm.s32 @p0 $0x1B8D  }
0xad: {  	_ =	swait.eq @p0 [sflag:s5], $0x1  }
0xae: {  	[sflag:s5] =	ssyncadd.s32 @p0 $0xFFFFFFFF  }
0xaf: {  	s6 =	sshll.u32 @!p0 s1, $0xE  }
0xb0: {  	s6 =	sor.u32 @!p0 $0x4000, s6;
	s5 =	simm.s32 @!p0 $0x1B8D  }
0xb1: {  	s4 =	sshll.u32 @!p0 s4, $0x11;
	s6 =	sadd.s32 @!p0 $0x11B8D, s6;
	_ =	swait.eq @!p0 [sflag:s5], $0x1  }
0xb2: {  	s4 =	sor.u32 @!p0 s4, s6;
	[sflag:s5] =	ssyncadd.s32 @!p0 $0xFFFFFFFF  }
0xb3: {  	s25 =	simm.s32 $0x1B8E;
	s24 =	sld [smem:$0x3FFE];
	[sflag:s4] =	ssyncadd.remote.s32 @!p0 $0x1  }
0xb4: {  	s26 =	simm.s32 $execute0_lowered;
	[smem:$0x3FD2] =	sst s25  }
0xb5: {  	s5 =	sshll.u32 s26, $0x1;
	_ =	strace $0x80000049;
	[dreg:$0x1] =	wrdreg $0xFFFFFFFF  }
0xb6: {  	s28 =	simm.s32 $_size_execute0_lowered;
	s3 =	sadd.s32 s3, s5;
	[dreg:$0x0] =	wrdreg $0x0  }
0xb7: {  	s5 =	sshll.u32 s28, $0x1;
	[dreg:$0x2] =	wrdreg s3  }
0xb8: {  	[dreg:$0x3] =	wrdreg s5  }
0xb9: {  	[dreg:$0x4] =	wrdreg $0xC0  }
0xba: {  	_ =	task [dreg:s22], $0x5FFFF  }
0xbb: {  	[dreg:$0x1] =	wrdreg $0xFFFFFFFF  }
0xbc: {  	[dreg:$0x0] =	wrdreg $0x60  }
0xbd: {  	[dreg:$0x2] =	wrdreg s24  }
0xbe: {  	[dreg:$0x3] =	wrdreg $0xB  }
0xbf: {  	_ =	task.clear_ibuf [dreg:s22], $0x4FFFF;
	_ =	strace $0x90000049  }
0xc0: {  	s29 =	simm.s32 $0xB;
	_ =	strace $0x8000004B  }
0xc1: {  	_ =	swait.ge [sflag:s29], $0x1  }
0xc2: {  	[sflag:s29] =	ssyncadd.s32 $0xFFFFFFFF  }
0xc3: {  	_ =	strace $0x9000004B  }
0xc4: {  	_ =	sfence  }
0xc5: {  	s30 =	sld [smem:$0x0];
	_ =	sdelay $0x2  }
0xc6: {  	s31 =	sshll.u32 s1, $0xD;
	s1 =	sshrl.u32 s1, $0x2  }
0xc7: {  	s4 =	sand.u32 $0x4000, s31;
	s1 =	sadd.s32 s1, s30  }
0xc8: {  	s0 =	sor.u32 s4, s0;
	s1 =	sshll.u32 s1, $0x11  }
0xc9: {  	s0 =	sor.u32 s1, s0  }
0xca: {  	s0 =	sadd.s32 $0x8F2B, s0  }
0xcb: {  	[sflag:s0] =	ssyncadd.remote.s32 $0x1  }
0xcc: {  	_ =	sfence.sel $0xFFFF  }
0xcd: {  	[dreg:$0x0] =	wrdreg $0xFFFFFFFF;
	(pc) =	sbr.abs _section_cstart, $3  }
0xce: {  	[dreg:$0x1] =	wrdreg $0xFFFFFFFF  }
0xcf: {  	_ =	task.clear_ibuf [dreg:s22], $0x2FFFF;
	_ =	strace $0x9FFFFFFF  }
0xd0: {  	(tm) =	ssettm $0x7FFFFFFF  }
0xd1: {  	_ =	shalt  }
tec
execute0_lowered:
.L_overlay_start_1:
0x0: {  	(tag) =	ssettag $0x1  }
0x1: {  	s1 =	srdreg.scid;
	s0 =	stileid.u32  }
0x2: {  	s15 =	sand.u32 $0x1, s1;
	s31 =	sshll.u32 s0, $0x1  }
0x3: {  	s10 =	sor.u32 s15, s31  }
0x4: {  	s9 =	rddreg [dreg:$0x0];
	s3 =	smul.u32 $0x50, s10  }
0x5: {  	s2 =	simm.s32 $0x0;
	s1 =	rddreg [dreg:$0x1]  }
0x6: {  	[smem:$0x7FF] =	sst s2;
	s3 =	sadd.s32 s3, s9  }
0x7: {  	_ =	strace $0x8000004A;
	s4 =	sadd.s32 $0xF800, s3;
	s3 =	simm.s32 $0x2  }
0x8: {  	[tilespmem:s2], [sflag:$0x2] =	stream.linear.gather [hbm4b:s4+s2], $0x280, $0x38;
	[tilespmem:$0x680] =	vst v63  }
0x9: {  	_ =	swait.ge [sflag:s3], $0x280  }
0xa: {  	s6 =	simm.s32 $0x80;
	s7 =	simm.s32 $0x280;
	[sflag:s3] =	ssyncset.done $0x0  }
0xb: {  	s8 =	simm.s32 $0x1;
	s5 =	sadd.s32 $0xA800, s9;
	[sflag:s3] =	ssyncadd.s32 $0xFFFFFD80  }
0xc: {  	[tilespmem:s7], [sflag:$0x1] =	stream.indirect.gather [hbm4b:s5+s6], $0x4, s2, s6, $0xb8;
	[tilespmem:$0x680] =	vst v63  }
0xd: {  	s11 =	smul.u32 $0x280, s10;
	_ =	swait.ge [sflag:s8], $0x200  }
0xe: {  	s12 =	sadd.s32 $0x10200, s9;
	[sflag:s8] =	ssyncset.done $0x0  }
0xf: {  	s9 =	sadd.s32 s12, s11;
	[sflag:s8] =	ssyncadd.s32 $0xFFFFFE00  }
0x10: {  	[hbm4b:s9+s2] =	stream.linear.scatter [tilespmem:s7], [sflag:$0x2], $0x400, $0x38;
	[tilespmem:$0x680] =	vst v63  }
0x11: {  	_ =	swait.ge [sflag:s3], $0x400  }
0x12: {  	[sflag:s3] =	ssyncset.done $0x0  }
0x13: {  	s10 =	smul.u32 $0x1400, s10;
	[sflag:s3] =	ssyncadd.s32 $0xFFFFFC00  }
0x14: {  	[tilespmem:s7], [sflag:$0x1] =	stream.indirect.gather [hbm4b:s5+s6], $0x4, s6, s6, $0xb8;
	[tilespmem:$0x680] =	vst v63  }
0x15: {  	s10 =	sshrl.u32 s10, $0x3;
	_ =	swait.ge [sflag:s8], $0x200  }
0x16: {  	s16 =	sadd.s32 s12, s10;
	[sflag:s8] =	ssyncset.done $0x0  }
0x17: {  	s10 =	sadd.s32 $0x80, s16;
	[sflag:s8] =	ssyncadd.s32 $0xFFFFFE00  }
0x18: {  	[hbm4b:s10+s2] =	stream.linear.scatter [tilespmem:s7], [sflag:$0x2], $0x400, $0x38;
	[tilespmem:$0x680] =	vst v63  }
0x19: {  	_ =	swait.ge [sflag:s3], $0x400  }
0x1a: {  	[sflag:s3] =	ssyncset.done $0x0  }
0x1b: {  	s11 =	simm.s32 $0x100;
	[sflag:s3] =	ssyncadd.s32 $0xFFFFFC00  }
0x1c: {  	[tilespmem:s7], [sflag:$0x1] =	stream.indirect.gather [hbm4b:s5+s6], $0x4, s11, s6, $0xb8;
	[tilespmem:$0x680] =	vst v63  }
0x1d: {  	_ =	swait.ge [sflag:s8], $0x200  }
0x1e: {  	[sflag:s8] =	ssyncset.done $0x0  }
0x1f: {  	s12 =	sadd.s32 $0x100, s16;
	[sflag:s8] =	ssyncadd.s32 $0xFFFFFE00  }
0x20: {  	[hbm4b:s12+s2] =	stream.linear.scatter [tilespmem:s7], [sflag:$0x2], $0x400, $0x38;
	[tilespmem:$0x680] =	vst v63  }
0x21: {  	_ =	swait.ge [sflag:s3], $0x400  }
0x22: {  	[sflag:s3] =	ssyncset.done $0x0  }
0x23: {  	s13 =	simm.s32 $0x180;
	[sflag:s3] =	ssyncadd.s32 $0xFFFFFC00  }
0x24: {  	[tilespmem:s7], [sflag:$0x1] =	stream.indirect.gather [hbm4b:s5+s6], $0x4, s13, s6, $0xb8;
	[tilespmem:$0x680] =	vst v63  }
0x25: {  	_ =	swait.ge [sflag:s8], $0x200  }
0x26: {  	[sflag:s8] =	ssyncset.done $0x0  }
0x27: {  	s17 =	ssub.s32 $0x2, s15;
	s14 =	sadd.s32 $0x180, s16;
	[sflag:s8] =	ssyncadd.s32 $0xFFFFFE00  }
0x28: {  	[hbm4b:s14+s2] =	stream.linear.scatter [tilespmem:s7], [sflag:$0x2], $0x400, $0x38;
	[tilespmem:$0x680] =	vst v63  }
0x29: {  	s18 =	sshrl.u32 s17, $0x1;
	_ =	swait.ge [sflag:s3], $0x400  }
0x2a: {  	s17 =	ssub.s32 s17, s18;
	[sflag:s3] =	ssyncset.done $0x0  }
0x2b: {  	s15 =	simm.s32 $0x200;
	s17 =	smax.u32 s17, $0x1;
	[sflag:s3] =	ssyncadd.s32 $0xFFFFFC00  }
0x2c: {  	[tilespmem:s7], [sflag:$0x1] =	stream.indirect.gather [hbm4b:s5+s6], $0x4, s15, s6, $0xb8;
	[tilespmem:$0x680] =	vst v63  }
0x2d: {  	p0 =	sne.s32 s17, $0x1;
	_ =	swait.ge [sflag:s8], $0x200  }
.Ltmp0:
0x2e: {  	[sflag:s8] =	ssyncset.done $0x0;
	(pc) =	sbr.rel @!p0 .LBB2_2-.Ltmp0, $4  }
0x2f: {  	s16 =	sadd.s32 $0x200, s16;
	[sflag:s8] =	ssyncadd.s32 $0xFFFFFE00  }
0x30: {  	[hbm4b:s16+s2] =	stream.linear.scatter [tilespmem:s7], [sflag:$0x2], $0x400, $0x38;
	[tilespmem:$0x680] =	vst v63  }
0x31: {  	_ =	swait.ge [sflag:s3], $0x400  }
0x32: {  	s17 =	sadd.s32 $0xFFFFFFFF, s17;
	[sflag:s3] =	ssyncset.done $0x0  }
.LBB2_1:
0x33: {  	p0 =	sne.s32 s17, $0x1;
	s17 =	sadd.s32 $0xFFFFFFFF, s17;
	[sflag:s3] =	ssyncadd.s32 $0xFFFFFC00  }
0x34: {  	[tilespmem:s2], [sflag:$0x2] =	stream.linear.gather [hbm4b:s4+s2], $0x280, $0x38;
	[tilespmem:$0x680] =	vst v63  }
0x35: {  	_ =	swait.ge [sflag:s3], $0x280  }
0x36: {  	[sflag:s3] =	ssyncset.done $0x0  }
0x37: {  	[sflag:s3] =	ssyncadd.s32 $0xFFFFFD80  }
0x38: {  	[tilespmem:s7], [sflag:$0x1] =	stream.indirect.gather [hbm4b:s5+s6], $0x4, s2, s6, $0xb8;
	[tilespmem:$0x680] =	vst v63  }
0x39: {  	_ =	swait.ge [sflag:s8], $0x200  }
0x3a: {  	[sflag:s8] =	ssyncset.done $0x0  }
0x3b: {  	[sflag:s8] =	ssyncadd.s32 $0xFFFFFE00  }
0x3c: {  	[hbm4b:s9+s2] =	stream.linear.scatter [tilespmem:s7], [sflag:$0x2], $0x400, $0x38;
	[tilespmem:$0x680] =	vst v63  }
0x3d: {  	_ =	swait.ge [sflag:s3], $0x400  }
0x3e: {  	[sflag:s3] =	ssyncset.done $0x0  }
0x3f: {  	[sflag:s3] =	ssyncadd.s32 $0xFFFFFC00  }
0x40: {  	[tilespmem:s7], [sflag:$0x1] =	stream.indirect.gather [hbm4b:s5+s6], $0x4, s6, s6, $0xb8;
	[tilespmem:$0x680] =	vst v63  }
0x41: {  	_ =	swait.ge [sflag:s8], $0x200  }
0x42: {  	[sflag:s8] =	ssyncset.done $0x0  }
0x43: {  	[sflag:s8] =	ssyncadd.s32 $0xFFFFFE00  }
0x44: {  	[hbm4b:s10+s2] =	stream.linear.scatter [tilespmem:s7], [sflag:$0x2], $0x400, $0x38;
	[tilespmem:$0x680] =	vst v63  }
0x45: {  	_ =	swait.ge [sflag:s3], $0x400  }
0x46: {  	[sflag:s3] =	ssyncset.done $0x0  }
0x47: {  	[sflag:s3] =	ssyncadd.s32 $0xFFFFFC00  }
0x48: {  	[tilespmem:s7], [sflag:$0x1] =	stream.indirect.gather [hbm4b:s5+s6], $0x4, s11, s6, $0xb8;
	[tilespmem:$0x680] =	vst v63  }
0x49: {  	_ =	swait.ge [sflag:s8], $0x200  }
0x4a: {  	[sflag:s8] =	ssyncset.done $0x0  }
0x4b: {  	[sflag:s8] =	ssyncadd.s32 $0xFFFFFE00  }
0x4c: {  	[hbm4b:s12+s2] =	stream.linear.scatter [tilespmem:s7], [sflag:$0x2], $0x400, $0x38;
	[tilespmem:$0x680] =	vst v63  }
0x4d: {  	_ =	swait.ge [sflag:s3], $0x400  }
0x4e: {  	[sflag:s3] =	ssyncset.done $0x0  }
0x4f: {  	[sflag:s3] =	ssyncadd.s32 $0xFFFFFC00  }
0x50: {  	[tilespmem:s7], [sflag:$0x1] =	stream.indirect.gather [hbm4b:s5+s6], $0x4, s13, s6, $0xb8;
	[tilespmem:$0x680] =	vst v63  }
0x51: {  	_ =	swait.ge [sflag:s8], $0x200  }
0x52: {  	[sflag:s8] =	ssyncset.done $0x0  }
0x53: {  	[sflag:s8] =	ssyncadd.s32 $0xFFFFFE00  }
0x54: {  	[hbm4b:s14+s2] =	stream.linear.scatter [tilespmem:s7], [sflag:$0x2], $0x400, $0x38;
	[tilespmem:$0x680] =	vst v63  }
0x55: {  	_ =	swait.ge [sflag:s3], $0x400  }
0x56: {  	[sflag:s3] =	ssyncset.done $0x0  }
0x57: {  	[sflag:s3] =	ssyncadd.s32 $0xFFFFFC00  }
0x58: {  	[tilespmem:s7], [sflag:$0x1] =	stream.indirect.gather [hbm4b:s5+s6], $0x4, s15, s6, $0xb8;
	[tilespmem:$0x680] =	vst v63  }
0x59: {  	_ =	swait.ge [sflag:s8], $0x200  }
.Ltmp1:
0x5a: {  	[sflag:s8] =	ssyncset.done $0x0;
	(pc) =	sbr.rel @p0 .LBB2_1-.Ltmp1, $4  }
0x5b: {  	[sflag:s8] =	ssyncadd.s32 $0xFFFFFE00  }
0x5c: {  	[hbm4b:s16+s2] =	stream.linear.scatter [tilespmem:s7], [sflag:$0x2], $0x400, $0x38;
	[tilespmem:$0x680] =	vst v63  }
0x5d: {  	_ =	swait.ge [sflag:s3], $0x400  }
0x5e: {  	[sflag:s3] =	ssyncset.done $0x0  }
.LBB2_2:
0x5f: {  	[sflag:s3] =	ssyncadd.s32 $0xFFFFFC00  }
0x60: {  	_ =	sfence.sel $0x180000  }
0x61: {  	[bflag:$0x0] =	sbarrier.arrive $0xFFFF  }
0x62: {  	p0 =	sne.s32 s0, $0x0;
	_ =	strace $0x9000004A  }
0x63: {  	s0 =	sadd.s32 @!p0 $0x100000, s1;
	[bflag:$0x2] =	sbarrier.arrive $0xFFFF  }
0x64: {  	[sflag:s0] =	ssyncadd.tile.s32 @!p0 $0x1;
	_ =	shalt  }
.Lfunc_end2:
_tile_overlayer_lowered:
.L_overlay_start_2:
0x65: {  	(tag) =	ssettag $0x2  }
0x66: {  	s0 =	rddreg [dreg:$0x0];
	s2 =	stileid.u32  }
0x67: {  	s1 =	rddreg [dreg:$0x1];
	p0 =	sne.s32 s2, $0x0  }
0x68: {  	s3 =	rddreg [dreg:$0x2];
	[bflag:$0x3] =	sbarrier.arrive $0xFFFF;
	s2 =	simm.s32 @!p0 $0x1C02  }
0x69: {  	[timem:s3], [sflag:s2] =	dma.local @!p0 [hbm:s0], s1  }
0x6a: {  	s0 =	simm.s32 @!p0 $0x2  }
0x6b: {  	_ =	swait.ge @!p0 [sflag:s0], s1  }
0x6c: {  	s1 =	ssub.s32 @!p0 $0x0, s1;
	[sflag:s0] =	ssyncset.done @!p0 $0x0  }
0x6d: {  	[sflag:s0] =	ssyncadd.s32 @!p0 s1  }
0x6e: {  	[bflag:$0x3] =	sbarrier.arrive $0xFFFF  }
0x6f: {  	_ =	shalt  }

// kernel: kernel.8.cloned.1.call-start
scs
__scs_entry_jumppad:
0x0: {  	(pc) =	sbr.rel $0x88, $3  }
0x1: {  	(tag) =	ssettag $0x0;
	lr =	simm.s32 $0x1  }
0x2: {  	[smem:$0x3F9C] =	sst lr;
	_ =	strace $0xD0000000  }
0x3: {  	_ = 	snop  }
0x4: {  	_ = 	snop  }
0x5: {  	_ = 	snop  }
0x6: {  	_ = 	snop  }
0x7: {  	_ = 	snop  }
__scs_overlays_trampoline_lowered:
0x8: {  	[smem:$0x3FAB] =	sst s0  }
0x9: {  	[smem:$0x3FAC] =	sst s1  }
0xa: {  	[smem:$0x3FAD] =	sst s2  }
0xb: {  	[smem:$0x3FAE] =	sst s3  }
0xc: {  	[smem:$0x3FAF] =	sst s4  }
0xd: {  	[smem:$0x3FB0] =	sst s5  }
0xe: {  	[smem:$0x3FB1] =	sst s6  }
0xf: {  	[smem:$0x3FB2] =	sst s7  }
0x10: {  	[smem:$0x3FB3] =	sst s8  }
0x11: {  	[smem:$0x3FB4] =	sst s9;
	s0 =	simm.s32 @!p0 $0x0  }
0x12: {  	s1 =	sld [smem:$0x3F9A];
	s0 =	simm.s32 @p0 $0x1  }
0x13: {  	[smem:$0x3FB5] =	sst s0;
	s0 =	simm.s32 @!p1 $0x0  }
0x14: {  	s2 =	sld [smem:$0x3F99];
	s0 =	simm.s32 @p1 $0x1  }
0x15: {  	[smem:$0x3FB6] =	sst s0;
	s0 =	simm.s32 @!p2 $0x0  }
0x16: {  	s3 =	sld [smem:$0x3FDB];
	s0 =	simm.s32 @p2 $0x1  }
0x17: {  	s4 =	simm.s32 $0x1BF5;
	[smem:$0x3FB8] =	sst s0  }
0x18: {  	s0 =	sld [smem:$0x3F9B];
	_ =	swait.ge [sflag:s4], $0x0  }
0x19: {  	s7 =	sld [smem:$0x3F9C]  }
0x1a: {  	s8 =	sadd.s32 $0xFFFFE003, lr  }
0x1b: {  	s9 =	sadd.s32 $0xFFFFFEF7, lr;
	s5 =	simm.s32 $0xFFFFFFFF;
	p2 =	slt.u32 s8, $0xFFFFF086  }
0x1c: {  	p1 =	slt.u32 s9, $0xF7A;
	s5 =	simm.s32 @!p2 $0x0  }
0x1d: {  	s5 =	simm.s32 @p1 $0x1;
	p0 =	seq.s32 s7, s2  }
0x1e: {  	s7 =	smul.u32 @!p0 $0xF7A, s2;
	p2 =	seq.s32 @!p0 s5, $0x0  }
0x1f: {  	s9 =	smul.u32 $0xF7A, s1;
	s8 =	simm.s32 @!p0 $0x1BF5;
	p2 =	por !p2, p0  }
0x20: {  	[sflag:s8] =	ssyncset.s32 @!p0 $0xFFFFF086;
	s6 =	sadd.s32 @!p0 s3, s7;
	s7 =	simm.s32 @!p0 $0x108  }
0x21: {  	s3 =	sadd.s32 s3, s9;
	s6 =	sadd.s32 @!p0 $0x88, s6;
	s7 =	simm.s32 @p2 $0x1082  }
0x22: {  	[simem:s7], [sflag:s8] =	dma.local @!p0 [hbm:s6], $0xF7A  }
0x23: {  	s9 =	sor.u32 $0xD0000000, s2;
	s6 =	simm.s32 $0x108;
	_ =	swait.ge @!p0 [sflag:s8], $0x0  }
0x24: {  	s3 =	sadd.s32 $0x88, s3;
	s6 =	simm.s32 @!p1 $0x1082;
	[sflag:s4] =	ssyncset.s32 $0xFFFFF086  }
0x25: {  	[simem:s6], [sflag:s4] =	dma.local [hbm:s3], $0xF7A  }
0x26: {  	[smem:$0x3F9C] =	sst s1;
	(tag) =	ssettag s2;
	_ =	strace s9  }
0x27: {  	s1 =	sld [smem:$0x3FAC]  }
0x28: {  	s2 =	sld [smem:$0x3FAD]  }
0x29: {  	s4 =	sld [smem:$0x3FAF]  }
0x2a: {  	p0 =	seq.s32 s5, $0x0;
	s5 =	sld [smem:$0x3FB0]  }
0x2b: {  	s6 =	sld [smem:$0x3FB1]  }
0x2c: {  	s7 =	sld [smem:$0x3FB2]  }
0x2d: {  	s3 =	simm.s32 $0x108;
	s8 =	sld [smem:$0x3FB3]  }
0x2e: {  	s3 =	simm.s32 @!p0 $0x1082;
	s9 =	sld [smem:$0x3FB4]  }
0x2f: {  	lr =	sadd.s32 s0, s3;
	s0 =	sld [smem:$0x3FAB]  }
0x30: {  	s3 =	sld [smem:$0x3FAE]  }
0x31: {  	[smem:$0x3FB7] =	sst s10  }
0x32: {  	s10 =	sld [smem:$0x3FB5];
	_ =	sdelay $0x3  }
0x33: {  	p0 =	seq.s32 s10, $0x1;
	s10 =	sld [smem:$0x3FB7];
	_ =	sdelay $0x3  }
0x34: {  	[smem:$0x3FB7] =	sst s10  }
0x35: {  	s10 =	sld [smem:$0x3FB6];
	_ =	sdelay $0x3  }
0x36: {  	p1 =	seq.s32 s10, $0x1;
	s10 =	sld [smem:$0x3FB7];
	_ =	sdelay $0x3  }
0x37: {  	[smem:$0x3FB7] =	sst s10  }
0x38: {  	s10 =	sld [smem:$0x3FB8]  }
0x39: {  	_ = 	snop;
	(pc) =	sbr.ind lr, $3  }
0x3a: {  	_ = 	snop  }
0x3b: {  	_ = 	snop  }
0x3c: {  	p2 =	seq.s32 s10, $0x1;
	s10 =	sld [smem:$0x3FB7]  }
0x3d: {  	_ =	shalt  }
0x3e: {  	_ =	shalt  }
0x3f: {  	_ =	shalt  }
0x40: {  	_ =	shalt  }
0x41: {  	_ =	shalt  }
0x42: {  	_ =	shalt  }
0x43: {  	_ =	shalt  }
0x44: {  	_ =	shalt  }
0x45: {  	_ =	shalt  }
0x46: {  	_ =	shalt  }
0x47: {  	_ =	shalt  }
0x48: {  	_ =	shalt  }
0x49: {  	_ =	shalt  }
0x4a: {  	_ =	shalt  }
0x4b: {  	_ =	shalt  }
0x4c: {  	_ =	shalt  }
0x4d: {  	_ =	shalt  }
0x4e: {  	_ =	shalt  }
0x4f: {  	_ =	shalt  }
0x50: {  	_ =	shalt  }
0x51: {  	_ =	shalt  }
0x52: {  	_ =	shalt  }
0x53: {  	_ =	shalt  }
0x54: {  	_ =	shalt  }
0x55: {  	_ =	shalt  }
0x56: {  	_ =	shalt  }
0x57: {  	_ =	shalt  }
0x58: {  	_ =	shalt  }
0x59: {  	_ =	shalt  }
0x5a: {  	_ =	shalt  }
0x5b: {  	_ =	shalt  }
0x5c: {  	_ =	shalt  }
0x5d: {  	_ =	shalt  }
0x5e: {  	_ =	shalt  }
0x5f: {  	_ =	shalt  }
0x60: {  	_ =	shalt  }
0x61: {  	_ =	shalt  }
0x62: {  	_ =	shalt  }
0x63: {  	_ =	shalt  }
0x64: {  	_ =	shalt  }
0x65: {  	_ =	shalt  }
0x66: {  	_ =	shalt  }
0x67: {  	_ =	shalt  }
0x68: {  	_ =	shalt  }
0x69: {  	_ =	shalt  }
0x6a: {  	_ =	shalt  }
0x6b: {  	_ =	shalt  }
0x6c: {  	_ =	shalt  }
0x6d: {  	_ =	shalt  }
0x6e: {  	_ =	shalt  }
0x6f: {  	_ =	shalt  }
0x70: {  	_ =	shalt  }
0x71: {  	_ =	shalt  }
0x72: {  	_ =	shalt  }
0x73: {  	_ =	shalt  }
0x74: {  	_ =	shalt  }
0x75: {  	_ =	shalt  }
0x76: {  	_ =	shalt  }
0x77: {  	_ =	shalt  }
0x78: {  	_ =	shalt  }
0x79: {  	_ =	shalt  }
0x7a: {  	_ =	shalt  }
0x7b: {  	_ =	shalt  }
0x7c: {  	_ =	shalt  }
0x7d: {  	_ =	shalt  }
0x7e: {  	_ =	shalt  }
0x7f: {  	_ =	shalt  }
0x80: {  	_ =	shalt  }
0x81: {  	_ =	shalt  }
0x82: {  	_ =	shalt  }
0x83: {  	_ =	shalt  }
0x84: {  	_ =	shalt  }
0x85: {  	_ =	shalt  }
0x86: {  	_ =	shalt  }
0x87: {  	_ =	shalt  }
.Lfunc_end0:
.L_simem_size_0:
called_computation_lowered:
.L_overlay_start_0:
0x88: {  	s2 =	sld [smem:$0x3FD9]  }
0x89: {  	s3 =	sld [smem:$0x3FFE];
	_ =	sdelay $0x1  }
0x8a: {  	s1 =	srdreg.scid  }
0x8b: {  	s0 =	sand.u32 $0x1, s1  }
0x8c: {  	s17 =	sshll.u32 s0, $0xA;
	s2 =	sadd.s32 s3, s2  }
0x8d: {  	s2 =	sadd.s32 s2, s17  }
0x8e: {  	[smem:$0x3FC3] =	sst s2  }
0x8f: {  	_ = 	snop  }
0x90: {  	(tm) =	ssettm $0x1  }
0x91: {  	s18 =	sld [smem:$0x3FFB];
	_ =	sdelay $0x3  }
0x92: {  	_ =	strace s18  }
0x93: {  	s2 =	sld [smem:$0x3FFC];
	_ =	sdelay $0x3  }
0x94: {  	_ =	strace s2  }
0x95: {  	s2 =	sld [smem:$0x3FFD];
	_ =	sdelay $0x3  }
0x96: {  	_ =	strace s2  }
0x97: {  	_ =	strace $0x8FFFFFFF  }
0x98: {  	s19 =	sld [smem:$0x3FDB];
	_ =	sdelay $0x1  }
0x99: {  	s20 =	simm.s32 $_scs_section_size  }
0x9a: {  	s4 =	simm.s32 $_size__tile_overlayer_lowered;
	s5 =	simm.s32 $_tile_overlayer_lowered  }
0x9b: {  	s6 =	simm.s32 $0x1BFF;
	s21 =	sshll.u32 s5, $0x1;
	s3 =	sadd.s32 s20, s19  }
0x9c: {  	s22 =	simm.s32 $0x0;
	s4 =	sshll.u32 s4, $0x1;
	s5 =	sadd.s32 s21, s3  }
0x9d: {  	[timem:s22], [sflag:s6] =	dma.local [hbm:s5], s4  }
0x9e: {  	_ =	swait.ge [sflag:s6], s4  }
0x9f: {  	s4 =	ssub.s32 $0x0, s4;
	[sflag:s6] =	ssyncset.done $0x0  }
0xa0: {  	[sflag:s6] =	ssyncadd.s32 s4;
	_ =	sdelay $0x1  }
0xa1: {  	s23 =	simm.s32 $0x1B8B  }
0xa2: {  	_ =	swait.ge [sflag:s23], $0x1  }
0xa3: {  	[sflag:s23] =	ssyncset.done $0x0  }
0xa4: {  	[sflag:s23] =	ssyncadd.s32 $0xFFFFFFFF  }
0xa5: {  	s4 =	sld [smem:$0x0]  }
0xa6: {  	s5 =	sand.u32 $0xFFFFFFFE, s1  }
0xa7: {  	p0 =	sne.s32 s1, s5  }
0xa8: {  	s5 =	sshll.u32 @p0 s5, $0xE  }
0xa9: {  	s5 =	sadd.s32 @p0 $0x11B8D, s5;
	s6 =	sshll.u32 @p0 s4, $0x11  }
0xaa: {  	s5 =	sor.u32 @p0 s6, s5  }
0xab: {  	[sflag:s5] =	ssyncadd.remote.s32 @p0 $0x1;
	_ =	sdelay $0x1  }
0xac: {  	s5 =	simm.s32 @p0 $0x1B8D  }
0xad: {  	_ =	swait.eq @p0 [sflag:s5], $0x1  }
0xae: {  	[sflag:s5] =	ssyncadd.s32 @p0 $0xFFFFFFFF  }
0xaf: {  	s6 =	sshll.u32 @!p0 s1, $0xE  }
0xb0: {  	s6 =	sor.u32 @!p0 $0x4000, s6;
	s5 =	simm.s32 @!p0 $0x1B8D  }
0xb1: {  	s4 =	sshll.u32 @!p0 s4, $0x11;
	s6 =	sadd.s32 @!p0 $0x11B8D, s6;
	_ =	swait.eq @!p0 [sflag:s5], $0x1  }
0xb2: {  	s4 =	sor.u32 @!p0 s4, s6;
	[sflag:s5] =	ssyncadd.s32 @!p0 $0xFFFFFFFF  }
0xb3: {  	s25 =	simm.s32 $0x1B8E;
	s24 =	sld [smem:$0x3FFE];
	[sflag:s4] =	ssyncadd.remote.s32 @!p0 $0x1  }
0xb4: {  	s26 =	simm.s32 $execute0_lowered;
	[smem:$0x3FD2] =	sst s25  }
0xb5: {  	s5 =	sshll.u32 s26, $0x1;
	_ =	strace $0x8000004C;
	[dreg:$0x1] =	wrdreg $0xFFFFFFFF  }
0xb6: {  	s28 =	simm.s32 $_size_execute0_lowered;
	s3 =	sadd.s32 s3, s5;
	[dreg:$0x0] =	wrdreg $0x0  }
0xb7: {  	s5 =	sshll.u32 s28, $0x1;
	[dreg:$0x2] =	wrdreg s3  }
0xb8: {  	[dreg:$0x3] =	wrdreg s5  }
0xb9: {  	[dreg:$0x4] =	wrdreg $0xC0  }
0xba: {  	_ =	task [dreg:s22], $0x5FFFF  }
0xbb: {  	[dreg:$0x1] =	wrdreg $0xFFFFFFFF  }
0xbc: {  	[dreg:$0x0] =	wrdreg $0x60  }
0xbd: {  	[dreg:$0x2] =	wrdreg s24  }
0xbe: {  	[dreg:$0x3] =	wrdreg $0x9  }
0xbf: {  	_ =	task.clear_ibuf [dreg:s22], $0x4FFFF;
	_ =	strace $0x9000004C  }
0xc0: {  	s29 =	simm.s32 $0x9;
	_ =	strace $0x8000004E  }
0xc1: {  	_ =	swait.ge [sflag:s29], $0x1  }
0xc2: {  	[sflag:s29] =	ssyncadd.s32 $0xFFFFFFFF  }
0xc3: {  	_ =	strace $0x9000004E  }
0xc4: {  	_ =	sfence  }
0xc5: {  	s30 =	sld [smem:$0x0];
	_ =	sdelay $0x2  }
0xc6: {  	s31 =	sshll.u32 s1, $0xD;
	s1 =	sshrl.u32 s1, $0x2  }
0xc7: {  	s4 =	sand.u32 $0x4000, s31;
	s1 =	sadd.s32 s1, s30  }
0xc8: {  	s0 =	sor.u32 s4, s0;
	s1 =	sshll.u32 s1, $0x11  }
0xc9: {  	s0 =	sor.u32 s1, s0  }
0xca: {  	s0 =	sadd.s32 $0x8F2B, s0  }
0xcb: {  	[sflag:s0] =	ssyncadd.remote.s32 $0x1  }
0xcc: {  	_ =	sfence.sel $0xFFFF  }
0xcd: {  	[dreg:$0x0] =	wrdreg $0xFFFFFFFF;
	(pc) =	sbr.abs _section_cstart, $3  }
0xce: {  	[dreg:$0x1] =	wrdreg $0xFFFFFFFF  }
0xcf: {  	_ =	task.clear_ibuf [dreg:s22], $0x2FFFF;
	_ =	strace $0x9FFFFFFF  }
0xd0: {  	(tm) =	ssettm $0x7FFFFFFF  }
0xd1: {  	_ =	shalt  }
tec
execute0_lowered:
.L_overlay_start_1:
0x0: {  	(tag) =	ssettag $0x1  }
0x1: {  	s0 =	srdreg.scid;
	s1 =	stileid.u32  }
0x2: {  	s31 =	rddreg [dreg:$0x0];
	s2 =	sand.u32 $0x1, s0;
	s5 =	sshll.u32 s1, $0x1  }
0x3: {  	s4 =	sadd.s32 $0x27E00, s31;
	s0 =	sor.u32 s2, s5  }
0x4: {  	[dreg:$0x14] =	wrdreg s2;
	s2 =	simm.s32 $0x0;
	s1 =	smul.u32 $0x500, s0  }
0x5: {  	s19 =	sadd.s32 $0x1DE00, s31;
	s6 =	smul.u32 $0xA0, s0;
	[smem:$0x7FF] =	sst s2  }
0x6: {  	s0 =	smul.u32 $0x2800, s0;
	_ =	strace $0x8000004D;
	s7 =	sadd.s32 s4, s1  }
0x7: {  	s20 =	sadd.s32 s6, s31;
	s17 =	sadd.s32 s19, s1;
	[dreg:$0x3] =	wrdreg s7  }
0x8: {  	s22 =	sor.u32 $0x80, s1;
	s3 =	sadd.s32 $0x1CA00, s20;
	[dreg:$0xe] =	wrdreg s17  }
0x9: {  	s0 =	sshrl.u32 s0, $0x3;
	s8 =	sadd.s32 s4, s22;
	[dreg:$0x2] =	wrdreg s3  }
0xa: {  	s21 =	sadd.s32 $0x480, s0;
	[dreg:$0x4] =	wrdreg s8  }
0xb: {  	s16 =	sadd.s32 $0x1B600, s20;
	[dreg:$0x15] =	wrdreg s21  }
0xc: {  	s23 =	sadd.s32 $0x100, s0;
	s18 =	sadd.s32 s19, s22;
	[dreg:$0xd] =	wrdreg s16  }
0xd: {  	s24 =	sadd.s32 $0x180, s0;
	s9 =	sadd.s32 s4, s23;
	[dreg:$0xf] =	wrdreg s18  }
0xe: {  	s25 =	sadd.s32 $0x200, s0;
	s10 =	sadd.s32 s4, s24;
	[dreg:$0x5] =	wrdreg s9  }
0xf: {  	s26 =	sadd.s32 $0x280, s0;
	s11 =	sadd.s32 s4, s25;
	[dreg:$0x6] =	wrdreg s10  }
0x10: {  	s28 =	sadd.s32 $0x300, s0;
	s12 =	sadd.s32 s4, s26;
	[dreg:$0x7] =	wrdreg s11  }
0x11: {  	s29 =	sadd.s32 $0x380, s0;
	s13 =	sadd.s32 s4, s28;
	[dreg:$0x8] =	wrdreg s12  }
0x12: {  	s30 =	sadd.s32 $0x400, s0;
	s14 =	sadd.s32 s4, s29;
	[dreg:$0x9] =	wrdreg s13  }
0x13: {  	s15 =	sadd.s32 s4, s30;
	[dreg:$0xa] =	wrdreg s14  }
0x14: {  	s0 =	sadd.s32 s4, s21;
	[dreg:$0xb] =	wrdreg s15  }
0x15: {  	s3 =	sadd.s32 s19, s23;
	[dreg:$0xc] =	wrdreg s0  }
0x16: {  	s4 =	sadd.s32 s19, s24;
	[dreg:$0x10] =	wrdreg s3  }
0x17: {  	[dreg:$0x11] =	wrdreg s4  }
0x18: {  	s5 =	sadd.s32 s19, s25;
	s6 =	rddreg [dreg:$0x2]  }
0x19: {  	s7 =	sadd.s32 s19, s26;
	[dreg:$0x12] =	wrdreg s5  }
0x1a: {  	[dreg:$0x13] =	wrdreg s7;
	s3 =	simm.s32 $0x2  }
0x1b: {  	[tilespmem:s2], [sflag:$0x2] =	stream.linear.gather [hbm4b:s6+s2], $0x500, $0x38;
	[tilespmem:$0x900] =	vst v63  }
0x1c: {  	_ =	swait.ge [sflag:s3], $0x500  }
0x1d: {  	s4 =	sadd.s32 $0x15200, s31;
	s5 =	simm.s32 $0x80;
	[sflag:s3] =	ssyncset.done $0x0  }
0x1e: {  	s7 =	simm.s32 $0x1;
	s6 =	simm.s32 $0x500;
	[sflag:s3] =	ssyncadd.s32 $0xFFFFFB00  }
0x1f: {  	[tilespmem:s6], [sflag:$0x1] =	stream.indirect.gather [hbm4b:s4+s5], $0x4, s2, s5, $0xb8;
	[tilespmem:$0x900] =	vst v63  }
0x20: {  	_ =	swait.ge [sflag:s7], $0x200  }
0x21: {  	[sflag:s7] =	ssyncset.done $0x0  }
0x22: {  	s8 =	rddreg [dreg:$0x3];
	[sflag:s7] =	ssyncadd.s32 $0xFFFFFE00  }
0x23: {  	[hbm4b:s8+s2] =	stream.linear.scatter [tilespmem:s6], [sflag:$0x2], $0x400, $0x38;
	[tilespmem:$0x900] =	vst v63  }
0x24: {  	_ =	swait.ge [sflag:s3], $0x400  }
0x25: {  	[sflag:s3] =	ssyncset.done $0x0  }
0x26: {  	[sflag:s3] =	ssyncadd.s32 $0xFFFFFC00  }
0x27: {  	[tilespmem:s6], [sflag:$0x1] =	stream.indirect.gather [hbm4b:s4+s5], $0x4, s5, s5, $0xb8;
	[tilespmem:$0x900] =	vst v63  }
0x28: {  	_ =	swait.ge [sflag:s7], $0x200  }
0x29: {  	[sflag:s7] =	ssyncset.done $0x0  }
0x2a: {  	s9 =	rddreg [dreg:$0x4];
	[sflag:s7] =	ssyncadd.s32 $0xFFFFFE00  }
0x2b: {  	[hbm4b:s9+s2] =	stream.linear.scatter [tilespmem:s6], [sflag:$0x2], $0x400, $0x38;
	[tilespmem:$0x900] =	vst v63  }
0x2c: {  	_ =	swait.ge [sflag:s3], $0x400  }
0x2d: {  	[sflag:s3] =	ssyncset.done $0x0  }
0x2e: {  	s8 =	simm.s32 $0x100;
	[sflag:s3] =	ssyncadd.s32 $0xFFFFFC00  }
0x2f: {  	[tilespmem:s6], [sflag:$0x1] =	stream.indirect.gather [hbm4b:s4+s5], $0x4, s8, s5, $0xb8;
	[tilespmem:$0x900] =	vst v63  }
0x30: {  	_ =	swait.ge [sflag:s7], $0x200  }
0x31: {  	[sflag:s7] =	ssyncset.done $0x0  }
0x32: {  	s10 =	rddreg [dreg:$0x5];
	[sflag:s7] =	ssyncadd.s32 $0xFFFFFE00  }
0x33: {  	[hbm4b:s10+s2] =	stream.linear.scatter [tilespmem:s6], [sflag:$0x2], $0x400, $0x38;
	[tilespmem:$0x900] =	vst v63  }
0x34: {  	_ =	swait.ge [sflag:s3], $0x400  }
0x35: {  	[sflag:s3] =	ssyncset.done $0x0  }
0x36: {  	s9 =	simm.s32 $0x180;
	[sflag:s3] =	ssyncadd.s32 $0xFFFFFC00  }
0x37: {  	[tilespmem:s6], [sflag:$0x1] =	stream.indirect.gather [hbm4b:s4+s5], $0x4, s9, s5, $0xb8;
	[tilespmem:$0x900] =	vst v63  }
0x38: {  	_ =	swait.ge [sflag:s7], $0x200  }
0x39: {  	[sflag:s7] =	ssyncset.done $0x0  }
0x3a: {  	s11 =	rddreg [dreg:$0x6];
	[sflag:s7] =	ssyncadd.s32 $0xFFFFFE00  }
0x3b: {  	[hbm4b:s11+s2] =	stream.linear.scatter [tilespmem:s6], [sflag:$0x2], $0x400, $0x38;
	[tilespmem:$0x900] =	vst v63  }
0x3c: {  	_ =	swait.ge [sflag:s3], $0x400  }
0x3d: {  	[sflag:s3] =	ssyncset.done $0x0  }
0x3e: {  	s10 =	simm.s32 $0x200;
	[sflag:s3] =	ssyncadd.s32 $0xFFFFFC00  }
0x3f: {  	[tilespmem:s6], [sflag:$0x1] =	stream.indirect.gather [hbm4b:s4+s5], $0x4, s10, s5, $0xb8;
	[tilespmem:$0x900] =	vst v63  }
0x40: {  	_ =	swait.ge [sflag:s7], $0x200  }
0x41: {  	[sflag:s7] =	ssyncset.done $0x0  }
0x42: {  	s12 =	rddreg [dreg:$0x7];
	[sflag:s7] =	ssyncadd.s32 $0xFFFFFE00  }
0x43: {  	[hbm4b:s12+s2] =	stream.linear.scatter [tilespmem:s6], [sflag:$0x2], $0x400, $0x38;
	[tilespmem:$0x900] =	vst v63  }
0x44: {  	_ =	swait.ge [sflag:s3], $0x400  }
0x45: {  	[sflag:s3] =	ssyncset.done $0x0  }
0x46: {  	s11 =	simm.s32 $0x280;
	[sflag:s3] =	ssyncadd.s32 $0xFFFFFC00  }
0x47: {  	[tilespmem:s6], [sflag:$0x1] =	stream.indirect.gather [hbm4b:s4+s5], $0x4, s11, s5, $0xb8;
	[tilespmem:$0x900] =	vst v63  }
0x48: {  	_ =	swait.ge [sflag:s7], $0x200  }
0x49: {  	[sflag:s7] =	ssyncset.done $0x0  }
0x4a: {  	s13 =	rddreg [dreg:$0x8];
	[sflag:s7] =	ssyncadd.s32 $0xFFFFFE00  }
0x4b: {  	[hbm4b:s13+s2] =	stream.linear.scatter [tilespmem:s6], [sflag:$0x2], $0x400, $0x38;
	[tilespmem:$0x900] =	vst v63  }
0x4c: {  	_ =	swait.ge [sflag:s3], $0x400  }
0x4d: {  	[sflag:s3] =	ssyncset.done $0x0  }
0x4e: {  	s12 =	simm.s32 $0x300;
	[sflag:s3] =	ssyncadd.s32 $0xFFFFFC00  }
0x4f: {  	[tilespmem:s6], [sflag:$0x1] =	stream.indirect.gather [hbm4b:s4+s5], $0x4, s12, s5, $0xb8;
	[tilespmem:$0x900] =	vst v63  }
0x50: {  	_ =	swait.ge [sflag:s7], $0x200  }
0x51: {  	[sflag:s7] =	ssyncset.done $0x0  }
0x52: {  	s14 =	rddreg [dreg:$0x9];
	[sflag:s7] =	ssyncadd.s32 $0xFFFFFE00  }
0x53: {  	[hbm4b:s14+s2] =	stream.linear.scatter [tilespmem:s6], [sflag:$0x2], $0x400, $0x38;
	[tilespmem:$0x900] =	vst v63  }
0x54: {  	_ =	swait.ge [sflag:s3], $0x400  }
0x55: {  	[sflag:s3] =	ssyncset.done $0x0  }
0x56: {  	s13 =	simm.s32 $0x380;
	[sflag:s3] =	ssyncadd.s32 $0xFFFFFC00  }
0x57: {  	[tilespmem:s6], [sflag:$0x1] =	stream.indirect.gather [hbm4b:s4+s5], $0x4, s13, s5, $0xb8;
	[tilespmem:$0x900] =	vst v63  }
0x58: {  	_ =	swait.ge [sflag:s7], $0x200  }
0x59: {  	[sflag:s7] =	ssyncset.done $0x0  }
0x5a: {  	s15 =	rddreg [dreg:$0xa];
	[sflag:s7] =	ssyncadd.s32 $0xFFFFFE00  }
0x5b: {  	[hbm4b:s15+s2] =	stream.linear.scatter [tilespmem:s6], [sflag:$0x2], $0x400, $0x38;
	[tilespmem:$0x900] =	vst v63  }
0x5c: {  	_ =	swait.ge [sflag:s3], $0x400  }
0x5d: {  	[sflag:s3] =	ssyncset.done $0x0  }
0x5e: {  	s14 =	simm.s32 $0x400;
	[sflag:s3] =	ssyncadd.s32 $0xFFFFFC00  }
0x5f: {  	[tilespmem:s6], [sflag:$0x1] =	stream.indirect.gather [hbm4b:s4+s5], $0x4, s14, s5, $0xb8;
	[tilespmem:$0x900] =	vst v63  }
0x60: {  	_ =	swait.ge [sflag:s7], $0x200  }
0x61: {  	[sflag:s7] =	ssyncset.done $0x0  }
0x62: {  	s16 =	rddreg [dreg:$0xb];
	[sflag:s7] =	ssyncadd.s32 $0xFFFFFE00  }
0x63: {  	[hbm4b:s16+s2] =	stream.linear.scatter [tilespmem:s6], [sflag:$0x2], $0x400, $0x38;
	[tilespmem:$0x900] =	vst v63  }
0x64: {  	_ =	swait.ge [sflag:s3], $0x400  }
0x65: {  	[sflag:s3] =	ssyncset.done $0x0  }
0x66: {  	s15 =	simm.s32 $0x480;
	[sflag:s3] =	ssyncadd.s32 $0xFFFFFC00  }
0x67: {  	[tilespmem:s6], [sflag:$0x1] =	stream.indirect.gather [hbm4b:s4+s5], $0x4, s15, s5, $0xb8;
	[tilespmem:$0x900] =	vst v63  }
0x68: {  	_ =	swait.ge [sflag:s7], $0x200  }
0x69: {  	[sflag:s7] =	ssyncset.done $0x0  }
0x6a: {  	s17 =	rddreg [dreg:$0xc];
	[sflag:s7] =	ssyncadd.s32 $0xFFFFFE00  }
0x6b: {  	[hbm4b:s17+s2] =	stream.linear.scatter [tilespmem:s6], [sflag:$0x2], $0x400, $0x38;
	[tilespmem:$0x900] =	vst v63  }
0x6c: {  	_ =	swait.ge [sflag:s3], $0x400  }
0x6d: {  	[sflag:s3] =	ssyncset.done $0x0  }
0x6e: {  	s18 =	rddreg [dreg:$0xd];
	[sflag:s3] =	ssyncadd.s32 $0xFFFFFC00  }
0x6f: {  	[tilespmem:s2], [sflag:$0x2] =	stream.linear.gather [hbm4b:s18+s2], $0x500, $0x38;
	[tilespmem:$0x900] =	vst v63  }
0x70: {  	_ =	swait.ge [sflag:s3], $0x500  }
0x71: {  	[sflag:s3] =	ssyncset.done $0x0  }
0x72: {  	[sflag:s3] =	ssyncadd.s32 $0xFFFFFB00  }
0x73: {  	[tilespmem:s6], [sflag:$0x1] =	stream.indirect.gather [hbm4b:s4+s5], $0x4, s2, s5, $0xb8;
	[tilespmem:$0x900] =	vst v63  }
0x74: {  	_ =	swait.ge [sflag:s7], $0x200  }
0x75: {  	[sflag:s7] =	ssyncset.done $0x0  }
0x76: {  	s16 =	rddreg [dreg:$0xe];
	[sflag:s7] =	ssyncadd.s32 $0xFFFFFE00  }
0x77: {  	[hbm4b:s16+s2] =	stream.linear.scatter [tilespmem:s6], [sflag:$0x2], $0x400, $0x38;
	[tilespmem:$0x900] =	vst v63  }
0x78: {  	_ =	swait.ge [sflag:s3], $0x400  }
0x79: {  	[sflag:s3] =	ssyncset.done $0x0  }
0x7a: {  	[sflag:s3] =	ssyncadd.s32 $0xFFFFFC00  }
0x7b: {  	[tilespmem:s6], [sflag:$0x1] =	stream.indirect.gather [hbm4b:s4+s5], $0x4, s5, s5, $0xb8;
	[tilespmem:$0x900] =	vst v63  }
0x7c: {  	_ =	swait.ge [sflag:s7], $0x200  }
0x7d: {  	[sflag:s7] =	ssyncset.done $0x0  }
0x7e: {  	s17 =	rddreg [dreg:$0xf];
	[sflag:s7] =	ssyncadd.s32 $0xFFFFFE00  }
0x7f: {  	[hbm4b:s17+s2] =	stream.linear.scatter [tilespmem:s6], [sflag:$0x2], $0x400, $0x38;
	[tilespmem:$0x900] =	vst v63  }
0x80: {  	_ =	swait.ge [sflag:s3], $0x400  }
0x81: {  	[sflag:s3] =	ssyncset.done $0x0  }
0x82: {  	[sflag:s3] =	ssyncadd.s32 $0xFFFFFC00  }
0x83: {  	[tilespmem:s6], [sflag:$0x1] =	stream.indirect.gather [hbm4b:s4+s5], $0x4, s8, s5, $0xb8;
	[tilespmem:$0x900] =	vst v63  }
0x84: {  	_ =	swait.ge [sflag:s7], $0x200  }
0x85: {  	[sflag:s7] =	ssyncset.done $0x0  }
0x86: {  	s18 =	rddreg [dreg:$0x10];
	[sflag:s7] =	ssyncadd.s32 $0xFFFFFE00  }
0x87: {  	[hbm4b:s18+s2] =	stream.linear.scatter [tilespmem:s6], [sflag:$0x2], $0x400, $0x38;
	[tilespmem:$0x900] =	vst v63  }
0x88: {  	_ =	swait.ge [sflag:s3], $0x400  }
0x89: {  	[sflag:s3] =	ssyncset.done $0x0  }
0x8a: {  	[sflag:s3] =	ssyncadd.s32 $0xFFFFFC00  }
0x8b: {  	[tilespmem:s6], [sflag:$0x1] =	stream.indirect.gather [hbm4b:s4+s5], $0x4, s9, s5, $0xb8;
	[tilespmem:$0x900] =	vst v63  }
0x8c: {  	_ =	swait.ge [sflag:s7], $0x200  }
0x8d: {  	[sflag:s7] =	ssyncset.done $0x0  }
0x8e: {  	s16 =	rddreg [dreg:$0x11];
	[sflag:s7] =	ssyncadd.s32 $0xFFFFFE00  }
0x8f: {  	[hbm4b:s16+s2] =	stream.linear.scatter [tilespmem:s6], [sflag:$0x2], $0x400, $0x38;
	[tilespmem:$0x900] =	vst v63  }
0x90: {  	_ =	swait.ge [sflag:s3], $0x400  }
0x91: {  	[sflag:s3] =	ssyncset.done $0x0  }
0x92: {  	[sflag:s3] =	ssyncadd.s32 $0xFFFFFC00  }
0x93: {  	[tilespmem:s6], [sflag:$0x1] =	stream.indirect.gather [hbm4b:s4+s5], $0x4, s10, s5, $0xb8;
	[tilespmem:$0x900] =	vst v63  }
0x94: {  	_ =	swait.ge [sflag:s7], $0x200  }
0x95: {  	[sflag:s7] =	ssyncset.done $0x0  }
0x96: {  	s17 =	rddreg [dreg:$0x12];
	[sflag:s7] =	ssyncadd.s32 $0xFFFFFE00  }
0x97: {  	[hbm4b:s17+s2] =	stream.linear.scatter [tilespmem:s6], [sflag:$0x2], $0x400, $0x38;
	[tilespmem:$0x900] =	vst v63  }
0x98: {  	_ =	swait.ge [sflag:s3], $0x400  }
0x99: {  	[sflag:s3] =	ssyncset.done $0x0  }
0x9a: {  	[sflag:s3] =	ssyncadd.s32 $0xFFFFFC00  }
0x9b: {  	[tilespmem:s6], [sflag:$0x1] =	stream.indirect.gather [hbm4b:s4+s5], $0x4, s11, s5, $0xb8;
	[tilespmem:$0x900] =	vst v63  }
0x9c: {  	_ =	swait.ge [sflag:s7], $0x200  }
0x9d: {  	[sflag:s7] =	ssyncset.done $0x0  }
0x9e: {  	s18 =	rddreg [dreg:$0x13];
	[sflag:s7] =	ssyncadd.s32 $0xFFFFFE00  }
0x9f: {  	[hbm4b:s18+s2] =	stream.linear.scatter [tilespmem:s6], [sflag:$0x2], $0x400, $0x38;
	[tilespmem:$0x900] =	vst v63  }
0xa0: {  	_ =	swait.ge [sflag:s3], $0x400  }
0xa1: {  	[sflag:s3] =	ssyncset.done $0x0  }
0xa2: {  	[sflag:s3] =	ssyncadd.s32 $0xFFFFFC00  }
0xa3: {  	[tilespmem:s6], [sflag:$0x1] =	stream.indirect.gather [hbm4b:s4+s5], $0x4, s12, s5, $0xb8;
	[tilespmem:$0x900] =	vst v63  }
0xa4: {  	_ =	swait.ge [sflag:s7], $0x200  }
0xa5: {  	[sflag:s7] =	ssyncset.done $0x0  }
0xa6: {  	s16 =	sadd.s32 s19, s28;
	[sflag:s7] =	ssyncadd.s32 $0xFFFFFE00  }
0xa7: {  	[hbm4b:s16+s2] =	stream.linear.scatter [tilespmem:s6], [sflag:$0x2], $0x400, $0x38;
	[tilespmem:$0x900] =	vst v63  }
0xa8: {  	_ =	swait.ge [sflag:s3], $0x400  }
0xa9: {  	[sflag:s3] =	ssyncset.done $0x0  }
0xaa: {  	[sflag:s3] =	ssyncadd.s32 $0xFFFFFC00  }
0xab: {  	[tilespmem:s6], [sflag:$0x1] =	stream.indirect.gather [hbm4b:s4+s5], $0x4, s13, s5, $0xb8;
	[tilespmem:$0x900] =	vst v63  }
0xac: {  	_ =	swait.ge [sflag:s7], $0x200  }
0xad: {  	[sflag:s7] =	ssyncset.done $0x0  }
0xae: {  	s17 =	sadd.s32 s19, s29;
	[sflag:s7] =	ssyncadd.s32 $0xFFFFFE00  }
0xaf: {  	[hbm4b:s17+s2] =	stream.linear.scatter [tilespmem:s6], [sflag:$0x2], $0x400, $0x38;
	[tilespmem:$0x900] =	vst v63  }
0xb0: {  	_ =	swait.ge [sflag:s3], $0x400  }
0xb1: {  	[sflag:s3] =	ssyncset.done $0x0  }
0xb2: {  	[sflag:s3] =	ssyncadd.s32 $0xFFFFFC00  }
0xb3: {  	[tilespmem:s6], [sflag:$0x1] =	stream.indirect.gather [hbm4b:s4+s5], $0x4, s14, s5, $0xb8;
	[tilespmem:$0x900] =	vst v63  }
0xb4: {  	_ =	swait.ge [sflag:s7], $0x200  }
0xb5: {  	[sflag:s7] =	ssyncset.done $0x0  }
0xb6: {  	s18 =	sadd.s32 s19, s30;
	[sflag:s7] =	ssyncadd.s32 $0xFFFFFE00  }
0xb7: {  	[hbm4b:s18+s2] =	stream.linear.scatter [tilespmem:s6], [sflag:$0x2], $0x400, $0x38;
	[tilespmem:$0x900] =	vst v63  }
0xb8: {  	_ =	swait.ge [sflag:s3], $0x400  }
0xb9: {  	[sflag:s3] =	ssyncset.done $0x0  }
0xba: {  	[sflag:s3] =	ssyncadd.s32 $0xFFFFFC00  }
0xbb: {  	[tilespmem:s6], [sflag:$0x1] =	stream.indirect.gather [hbm4b:s4+s5], $0x4, s15, s5, $0xb8;
	[tilespmem:$0x900] =	vst v63  }
0xbc: {  	_ =	swait.ge [sflag:s7], $0x200  }
0xbd: {  	[sflag:s7] =	ssyncset.done $0x0  }
0xbe: {  	s19 =	sadd.s32 s19, s21;
	[sflag:s7] =	ssyncadd.s32 $0xFFFFFE00  }
0xbf: {  	[hbm4b:s19+s2] =	stream.linear.scatter [tilespmem:s6], [sflag:$0x2], $0x400, $0x38;
	[tilespmem:$0x900] =	vst v63  }
0xc0: {  	_ =	swait.ge [sflag:s3], $0x400  }
0xc1: {  	[sflag:s3] =	ssyncset.done $0x0  }
0xc2: {  	s20 =	sadd.s32 $0x1A200, s20;
	[sflag:s3] =	ssyncadd.s32 $0xFFFFFC00  }
0xc3: {  	[tilespmem:s2], [sflag:$0x2] =	stream.linear.gather [hbm4b:s20+s2], $0x500, $0x38;
	[tilespmem:$0x900] =	vst v63  }
0xc4: {  	_ =	swait.ge [sflag:s3], $0x500  }
0xc5: {  	[sflag:s3] =	ssyncset.done $0x0  }
0xc6: {  	[sflag:s3] =	ssyncadd.s32 $0xFFFFFB00  }
0xc7: {  	[tilespmem:s6], [sflag:$0x1] =	stream.indirect.gather [hbm4b:s4+s5], $0x4, s2, s5, $0xb8;
	[tilespmem:$0x900] =	vst v63  }
0xc8: {  	_ =	swait.ge [sflag:s7], $0x200  }
0xc9: {  	s0 =	sadd.s32 $0x31E00, s31;
	[sflag:s7] =	ssyncset.done $0x0  }
0xca: {  	s21 =	sadd.s32 s0, s1;
	[sflag:s7] =	ssyncadd.s32 $0xFFFFFE00  }
0xcb: {  	[hbm4b:s21+s2] =	stream.linear.scatter [tilespmem:s6], [sflag:$0x2], $0x400, $0x38;
	[tilespmem:$0x900] =	vst v63  }
0xcc: {  	_ =	swait.ge [sflag:s3], $0x400  }
0xcd: {  	[sflag:s3] =	ssyncset.done $0x0  }
0xce: {  	[sflag:s3] =	ssyncadd.s32 $0xFFFFFC00  }
0xcf: {  	[tilespmem:s6], [sflag:$0x1] =	stream.indirect.gather [hbm4b:s4+s5], $0x4, s5, s5, $0xb8;
	[tilespmem:$0x900] =	vst v63  }
0xd0: {  	_ =	swait.ge [sflag:s7], $0x200  }
0xd1: {  	[sflag:s7] =	ssyncset.done $0x0  }
0xd2: {  	s22 =	sadd.s32 s0, s22;
	[sflag:s7] =	ssyncadd.s32 $0xFFFFFE00  }
0xd3: {  	[hbm4b:s22+s2] =	stream.linear.scatter [tilespmem:s6], [sflag:$0x2], $0x400, $0x38;
	[tilespmem:$0x900] =	vst v63  }
0xd4: {  	_ =	swait.ge [sflag:s3], $0x400  }
0xd5: {  	[sflag:s3] =	ssyncset.done $0x0  }
0xd6: {  	[sflag:s3] =	ssyncadd.s32 $0xFFFFFC00  }
0xd7: {  	[tilespmem:s6], [sflag:$0x1] =	stream.indirect.gather [hbm4b:s4+s5], $0x4, s8, s5, $0xb8;
	[tilespmem:$0x900] =	vst v63  }
0xd8: {  	_ =	swait.ge [sflag:s7], $0x200  }
0xd9: {  	[sflag:s7] =	ssyncset.done $0x0  }
0xda: {  	s23 =	sadd.s32 s0, s23;
	[sflag:s7] =	ssyncadd.s32 $0xFFFFFE00  }
0xdb: {  	[hbm4b:s23+s2] =	stream.linear.scatter [tilespmem:s6], [sflag:$0x2], $0x400, $0x38;
	[tilespmem:$0x900] =	vst v63  }
0xdc: {  	_ =	swait.ge [sflag:s3], $0x400  }
0xdd: {  	[sflag:s3] =	ssyncset.done $0x0  }
0xde: {  	[sflag:s3] =	ssyncadd.s32 $0xFFFFFC00  }
0xdf: {  	[tilespmem:s6], [sflag:$0x1] =	stream.indirect.gather [hbm4b:s4+s5], $0x4, s9, s5, $0xb8;
	[tilespmem:$0x900] =	vst v63  }
0xe0: {  	_ =	swait.ge [sflag:s7], $0x200  }
0xe1: {  	[sflag:s7] =	ssyncset.done $0x0  }
0xe2: {  	s24 =	sadd.s32 s0, s24;
	[sflag:s7] =	ssyncadd.s32 $0xFFFFFE00  }
0xe3: {  	[hbm4b:s24+s2] =	stream.linear.scatter [tilespmem:s6], [sflag:$0x2], $0x400, $0x38;
	[tilespmem:$0x900] =	vst v63  }
0xe4: {  	_ =	swait.ge [sflag:s3], $0x400  }
0xe5: {  	[sflag:s3] =	ssyncset.done $0x0  }
0xe6: {  	[sflag:s3] =	ssyncadd.s32 $0xFFFFFC00  }
0xe7: {  	[tilespmem:s6], [sflag:$0x1] =	stream.indirect.gather [hbm4b:s4+s5], $0x4, s10, s5, $0xb8;
	[tilespmem:$0x900] =	vst v63  }
0xe8: {  	_ =	swait.ge [sflag:s7], $0x200  }
0xe9: {  	[sflag:s7] =	ssyncset.done $0x0  }
0xea: {  	s25 =	sadd.s32 s0, s25;
	[sflag:s7] =	ssyncadd.s32 $0xFFFFFE00  }
0xeb: {  	[hbm4b:s25+s2] =	stream.linear.scatter [tilespmem:s6], [sflag:$0x2], $0x400, $0x38;
	[tilespmem:$0x900] =	vst v63  }
0xec: {  	_ =	swait.ge [sflag:s3], $0x400  }
0xed: {  	[sflag:s3] =	ssyncset.done $0x0  }
0xee: {  	[sflag:s3] =	ssyncadd.s32 $0xFFFFFC00  }
0xef: {  	[tilespmem:s6], [sflag:$0x1] =	stream.indirect.gather [hbm4b:s4+s5], $0x4, s11, s5, $0xb8;
	[tilespmem:$0x900] =	vst v63  }
0xf0: {  	_ =	swait.ge [sflag:s7], $0x200  }
0xf1: {  	[sflag:s7] =	ssyncset.done $0x0  }
0xf2: {  	s26 =	sadd.s32 s0, s26;
	[sflag:s7] =	ssyncadd.s32 $0xFFFFFE00  }
0xf3: {  	[hbm4b:s26+s2] =	stream.linear.scatter [tilespmem:s6], [sflag:$0x2], $0x400, $0x38;
	[tilespmem:$0x900] =	vst v63  }
0xf4: {  	_ =	swait.ge [sflag:s3], $0x400  }
0xf5: {  	[sflag:s3] =	ssyncset.done $0x0  }
0xf6: {  	[sflag:s3] =	ssyncadd.s32 $0xFFFFFC00  }
0xf7: {  	[tilespmem:s6], [sflag:$0x1] =	stream.indirect.gather [hbm4b:s4+s5], $0x4, s12, s5, $0xb8;
	[tilespmem:$0x900] =	vst v63  }
0xf8: {  	_ =	swait.ge [sflag:s7], $0x200  }
0xf9: {  	[sflag:s7] =	ssyncset.done $0x0  }
0xfa: {  	s28 =	sadd.s32 s0, s28;
	[sflag:s7] =	ssyncadd.s32 $0xFFFFFE00  }
0xfb: {  	[hbm4b:s28+s2] =	stream.linear.scatter [tilespmem:s6], [sflag:$0x2], $0x400, $0x38;
	[tilespmem:$0x900] =	vst v63  }
0xfc: {  	_ =	swait.ge [sflag:s3], $0x400  }
0xfd: {  	[sflag:s3] =	ssyncset.done $0x0  }
0xfe: {  	[sflag:s3] =	ssyncadd.s32 $0xFFFFFC00  }
0xff: {  	[tilespmem:s6], [sflag:$0x1] =	stream.indirect.gather [hbm4b:s4+s5], $0x4, s13, s5, $0xb8;
	[tilespmem:$0x900] =	vst v63  }
0x100: {  	_ =	swait.ge [sflag:s7], $0x200  }
0x101: {  	[sflag:s7] =	ssyncset.done $0x0  }
0x102: {  	s29 =	sadd.s32 s0, s29;
	[sflag:s7] =	ssyncadd.s32 $0xFFFFFE00  }
0x103: {  	[hbm4b:s29+s2] =	stream.linear.scatter [tilespmem:s6], [sflag:$0x2], $0x400, $0x38;
	[tilespmem:$0x900] =	vst v63  }
0x104: {  	_ =	swait.ge [sflag:s3], $0x400  }
0x105: {  	[sflag:s3] =	ssyncset.done $0x0  }
0x106: {  	[sflag:s3] =	ssyncadd.s32 $0xFFFFFC00  }
0x107: {  	[tilespmem:s6], [sflag:$0x1] =	stream.indirect.gather [hbm4b:s4+s5], $0x4, s14, s5, $0xb8;
	[tilespmem:$0x900] =	vst v63  }
0x108: {  	_ =	swait.ge [sflag:s7], $0x200  }
0x109: {  	[sflag:s7] =	ssyncset.done $0x0  }
0x10a: {  	s30 =	sadd.s32 s0, s30;
	[sflag:s7] =	ssyncadd.s32 $0xFFFFFE00  }
0x10b: {  	[hbm4b:s30+s2] =	stream.linear.scatter [tilespmem:s6], [sflag:$0x2], $0x400, $0x38;
	[tilespmem:$0x900] =	vst v63  }
0x10c: {  	_ =	swait.ge [sflag:s3], $0x400  }
0x10d: {  	[sflag:s3] =	ssyncset.done $0x0;
	s1 =	rddreg [dreg:$0x14]  }
0x10e: {  	s1 =	ssub.s32 $0x2, s1;
	[sflag:s3] =	ssyncadd.s32 $0xFFFFFC00  }
0x10f: {  	[tilespmem:s6], [sflag:$0x1] =	stream.indirect.gather [hbm4b:s4+s5], $0x4, s15, s5, $0xb8;
	[tilespmem:$0x900] =	vst v63  }
0x110: {  	s31 =	sshrl.u32 s1, $0x1  }
0x111: {  	s1 =	ssub.s32 s1, s31  }
0x112: {  	s1 =	smax.u32 s1, $0x1  }
0x113: {  	p0 =	sne.s32 s1, $0x1  }
.Ltmp0:
0x114: {  	_ =	swait.ge [sflag:s7], $0x200;
	(pc) =	sbr.rel @!p0 .LBB2_2-.Ltmp0, $4  }
0x115: {  	[sflag:s7] =	ssyncset.done $0x0;
	s31 =	rddreg [dreg:$0x15]  }
0x116: {  	s31 =	sadd.s32 s0, s31;
	[sflag:s7] =	ssyncadd.s32 $0xFFFFFE00  }
0x117: {  	[hbm4b:s31+s2] =	stream.linear.scatter [tilespmem:s6], [sflag:$0x2], $0x400, $0x38;
	[tilespmem:$0x900] =	vst v63  }
0x118: {  	s1 =	sadd.s32 $0xFFFFFFFF, s1;
	_ =	swait.ge [sflag:s3], $0x400  }
.LBB2_1:
0x119: {  	[sflag:s3] =	ssyncset.done $0x0  }
0x11a: {  	s0 =	rddreg [dreg:$0x2];
	[sflag:s3] =	ssyncadd.s32 $0xFFFFFC00  }
0x11b: {  	[tilespmem:s2], [sflag:$0x2] =	stream.linear.gather [hbm4b:s0+s2], $0x500, $0x38;
	[tilespmem:$0x900] =	vst v63  }
0x11c: {  	_ =	swait.ge [sflag:s3], $0x500  }
0x11d: {  	[sflag:s3] =	ssyncset.done $0x0  }
0x11e: {  	[sflag:s3] =	ssyncadd.s32 $0xFFFFFB00  }
0x11f: {  	[tilespmem:s6], [sflag:$0x1] =	stream.indirect.gather [hbm4b:s4+s5], $0x4, s2, s5, $0xb8;
	[tilespmem:$0x900] =	vst v63  }
0x120: {  	_ =	swait.ge [sflag:s7], $0x200  }
0x121: {  	[sflag:s7] =	ssyncset.done $0x0  }
0x122: {  	s0 =	rddreg [dreg:$0x3];
	[sflag:s7] =	ssyncadd.s32 $0xFFFFFE00  }
0x123: {  	[hbm4b:s0+s2] =	stream.linear.scatter [tilespmem:s6], [sflag:$0x2], $0x400, $0x38;
	[tilespmem:$0x900] =	vst v63  }
0x124: {  	_ =	swait.ge [sflag:s3], $0x400  }
0x125: {  	[sflag:s3] =	ssyncset.done $0x0  }
0x126: {  	[sflag:s3] =	ssyncadd.s32 $0xFFFFFC00  }
0x127: {  	[tilespmem:s6], [sflag:$0x1] =	stream.indirect.gather [hbm4b:s4+s5], $0x4, s5, s5, $0xb8;
	[tilespmem:$0x900] =	vst v63  }
0x128: {  	_ =	swait.ge [sflag:s7], $0x200  }
0x129: {  	[sflag:s7] =	ssyncset.done $0x0  }
0x12a: {  	s0 =	rddreg [dreg:$0x4];
	[sflag:s7] =	ssyncadd.s32 $0xFFFFFE00  }
0x12b: {  	[hbm4b:s0+s2] =	stream.linear.scatter [tilespmem:s6], [sflag:$0x2], $0x400, $0x38;
	[tilespmem:$0x900] =	vst v63  }
0x12c: {  	_ =	swait.ge [sflag:s3], $0x400  }
0x12d: {  	[sflag:s3] =	ssyncset.done $0x0  }
0x12e: {  	[sflag:s3] =	ssyncadd.s32 $0xFFFFFC00  }
0x12f: {  	[tilespmem:s6], [sflag:$0x1] =	stream.indirect.gather [hbm4b:s4+s5], $0x4, s8, s5, $0xb8;
	[tilespmem:$0x900] =	vst v63  }
0x130: {  	_ =	swait.ge [sflag:s7], $0x200  }
0x131: {  	[sflag:s7] =	ssyncset.done $0x0  }
0x132: {  	s0 =	rddreg [dreg:$0x5];
	[sflag:s7] =	ssyncadd.s32 $0xFFFFFE00  }
0x133: {  	[hbm4b:s0+s2] =	stream.linear.scatter [tilespmem:s6], [sflag:$0x2], $0x400, $0x38;
	[tilespmem:$0x900] =	vst v63  }
0x134: {  	_ =	swait.ge [sflag:s3], $0x400  }
0x135: {  	[sflag:s3] =	ssyncset.done $0x0  }
0x136: {  	[sflag:s3] =	ssyncadd.s32 $0xFFFFFC00  }
0x137: {  	[tilespmem:s6], [sflag:$0x1] =	stream.indirect.gather [hbm4b:s4+s5], $0x4, s9, s5, $0xb8;
	[tilespmem:$0x900] =	vst v63  }
0x138: {  	_ =	swait.ge [sflag:s7], $0x200  }
0x139: {  	[sflag:s7] =	ssyncset.done $0x0  }
0x13a: {  	s0 =	rddreg [dreg:$0x6];
	[sflag:s7] =	ssyncadd.s32 $0xFFFFFE00  }
0x13b: {  	[hbm4b:s0+s2] =	stream.linear.scatter [tilespmem:s6], [sflag:$0x2], $0x400, $0x38;
	[tilespmem:$0x900] =	vst v63  }
0x13c: {  	_ =	swait.ge [sflag:s3], $0x400  }
0x13d: {  	[sflag:s3] =	ssyncset.done $0x0  }
0x13e: {  	[sflag:s3] =	ssyncadd.s32 $0xFFFFFC00  }
0x13f: {  	[tilespmem:s6], [sflag:$0x1] =	stream.indirect.gather [hbm4b:s4+s5], $0x4, s10, s5, $0xb8;
	[tilespmem:$0x900] =	vst v63  }
0x140: {  	_ =	swait.ge [sflag:s7], $0x200  }
0x141: {  	[sflag:s7] =	ssyncset.done $0x0  }
0x142: {  	s0 =	rddreg [dreg:$0x7];
	[sflag:s7] =	ssyncadd.s32 $0xFFFFFE00  }
0x143: {  	[hbm4b:s0+s2] =	stream.linear.scatter [tilespmem:s6], [sflag:$0x2], $0x400, $0x38;
	[tilespmem:$0x900] =	vst v63  }
0x144: {  	_ =	swait.ge [sflag:s3], $0x400  }
0x145: {  	[sflag:s3] =	ssyncset.done $0x0  }
0x146: {  	[sflag:s3] =	ssyncadd.s32 $0xFFFFFC00  }
0x147: {  	[tilespmem:s6], [sflag:$0x1] =	stream.indirect.gather [hbm4b:s4+s5], $0x4, s11, s5, $0xb8;
	[tilespmem:$0x900] =	vst v63  }
0x148: {  	_ =	swait.ge [sflag:s7], $0x200  }
0x149: {  	[sflag:s7] =	ssyncset.done $0x0  }
0x14a: {  	s0 =	rddreg [dreg:$0x8];
	[sflag:s7] =	ssyncadd.s32 $0xFFFFFE00  }
0x14b: {  	[hbm4b:s0+s2] =	stream.linear.scatter [tilespmem:s6], [sflag:$0x2], $0x400, $0x38;
	[tilespmem:$0x900] =	vst v63  }
0x14c: {  	_ =	swait.ge [sflag:s3], $0x400  }
0x14d: {  	[sflag:s3] =	ssyncset.done $0x0  }
0x14e: {  	[sflag:s3] =	ssyncadd.s32 $0xFFFFFC00  }
0x14f: {  	[tilespmem:s6], [sflag:$0x1] =	stream.indirect.gather [hbm4b:s4+s5], $0x4, s12, s5, $0xb8;
	[tilespmem:$0x900] =	vst v63  }
0x150: {  	_ =	swait.ge [sflag:s7], $0x200  }
0x151: {  	[sflag:s7] =	ssyncset.done $0x0  }
0x152: {  	s0 =	rddreg [dreg:$0x9];
	[sflag:s7] =	ssyncadd.s32 $0xFFFFFE00  }
0x153: {  	[hbm4b:s0+s2] =	stream.linear.scatter [tilespmem:s6], [sflag:$0x2], $0x400, $0x38;
	[tilespmem:$0x900] =	vst v63  }
0x154: {  	_ =	swait.ge [sflag:s3], $0x400  }
0x155: {  	[sflag:s3] =	ssyncset.done $0x0  }
0x156: {  	[sflag:s3] =	ssyncadd.s32 $0xFFFFFC00  }
0x157: {  	[tilespmem:s6], [sflag:$0x1] =	stream.indirect.gather [hbm4b:s4+s5], $0x4, s13, s5, $0xb8;
	[tilespmem:$0x900] =	vst v63  }
0x158: {  	_ =	swait.ge [sflag:s7], $0x200  }
0x159: {  	[sflag:s7] =	ssyncset.done $0x0  }
0x15a: {  	s0 =	rddreg [dreg:$0xa];
	[sflag:s7] =	ssyncadd.s32 $0xFFFFFE00  }
0x15b: {  	[hbm4b:s0+s2] =	stream.linear.scatter [tilespmem:s6], [sflag:$0x2], $0x400, $0x38;
	[tilespmem:$0x900] =	vst v63  }
0x15c: {  	_ =	swait.ge [sflag:s3], $0x400  }
0x15d: {  	[sflag:s3] =	ssyncset.done $0x0  }
0x15e: {  	[sflag:s3] =	ssyncadd.s32 $0xFFFFFC00  }
0x15f: {  	[tilespmem:s6], [sflag:$0x1] =	stream.indirect.gather [hbm4b:s4+s5], $0x4, s14, s5, $0xb8;
	[tilespmem:$0x900] =	vst v63  }
0x160: {  	_ =	swait.ge [sflag:s7], $0x200  }
0x161: {  	[sflag:s7] =	ssyncset.done $0x0  }
0x162: {  	s0 =	rddreg [dreg:$0xb];
	[sflag:s7] =	ssyncadd.s32 $0xFFFFFE00  }
0x163: {  	[hbm4b:s0+s2] =	stream.linear.scatter [tilespmem:s6], [sflag:$0x2], $0x400, $0x38;
	[tilespmem:$0x900] =	vst v63  }
0x164: {  	_ =	swait.ge [sflag:s3], $0x400  }
0x165: {  	[sflag:s3] =	ssyncset.done $0x0  }
0x166: {  	[sflag:s3] =	ssyncadd.s32 $0xFFFFFC00  }
0x167: {  	[tilespmem:s6], [sflag:$0x1] =	stream.indirect.gather [hbm4b:s4+s5], $0x4, s15, s5, $0xb8;
	[tilespmem:$0x900] =	vst v63  }
0x168: {  	_ =	swait.ge [sflag:s7], $0x200  }
0x169: {  	[sflag:s7] =	ssyncset.done $0x0  }
0x16a: {  	s0 =	rddreg [dreg:$0xc];
	[sflag:s7] =	ssyncadd.s32 $0xFFFFFE00  }
0x16b: {  	[hbm4b:s0+s2] =	stream.linear.scatter [tilespmem:s6], [sflag:$0x2], $0x400, $0x38;
	[tilespmem:$0x900] =	vst v63  }
0x16c: {  	_ =	swait.ge [sflag:s3], $0x400  }
0x16d: {  	[sflag:s3] =	ssyncset.done $0x0  }
0x16e: {  	s0 =	rddreg [dreg:$0xd];
	[sflag:s3] =	ssyncadd.s32 $0xFFFFFC00  }
0x16f: {  	[tilespmem:s2], [sflag:$0x2] =	stream.linear.gather [hbm4b:s0+s2], $0x500, $0x38;
	[tilespmem:$0x900] =	vst v63  }
0x170: {  	_ =	swait.ge [sflag:s3], $0x500  }
0x171: {  	[sflag:s3] =	ssyncset.done $0x0  }
0x172: {  	[sflag:s3] =	ssyncadd.s32 $0xFFFFFB00  }
0x173: {  	[tilespmem:s6], [sflag:$0x1] =	stream.indirect.gather [hbm4b:s4+s5], $0x4, s2, s5, $0xb8;
	[tilespmem:$0x900] =	vst v63  }
0x174: {  	_ =	swait.ge [sflag:s7], $0x200  }
0x175: {  	[sflag:s7] =	ssyncset.done $0x0  }
0x176: {  	s0 =	rddreg [dreg:$0xe];
	[sflag:s7] =	ssyncadd.s32 $0xFFFFFE00  }
0x177: {  	[hbm4b:s0+s2] =	stream.linear.scatter [tilespmem:s6], [sflag:$0x2], $0x400, $0x38;
	[tilespmem:$0x900] =	vst v63  }
0x178: {  	_ =	swait.ge [sflag:s3], $0x400  }
0x179: {  	[sflag:s3] =	ssyncset.done $0x0  }
0x17a: {  	[sflag:s3] =	ssyncadd.s32 $0xFFFFFC00  }
0x17b: {  	[tilespmem:s6], [sflag:$0x1] =	stream.indirect.gather [hbm4b:s4+s5], $0x4, s5, s5, $0xb8;
	[tilespmem:$0x900] =	vst v63  }
0x17c: {  	_ =	swait.ge [sflag:s7], $0x200  }
0x17d: {  	[sflag:s7] =	ssyncset.done $0x0  }
0x17e: {  	s0 =	rddreg [dreg:$0xf];
	[sflag:s7] =	ssyncadd.s32 $0xFFFFFE00  }
0x17f: {  	[hbm4b:s0+s2] =	stream.linear.scatter [tilespmem:s6], [sflag:$0x2], $0x400, $0x38;
	[tilespmem:$0x900] =	vst v63  }
0x180: {  	_ =	swait.ge [sflag:s3], $0x400  }
0x181: {  	[sflag:s3] =	ssyncset.done $0x0  }
0x182: {  	[sflag:s3] =	ssyncadd.s32 $0xFFFFFC00  }
0x183: {  	[tilespmem:s6], [sflag:$0x1] =	stream.indirect.gather [hbm4b:s4+s5], $0x4, s8, s5, $0xb8;
	[tilespmem:$0x900] =	vst v63  }
0x184: {  	_ =	swait.ge [sflag:s7], $0x200  }
0x185: {  	[sflag:s7] =	ssyncset.done $0x0  }
0x186: {  	s0 =	rddreg [dreg:$0x10];
	[sflag:s7] =	ssyncadd.s32 $0xFFFFFE00  }
0x187: {  	[hbm4b:s0+s2] =	stream.linear.scatter [tilespmem:s6], [sflag:$0x2], $0x400, $0x38;
	[tilespmem:$0x900] =	vst v63  }
0x188: {  	_ =	swait.ge [sflag:s3], $0x400  }
0x189: {  	[sflag:s3] =	ssyncset.done $0x0  }
0x18a: {  	[sflag:s3] =	ssyncadd.s32 $0xFFFFFC00  }
0x18b: {  	[tilespmem:s6], [sflag:$0x1] =	stream.indirect.gather [hbm4b:s4+s5], $0x4, s9, s5, $0xb8;
	[tilespmem:$0x900] =	vst v63  }
0x18c: {  	_ =	swait.ge [sflag:s7], $0x200  }
0x18d: {  	[sflag:s7] =	ssyncset.done $0x0  }
0x18e: {  	s0 =	rddreg [dreg:$0x11];
	[sflag:s7] =	ssyncadd.s32 $0xFFFFFE00  }
0x18f: {  	[hbm4b:s0+s2] =	stream.linear.scatter [tilespmem:s6], [sflag:$0x2], $0x400, $0x38;
	[tilespmem:$0x900] =	vst v63  }
0x190: {  	_ =	swait.ge [sflag:s3], $0x400  }
0x191: {  	[sflag:s3] =	ssyncset.done $0x0  }
0x192: {  	[sflag:s3] =	ssyncadd.s32 $0xFFFFFC00  }
0x193: {  	[tilespmem:s6], [sflag:$0x1] =	stream.indirect.gather [hbm4b:s4+s5], $0x4, s10, s5, $0xb8;
	[tilespmem:$0x900] =	vst v63  }
0x194: {  	_ =	swait.ge [sflag:s7], $0x200  }
0x195: {  	[sflag:s7] =	ssyncset.done $0x0  }
0x196: {  	s0 =	rddreg [dreg:$0x12];
	[sflag:s7] =	ssyncadd.s32 $0xFFFFFE00  }
0x197: {  	[hbm4b:s0+s2] =	stream.linear.scatter [tilespmem:s6], [sflag:$0x2], $0x400, $0x38;
	[tilespmem:$0x900] =	vst v63  }
0x198: {  	_ =	swait.ge [sflag:s3], $0x400  }
0x199: {  	[sflag:s3] =	ssyncset.done $0x0  }
0x19a: {  	[sflag:s3] =	ssyncadd.s32 $0xFFFFFC00  }
0x19b: {  	[tilespmem:s6], [sflag:$0x1] =	stream.indirect.gather [hbm4b:s4+s5], $0x4, s11, s5, $0xb8;
	[tilespmem:$0x900] =	vst v63  }
0x19c: {  	_ =	swait.ge [sflag:s7], $0x200  }
0x19d: {  	[sflag:s7] =	ssyncset.done $0x0  }
0x19e: {  	s0 =	rddreg [dreg:$0x13];
	[sflag:s7] =	ssyncadd.s32 $0xFFFFFE00  }
0x19f: {  	[hbm4b:s0+s2] =	stream.linear.scatter [tilespmem:s6], [sflag:$0x2], $0x400, $0x38;
	[tilespmem:$0x900] =	vst v63  }
0x1a0: {  	_ =	swait.ge [sflag:s3], $0x400  }
0x1a1: {  	[sflag:s3] =	ssyncset.done $0x0  }
0x1a2: {  	[sflag:s3] =	ssyncadd.s32 $0xFFFFFC00  }
0x1a3: {  	[tilespmem:s6], [sflag:$0x1] =	stream.indirect.gather [hbm4b:s4+s5], $0x4, s12, s5, $0xb8;
	[tilespmem:$0x900] =	vst v63  }
0x1a4: {  	_ =	swait.ge [sflag:s7], $0x200  }
0x1a5: {  	[sflag:s7] =	ssyncset.done $0x0  }
0x1a6: {  	[sflag:s7] =	ssyncadd.s32 $0xFFFFFE00  }
0x1a7: {  	[hbm4b:s16+s2] =	stream.linear.scatter [tilespmem:s6], [sflag:$0x2], $0x400, $0x38;
	[tilespmem:$0x900] =	vst v63  }
0x1a8: {  	_ =	swait.ge [sflag:s3], $0x400  }
0x1a9: {  	[sflag:s3] =	ssyncset.done $0x0  }
0x1aa: {  	[sflag:s3] =	ssyncadd.s32 $0xFFFFFC00  }
0x1ab: {  	[tilespmem:s6], [sflag:$0x1] =	stream.indirect.gather [hbm4b:s4+s5], $0x4, s13, s5, $0xb8;
	[tilespmem:$0x900] =	vst v63  }
0x1ac: {  	_ =	swait.ge [sflag:s7], $0x200  }
0x1ad: {  	[sflag:s7] =	ssyncset.done $0x0  }
0x1ae: {  	[sflag:s7] =	ssyncadd.s32 $0xFFFFFE00  }
0x1af: {  	[hbm4b:s17+s2] =	stream.linear.scatter [tilespmem:s6], [sflag:$0x2], $0x400, $0x38;
	[tilespmem:$0x900] =	vst v63  }
0x1b0: {  	_ =	swait.ge [sflag:s3], $0x400  }
0x1b1: {  	[sflag:s3] =	ssyncset.done $0x0  }
0x1b2: {  	[sflag:s3] =	ssyncadd.s32 $0xFFFFFC00  }
0x1b3: {  	[tilespmem:s6], [sflag:$0x1] =	stream.indirect.gather [hbm4b:s4+s5], $0x4, s14, s5, $0xb8;
	[tilespmem:$0x900] =	vst v63  }
0x1b4: {  	_ =	swait.ge [sflag:s7], $0x200  }
0x1b5: {  	[sflag:s7] =	ssyncset.done $0x0  }
0x1b6: {  	[sflag:s7] =	ssyncadd.s32 $0xFFFFFE00  }
0x1b7: {  	[hbm4b:s18+s2] =	stream.linear.scatter [tilespmem:s6], [sflag:$0x2], $0x400, $0x38;
	[tilespmem:$0x900] =	vst v63  }
0x1b8: {  	_ =	swait.ge [sflag:s3], $0x400  }
0x1b9: {  	[sflag:s3] =	ssyncset.done $0x0  }
0x1ba: {  	[sflag:s3] =	ssyncadd.s32 $0xFFFFFC00  }
0x1bb: {  	[tilespmem:s6], [sflag:$0x1] =	stream.indirect.gather [hbm4b:s4+s5], $0x4, s15, s5, $0xb8;
	[tilespmem:$0x900] =	vst v63  }
0x1bc: {  	_ =	swait.ge [sflag:s7], $0x200  }
0x1bd: {  	[sflag:s7] =	ssyncset.done $0x0  }
0x1be: {  	[sflag:s7] =	ssyncadd.s32 $0xFFFFFE00  }
0x1bf: {  	[hbm4b:s19+s2] =	stream.linear.scatter [tilespmem:s6], [sflag:$0x2], $0x400, $0x38;
	[tilespmem:$0x900] =	vst v63  }
0x1c0: {  	_ =	swait.ge [sflag:s3], $0x400  }
0x1c1: {  	[sflag:s3] =	ssyncset.done $0x0  }
0x1c2: {  	[sflag:s3] =	ssyncadd.s32 $0xFFFFFC00  }
0x1c3: {  	[tilespmem:s2], [sflag:$0x2] =	stream.linear.gather [hbm4b:s20+s2], $0x500, $0x38;
	[tilespmem:$0x900] =	vst v63  }
0x1c4: {  	_ =	swait.ge [sflag:s3], $0x500  }
0x1c5: {  	[sflag:s3] =	ssyncset.done $0x0  }
0x1c6: {  	[sflag:s3] =	ssyncadd.s32 $0xFFFFFB00  }
0x1c7: {  	[tilespmem:s6], [sflag:$0x1] =	stream.indirect.gather [hbm4b:s4+s5], $0x4, s2, s5, $0xb8;
	[tilespmem:$0x900] =	vst v63  }
0x1c8: {  	_ =	swait.ge [sflag:s7], $0x200  }
0x1c9: {  	[sflag:s7] =	ssyncset.done $0x0  }
0x1ca: {  	[sflag:s7] =	ssyncadd.s32 $0xFFFFFE00  }
0x1cb: {  	[hbm4b:s21+s2] =	stream.linear.scatter [tilespmem:s6], [sflag:$0x2], $0x400, $0x38;
	[tilespmem:$0x900] =	vst v63  }
0x1cc: {  	_ =	swait.ge [sflag:s3], $0x400  }
0x1cd: {  	[sflag:s3] =	ssyncset.done $0x0  }
0x1ce: {  	[sflag:s3] =	ssyncadd.s32 $0xFFFFFC00  }
0x1cf: {  	[tilespmem:s6], [sflag:$0x1] =	stream.indirect.gather [hbm4b:s4+s5], $0x4, s5, s5, $0xb8;
	[tilespmem:$0x900] =	vst v63  }
0x1d0: {  	_ =	swait.ge [sflag:s7], $0x200  }
0x1d1: {  	[sflag:s7] =	ssyncset.done $0x0  }
0x1d2: {  	[sflag:s7] =	ssyncadd.s32 $0xFFFFFE00  }
0x1d3: {  	[hbm4b:s22+s2] =	stream.linear.scatter [tilespmem:s6], [sflag:$0x2], $0x400, $0x38;
	[tilespmem:$0x900] =	vst v63  }
0x1d4: {  	_ =	swait.ge [sflag:s3], $0x400  }
0x1d5: {  	[sflag:s3] =	ssyncset.done $0x0  }
0x1d6: {  	[sflag:s3] =	ssyncadd.s32 $0xFFFFFC00  }
0x1d7: {  	[tilespmem:s6], [sflag:$0x1] =	stream.indirect.gather [hbm4b:s4+s5], $0x4, s8, s5, $0xb8;
	[tilespmem:$0x900] =	vst v63  }
0x1d8: {  	_ =	swait.ge [sflag:s7], $0x200  }
0x1d9: {  	[sflag:s7] =	ssyncset.done $0x0  }
0x1da: {  	[sflag:s7] =	ssyncadd.s32 $0xFFFFFE00  }
0x1db: {  	[hbm4b:s23+s2] =	stream.linear.scatter [tilespmem:s6], [sflag:$0x2], $0x400, $0x38;
	[tilespmem:$0x900] =	vst v63  }
0x1dc: {  	_ =	swait.ge [sflag:s3], $0x400  }
0x1dd: {  	[sflag:s3] =	ssyncset.done $0x0  }
0x1de: {  	[sflag:s3] =	ssyncadd.s32 $0xFFFFFC00  }
0x1df: {  	[tilespmem:s6], [sflag:$0x1] =	stream.indirect.gather [hbm4b:s4+s5], $0x4, s9, s5, $0xb8;
	[tilespmem:$0x900] =	vst v63  }
0x1e0: {  	_ =	swait.ge [sflag:s7], $0x200  }
0x1e1: {  	[sflag:s7] =	ssyncset.done $0x0  }
0x1e2: {  	[sflag:s7] =	ssyncadd.s32 $0xFFFFFE00  }
0x1e3: {  	[hbm4b:s24+s2] =	stream.linear.scatter [tilespmem:s6], [sflag:$0x2], $0x400, $0x38;
	[tilespmem:$0x900] =	vst v63  }
0x1e4: {  	_ =	swait.ge [sflag:s3], $0x400  }
0x1e5: {  	[sflag:s3] =	ssyncset.done $0x0  }
0x1e6: {  	[sflag:s3] =	ssyncadd.s32 $0xFFFFFC00  }
0x1e7: {  	[tilespmem:s6], [sflag:$0x1] =	stream.indirect.gather [hbm4b:s4+s5], $0x4, s10, s5, $0xb8;
	[tilespmem:$0x900] =	vst v63  }
0x1e8: {  	_ =	swait.ge [sflag:s7], $0x200  }
0x1e9: {  	[sflag:s7] =	ssyncset.done $0x0  }
0x1ea: {  	[sflag:s7] =	ssyncadd.s32 $0xFFFFFE00  }
0x1eb: {  	[hbm4b:s25+s2] =	stream.linear.scatter [tilespmem:s6], [sflag:$0x2], $0x400, $0x38;
	[tilespmem:$0x900] =	vst v63  }
0x1ec: {  	_ =	swait.ge [sflag:s3], $0x400  }
0x1ed: {  	[sflag:s3] =	ssyncset.done $0x0  }
0x1ee: {  	[sflag:s3] =	ssyncadd.s32 $0xFFFFFC00  }
0x1ef: {  	[tilespmem:s6], [sflag:$0x1] =	stream.indirect.gather [hbm4b:s4+s5], $0x4, s11, s5, $0xb8;
	[tilespmem:$0x900] =	vst v63  }
0x1f0: {  	_ =	swait.ge [sflag:s7], $0x200  }
0x1f1: {  	[sflag:s7] =	ssyncset.done $0x0  }
0x1f2: {  	[sflag:s7] =	ssyncadd.s32 $0xFFFFFE00  }
0x1f3: {  	[hbm4b:s26+s2] =	stream.linear.scatter [tilespmem:s6], [sflag:$0x2], $0x400, $0x38;
	[tilespmem:$0x900] =	vst v63  }
0x1f4: {  	_ =	swait.ge [sflag:s3], $0x400  }
0x1f5: {  	[sflag:s3] =	ssyncset.done $0x0  }
0x1f6: {  	[sflag:s3] =	ssyncadd.s32 $0xFFFFFC00  }
0x1f7: {  	[tilespmem:s6], [sflag:$0x1] =	stream.indirect.gather [hbm4b:s4+s5], $0x4, s12, s5, $0xb8;
	[tilespmem:$0x900] =	vst v63  }
0x1f8: {  	_ =	swait.ge [sflag:s7], $0x200  }
0x1f9: {  	[sflag:s7] =	ssyncset.done $0x0  }
0x1fa: {  	[sflag:s7] =	ssyncadd.s32 $0xFFFFFE00  }
0x1fb: {  	[hbm4b:s28+s2] =	stream.linear.scatter [tilespmem:s6], [sflag:$0x2], $0x400, $0x38;
	[tilespmem:$0x900] =	vst v63  }
0x1fc: {  	_ =	swait.ge [sflag:s3], $0x400  }
0x1fd: {  	[sflag:s3] =	ssyncset.done $0x0  }
0x1fe: {  	[sflag:s3] =	ssyncadd.s32 $0xFFFFFC00  }
0x1ff: {  	[tilespmem:s6], [sflag:$0x1] =	stream.indirect.gather [hbm4b:s4+s5], $0x4, s13, s5, $0xb8;
	[tilespmem:$0x900] =	vst v63  }
0x200: {  	_ =	swait.ge [sflag:s7], $0x200  }
0x201: {  	[sflag:s7] =	ssyncset.done $0x0  }
0x202: {  	[sflag:s7] =	ssyncadd.s32 $0xFFFFFE00  }
0x203: {  	[hbm4b:s29+s2] =	stream.linear.scatter [tilespmem:s6], [sflag:$0x2], $0x400, $0x38;
	[tilespmem:$0x900] =	vst v63  }
0x204: {  	_ =	swait.ge [sflag:s3], $0x400  }
0x205: {  	[sflag:s3] =	ssyncset.done $0x0  }
0x206: {  	[sflag:s3] =	ssyncadd.s32 $0xFFFFFC00  }
0x207: {  	[tilespmem:s6], [sflag:$0x1] =	stream.indirect.gather [hbm4b:s4+s5], $0x4, s14, s5, $0xb8;
	[tilespmem:$0x900] =	vst v63  }
0x208: {  	_ =	swait.ge [sflag:s7], $0x200  }
0x209: {  	[sflag:s7] =	ssyncset.done $0x0  }
0x20a: {  	[sflag:s7] =	ssyncadd.s32 $0xFFFFFE00  }
0x20b: {  	[hbm4b:s30+s2] =	stream.linear.scatter [tilespmem:s6], [sflag:$0x2], $0x400, $0x38;
	[tilespmem:$0x900] =	vst v63  }
0x20c: {  	_ =	swait.ge [sflag:s3], $0x400  }
0x20d: {  	[sflag:s3] =	ssyncset.done $0x0  }
0x20e: {  	p0 =	sne.s32 s1, $0x1;
	[sflag:s3] =	ssyncadd.s32 $0xFFFFFC00  }
0x20f: {  	[tilespmem:s6], [sflag:$0x1] =	stream.indirect.gather [hbm4b:s4+s5], $0x4, s15, s5, $0xb8;
	[tilespmem:$0x900] =	vst v63  }
.Ltmp1:
0x210: {  	_ =	swait.ge [sflag:s7], $0x200;
	(pc) =	sbr.rel @p0 .LBB2_1-.Ltmp1, $4  }
0x211: {  	[sflag:s7] =	ssyncset.done $0x0  }
0x212: {  	[sflag:s7] =	ssyncadd.s32 $0xFFFFFE00  }
0x213: {  	[hbm4b:s31+s2] =	stream.linear.scatter [tilespmem:s6], [sflag:$0x2], $0x400, $0x38;
	[tilespmem:$0x900] =	vst v63  }
0x214: {  	s1 =	sadd.s32 $0xFFFFFFFF, s1;
	_ =	swait.ge [sflag:s3], $0x400  }
.LBB2_2:
0x215: {  	[sflag:s3] =	ssyncset.done $0x0  }
0x216: {  	[sflag:s3] =	ssyncadd.s32 $0xFFFFFC00  }
0x217: {  	_ =	sfence.sel $0x180000  }
0x218: {  	[bflag:$0x0] =	sbarrier.arrive $0xFFFF  }
0x219: {  	_ =	strace $0x9000004D  }
0x21a: {  	s0 =	stileid.u32;
	[bflag:$0x2] =	sbarrier.arrive $0xFFFF  }
0x21b: {  	p0 =	sne.s32 s0, $0x0;
	s0 =	rddreg [dreg:$0x1]  }
0x21c: {  	s0 =	sadd.s32 @!p0 $0x100000, s0  }
0x21d: {  	[sflag:s0] =	ssyncadd.tile.s32 @!p0 $0x1;
	_ =	shalt  }
.Lfunc_end2:
_tile_overlayer_lowered:
.L_overlay_start_2:
0x21e: {  	(tag) =	ssettag $0x2  }
0x21f: {  	s0 =	rddreg [dreg:$0x0];
	s2 =	stileid.u32  }
0x220: {  	s1 =	rddreg [dreg:$0x1];
	p0 =	sne.s32 s2, $0x0  }
0x221: {  	s3 =	rddreg [dreg:$0x2];
	[bflag:$0x3] =	sbarrier.arrive $0xFFFF;
	s2 =	simm.s32 @!p0 $0x1C02  }
0x222: {  	[timem:s3], [sflag:s2] =	dma.local @!p0 [hbm:s0], s1  }
0x223: {  	s0 =	simm.s32 @!p0 $0x2  }
0x224: {  	_ =	swait.ge @!p0 [sflag:s0], s1  }
0x225: {  	s1 =	ssub.s32 @!p0 $0x0, s1;
	[sflag:s0] =	ssyncset.done @!p0 $0x0  }
0x226: {  	[sflag:s0] =	ssyncadd.s32 @!p0 s1  }
0x227: {  	[bflag:$0x3] =	sbarrier.arrive $0xFFFF  }
0x228: {  	_ =	shalt  }

</sc_bundles>
